<compile_context>
chip_gen: v7x
topology: tpu7x:2x2x1
jax: 0.10.2.dev20260603
libtpu: 0.0.44.dev20260713+nightly
codegen_flags: <defaults>
</compile_context>

<pallas_src>
import functools
import math

import jax
import jax.numpy as jnp
from jax import lax
from jax.experimental import pallas as pl
from jax.experimental.pallas import tpu as pltpu
from jax.experimental.pallas import tpu_sc as plsc

_EPS = 1e-5
_NGRAPH = 64
_K = 16



def _sc_gather(table, idx):
  M = idx.shape[0]
  C = table.shape[1]
  info = plsc.get_sparse_core_info()
  nc, ns = info.num_cores, info.num_subcores
  nw = nc * ns
  rows_per_w = M // nw
  ch = 128
  n_chunks = rows_per_w // ch
  mesh = plsc.VectorSubcoreMesh(core_axis_name="c", subcore_axis_name="s")

  @functools.partial(
      pl.kernel,
      out_type=jax.ShapeDtypeStruct((M, C), jnp.float32),
      mesh=mesh,
      scratch_types=[
          pltpu.VMEM((ch,), jnp.int32),
          pltpu.VMEM((ch, C), jnp.float32),
          pltpu.SemaphoreType.DMA,
      ],
      compiler_params=pltpu.CompilerParams(use_tc_tiling_on_sc=False),
  )
  def k(table_hbm, idx_hbm, out_hbm, idx_v, rows_v, sem):
    wid = lax.axis_index("s") * nc + lax.axis_index("c")
    base = wid * rows_per_w

    def body(i, carry):
      off = pl.multiple_of(base + i * ch, 8)
      pltpu.sync_copy(idx_hbm.at[pl.ds(off, ch)], idx_v)
      pltpu.async_copy(table_hbm.at[idx_v], rows_v, sem).wait()
      pltpu.sync_copy(rows_v, out_hbm.at[pl.ds(off, ch)])
      return carry

    lax.fori_loop(0, n_chunks, body, 0)

  return k(table, idx)



def _bn0_body(x_ref, g_ref, be_ref, o_ref):
  x = x_ref[...]
  m = jnp.mean(x, axis=0, keepdims=True)
  v = jnp.mean((x - m) * (x - m), axis=0, keepdims=True)
  o_ref[...] = (x - m) * lax.rsqrt(v + _EPS) * g_ref[...] + be_ref[...]


_KNN_CB = 512


def _knn_body(xb_ref, xt_ref, bc_ref, br_ref, idx_ref, curv_ref, curi_ref):
  curv_ref[...] = jnp.full(curv_ref.shape, jnp.inf, jnp.float32)
  curi_ref[...] = jnp.zeros(curi_ref.shape, jnp.int32)

  rt = bc_ref.shape[0]
  cb = _KNN_CB
  nblk = xt_ref.shape[1] // cb
  lo_r = bc_ref[0, 0]
  hi_r = bc_ref[rt - 1, 0]
  xb = xb_ref[...]
  x2r = jnp.sum(xb * xb, axis=1, keepdims=True)
  bc = bc_ref[...]

  def blk(j, carry):
    off = pl.multiple_of(j * cb, cb)
    br = br_ref[:, pl.ds(off, cb)]
    lo_c = br[0, 0]
    hi_c = br[0, cb - 1]
    act = jnp.logical_and(lo_c <= hi_r, hi_c >= lo_r)

    @pl.when(act)
    def _():
      xt = xt_ref[:, pl.ds(off, cb)]
      mm = jnp.dot(xb, xt, preferred_element_type=jnp.float32,
                   precision=lax.Precision.DEFAULT)
      x2c = jnp.sum(xt * xt, axis=0, keepdims=True)
      d = x2r + x2c - 2.0 * mm
      d = jnp.where(bc == br, d, jnp.inf)
      colg = lax.broadcasted_iota(jnp.int32, d.shape, 1) + off
      cat_v = jnp.concatenate([curv_ref[...], d], axis=1)
      cat_i = jnp.concatenate([curi_ref[...], colg], axis=1)
      pos = lax.broadcasted_iota(jnp.int32, cat_v.shape, 1)
      big = jnp.int32(2 ** 30)
      for t in range(_K):
        c = jnp.argmin(cat_v, axis=1).astype(jnp.int32).reshape(-1, 1)
        sel = pos == c
        curv_ref[:, t:t + 1] = jnp.min(cat_v, axis=1, keepdims=True)
        curi_ref[:, t:t + 1] = jnp.min(jnp.where(sel, cat_i, big),
                                       axis=1, keepdims=True)
        cat_v = jnp.where(sel, jnp.inf, cat_v)

    return carry

  lax.fori_loop(0, nblk, blk, 0)
  idx_ref[...] = curi_ref[...]


def _linear2_body(x_ref, wa_ref, wb_ref, b_ref, p_ref, q_ref):
  x = x_ref[...]
  p_ref[...] = jnp.dot(x, wa_ref[...], preferred_element_type=jnp.float32,
                       precision=lax.Precision.DEFAULT) + b_ref[...]
  q_ref[...] = jnp.dot(x, wb_ref[...], preferred_element_type=jnp.float32,
                       precision=lax.Precision.DEFAULT)


def _acc_stats(st_ref, h):
  s1 = jnp.sum(h, axis=0, keepdims=True)
  s2 = jnp.sum(h * h, axis=0, keepdims=True)
  st = jnp.concatenate([s1, s2], axis=0)

  @pl.when(pl.program_id(0) == 0)
  def _():
    st_ref[...] = st

  @pl.when(pl.program_id(0) > 0)
  def _():
    st_ref[...] += st


def _pnode_body(x_ref, w_ref, b_ref, p_ref):
  p_ref[...] = jnp.dot(x_ref[...], w_ref[...],
                       preferred_element_type=jnp.float32,
                       precision=lax.Precision.DEFAULT) + b_ref[...]


def _h1_conv_body(p_ref, xn_ref, xj_ref, wb_ref, rep_ref, h_ref, st_ref):
  rep = rep_ref[...]
  xi = jnp.dot(rep, xn_ref[...], preferred_element_type=jnp.float32,
               precision=lax.Precision.HIGHEST)
  t = xj_ref[...] - xi
  h = jnp.dot(rep, p_ref[...], preferred_element_type=jnp.float32,
              precision=lax.Precision.HIGHEST)
  h = h + jnp.dot(t, wb_ref[...], preferred_element_type=jnp.float32,
                  precision=lax.Precision.DEFAULT)
  h_ref[...] = h
  _acc_stats(st_ref, h)


def _h1_pair_body(pg_ref, qg_ref, h_ref, st_ref):
  h = pg_ref[...] + qg_ref[...]
  h_ref[...] = h
  _acc_stats(st_ref, h)


def _flin_body(h_ref, s_ref, t_ref, w_ref, b_ref, o_ref, st_ref):
  x = jnp.maximum(h_ref[...] * s_ref[...] + t_ref[...], 0.0)
  hn = jnp.dot(x, w_ref[...], preferred_element_type=jnp.float32,
               precision=lax.Precision.DEFAULT) + b_ref[...]
  o_ref[...] = hn
  _acc_stats(st_ref, hn)


def _finalize_body(h_ref, s_ref, t_ref, pm_ref, o_ref):
  x = jnp.maximum(h_ref[...] * s_ref[...] + t_ref[...], 0.0)
  o_ref[...] = jnp.dot(pm_ref[...], x, preferred_element_type=jnp.float32,
                       precision=lax.Precision.HIGHEST)


def _final_body(h_ref, s_ref, t_ref, w_ref, b_ref, tr_ref, tc_ref, seg_ref):
  x = jnp.maximum(h_ref[...] * s_ref[...] + t_ref[...], 0.0)
  f = jnp.dot(x, w_ref[...], preferred_element_type=jnp.float32,
              precision=lax.Precision.DEFAULT) + b_ref[...]
  tr = tr_ref[...]
  tc = tc_ref[...]
  dy = tr[:, 1:2] - tc[:, 1:2]
  a = tr[:, 2:3] - tc[:, 2:3] + math.pi
  dphi = lax.rem(a, jnp.float32(2.0 * math.pi)) - math.pi
  dr = jnp.sqrt(dy * dy + dphi * dphi)
  val = dr * f
  bat = lax.bitcast_convert_type(tr[:, 3:4], jnp.int32)
  gid = lax.broadcasted_iota(jnp.int32, (1, _NGRAPH), 1)
  contrib = jnp.sum(jnp.where(bat == gid, val, 0.0), axis=0, keepdims=True)

  @pl.when(pl.program_id(0) == 0)
  def _():
    seg_ref[...] = contrib

  @pl.when(pl.program_id(0) > 0)
  def _():
    seg_ref[...] += contrib



def _bn0_call(x, g, be):
  n, d = x.shape
  return pl.pallas_call(
      _bn0_body,
      out_shape=jax.ShapeDtypeStruct((n, d), jnp.float32),
  )(x, g.reshape(1, -1), be.reshape(1, -1))


def _knn_call(xpad, xpadt, bcol, brow):
  n = xpad.shape[0]
  rt = 512
  return pl.pallas_call(
      _knn_body,
      grid=(n // rt,),
      in_specs=[
          pl.BlockSpec((rt, 128), lambda i: (i, 0)),
          pl.BlockSpec((128, n), lambda i: (0, 0)),
          pl.BlockSpec((rt, 1), lambda i: (i, 0)),
          pl.BlockSpec((1, n), lambda i: (0, 0)),
      ],
      out_specs=pl.BlockSpec((rt, _K), lambda i: (i, 0)),
      out_shape=jax.ShapeDtypeStruct((n, _K), jnp.int32),
      scratch_shapes=[
          pltpu.VMEM((rt, _K), jnp.float32),
          pltpu.VMEM((rt, _K), jnp.int32),
      ],
  )(xpad, xpadt, bcol, brow)


def _linear2_call(xin, wa, wb, b1):
  n, d = xin.shape
  c = wa.shape[1]
  rt = 1024
  return pl.pallas_call(
      _linear2_body,
      grid=(n // rt,),
      in_specs=[
          pl.BlockSpec((rt, d), lambda i: (i, 0)),
          pl.BlockSpec((d, c), lambda i: (0, 0)),
          pl.BlockSpec((d, c), lambda i: (0, 0)),
          pl.BlockSpec((1, c), lambda i: (0, 0)),
      ],
      out_specs=[
          pl.BlockSpec((rt, c), lambda i: (i, 0)),
          pl.BlockSpec((rt, c), lambda i: (i, 0)),
      ],
      out_shape=[
          jax.ShapeDtypeStruct((n, c), jnp.float32),
          jax.ShapeDtypeStruct((n, c), jnp.float32),
      ],
  )(xin, wa, wb, b1.reshape(1, -1))


def _stats_outs(nk, c, rt):
  return dict(
      out_specs=[
          pl.BlockSpec((rt, c), lambda i: (i, 0)),
          pl.BlockSpec((2, c), lambda i: (0, 0)),
      ],
      out_shape=[
          jax.ShapeDtypeStruct((nk, c), jnp.float32),
          jax.ShapeDtypeStruct((2, c), jnp.float32),
      ],
  )


def _pnode_call(xin, w, b):
  n, d = xin.shape
  c = w.shape[1]
  rt = 1024
  return pl.pallas_call(
      _pnode_body,
      grid=(n // rt,),
      in_specs=[
          pl.BlockSpec((rt, d), lambda i: (i, 0)),
          pl.BlockSpec((d, c), lambda i: (0, 0)),
          pl.BlockSpec((1, c), lambda i: (0, 0)),
      ],
      out_specs=pl.BlockSpec((rt, c), lambda i: (i, 0)),
      out_shape=jax.ShapeDtypeStruct((n, c), jnp.float32),
  )(xin, w, b.reshape(1, -1))


def _h1_conv_call(p, xnpad, xjg, wbpad, rep):
  nk, dpad = xjg.shape
  c = p.shape[1]
  rt = 2048
  return pl.pallas_call(
      _h1_conv_body,
      grid=(nk // rt,),
      in_specs=[
          pl.BlockSpec((128, c), lambda i: (i, 0)),
          pl.BlockSpec((128, dpad), lambda i: (i, 0)),
          pl.BlockSpec((rt, dpad), lambda i: (i, 0)),
          pl.BlockSpec((dpad, c), lambda i: (0, 0)),
          pl.BlockSpec((rt, 128), lambda i: (0, 0)),
      ],
      **_stats_outs(nk, c, rt),
  )(p, xnpad, xjg, wbpad, rep)


def _h1_pair_call(pg, qg):
  nk, c = pg.shape
  rt = 2048
  return pl.pallas_call(
      _h1_pair_body,
      grid=(nk // rt,),
      in_specs=[
          pl.BlockSpec((rt, c), lambda i: (i, 0)),
          pl.BlockSpec((rt, c), lambda i: (i, 0)),
      ],
      **_stats_outs(nk, c, rt),
  )(pg, qg)


def _flin_call(h, s, t, w, b):
  nk, din = h.shape
  c = w.shape[1]
  rt = 2048
  return pl.pallas_call(
      _flin_body,
      grid=(nk // rt,),
      in_specs=[
          pl.BlockSpec((rt, din), lambda i: (i, 0)),
          pl.BlockSpec((1, din), lambda i: (0, 0)),
          pl.BlockSpec((1, din), lambda i: (0, 0)),
          pl.BlockSpec((din, c), lambda i: (0, 0)),
          pl.BlockSpec((1, c), lambda i: (0, 0)),
      ],
      **_stats_outs(nk, c, rt),
  )(h, s, t, w, b.reshape(1, -1))


def _finalize_call(h3, s, t, pm):
  nk, c = h3.shape
  rt = 2048
  n = nk // _K
  return pl.pallas_call(
      _finalize_body,
      grid=(nk // rt,),
      in_specs=[
          pl.BlockSpec((rt, c), lambda i: (i, 0)),
          pl.BlockSpec((1, c), lambda i: (0, 0)),
          pl.BlockSpec((1, c), lambda i: (0, 0)),
          pl.BlockSpec((rt // _K, rt), lambda i: (0, 0)),
      ],
      out_specs=pl.BlockSpec((rt // _K, c), lambda i: (i, 0)),
      out_shape=jax.ShapeDtypeStruct((n, c), jnp.float32),
  )(h3, s, t, pm)


def _final_call(h2, s, t, w3, b3, tg_row, tg_col):
  e, din = h2.shape
  rt = 2048
  return pl.pallas_call(
      _final_body,
      grid=(e // rt,),
      in_specs=[
          pl.BlockSpec((rt, din), lambda i: (i, 0)),
          pl.BlockSpec((1, din), lambda i: (0, 0)),
          pl.BlockSpec((1, din), lambda i: (0, 0)),
          pl.BlockSpec((din, 1), lambda i: (0, 0)),
          pl.BlockSpec((1, 1), lambda i: (0, 0)),
          pl.BlockSpec((rt, 16), lambda i: (i, 0)),
          pl.BlockSpec((rt, 16), lambda i: (i, 0)),
      ],
      out_specs=pl.BlockSpec((1, _NGRAPH), lambda i: (0, 0)),
      out_shape=jax.ShapeDtypeStruct((1, _NGRAPH), jnp.float32),
  )(h2, s, t, w3, b3.reshape(1, 1), tg_row, tg_col)



def _st_from_stats(stats, g, be, n_rows):
  mean = stats[0] / n_rows
  var = jnp.maximum(stats[1] / n_rows - mean * mean, 0.0)
  s = g * lax.rsqrt(var + _EPS)
  t = be - mean * s
  return s.reshape(1, -1), t.reshape(1, -1)


def _edge_conv(layers, xin, bcol, brow, rep, pm):
  n, d = xin.shape
  xpad = jnp.pad(xin, ((0, 0), (0, 128 - d)))
  idx = _knn_call(xpad, xpad.T, bcol, brow)
  w1 = layers[0]['W']
  dpad = ((d + 15) // 16) * 16
  xpad_d = xpad[:, :dpad]
  p = _pnode_call(xin, w1[:d], layers[0]['b'])
  xjg = _sc_gather(xpad_d, idx.reshape(-1))
  wbpad = jnp.pad(w1[d:], ((0, dpad - d), (0, 0)))
  h1, st1 = _h1_conv_call(p, xpad_d, xjg, wbpad, rep)
  nk = h1.shape[0]
  s1, t1 = _st_from_stats(st1, layers[0]['g'], layers[0]['be'], nk)
  h2, st2 = _flin_call(h1, s1, t1, layers[1]['W'], layers[1]['b'])
  s2, t2 = _st_from_stats(st2, layers[1]['g'], layers[1]['be'], nk)
  h3, st3 = _flin_call(h2, s2, t2, layers[2]['W'], layers[2]['b'])
  s3, t3 = _st_from_stats(st3, layers[2]['g'], layers[2]['be'], nk)
  return _finalize_call(h3, s3, t3, pm)


def kernel(x, u, params, batch, edge_index):
  n = x.shape[0]
  bcol = batch.reshape(n, 1)
  brow = batch.reshape(1, n)
  rep = jnp.kron(jnp.eye(128, dtype=jnp.float32),
                 jnp.ones((_K, 1), jnp.float32))
  pm = rep.T / jnp.float32(_K)

  x1 = _bn0_call(x, params['bn0']['g'], params['bn0']['be'])

  xc = x
  for name in ('conv1', 'conv2', 'conv3'):
    out = _edge_conv(params[name], xc, bcol, brow, rep, pm)
    xc = jnp.concatenate([x1, out], axis=1)

  row, col = edge_index[0], edge_index[1]
  olayers = params['out']
  dxc = xc.shape[1]
  w1 = olayers[0]['W']
  pnode, qnode = _linear2_call(xc, w1[:dxc], w1[dxc:], olayers[0]['b'])
  pg = _sc_gather(pnode, row)
  qg = _sc_gather(qnode, col)
  h1, st1 = _h1_pair_call(pg, qg)
  e = h1.shape[0]
  s1, t1 = _st_from_stats(st1, olayers[0]['g'], olayers[0]['be'], e)
  h2, st2 = _flin_call(h1, s1, t1, olayers[1]['W'], olayers[1]['b'])
  s2, t2 = _st_from_stats(st2, olayers[1]['g'], olayers[1]['be'], e)

  tnode = jnp.zeros((n, 16), jnp.float32)
  tnode = tnode.at[:, :3].set(x)
  tnode = tnode.at[:, 3].set(lax.bitcast_convert_type(batch, jnp.float32))
  tg_row = _sc_gather(tnode, row)
  tg_col = _sc_gather(tnode, col)

  seg = _final_call(h2, s2, t2, olayers[2]['W'], olayers[2]['b'],
                    tg_row, tg_col)
  emd = seg[0] + jnp.abs(u[:, 0] - u[:, 1])
  return emd[:, None]

# --- scband reference (transcript-rebuilt; emitter-appended) ---
"""Pipeline reference for scband-deeper-dynamic-edge-net-predict-emdfrom-flow-65171833750005 (READ-ONLY COPY).

The authoritative reference and input builder live on the scoring server;
editing this copy changes nothing except your own understanding.
"""

import jax, jax.numpy as jnp
import numpy as np
import math

N = 8192
B = 64
K = 16
E = 131072
IN_DIM = 3
BIG = 32
BIGGER = 256
EPS = 1e-5


def _make_mlp(key, dims):
    layers = []
    for i in range(len(dims) - 1):
        key, sk = jax.random.split(key)
        W = jax.random.normal(sk, (dims[i], dims[i + 1]), dtype=jnp.float32) * (1.0 / float(np.sqrt(dims[i])))
        layers.append({'W': W,
                       'b': jnp.zeros((dims[i + 1],), jnp.float32),
                       'g': jnp.ones((dims[i + 1],), jnp.float32),
                       'be': jnp.zeros((dims[i + 1],), jnp.float32)})
    return layers


def setup_inputs(seed: int = 0):
    key = jax.random.key(seed)
    ks = jax.random.split(key, 10)
    x = jax.random.normal(ks[0], (N, IN_DIM), dtype=jnp.float32)
    batch = jnp.sort(jax.random.randint(ks[1], (N,), 0, B, dtype=jnp.int32))
    row = jax.random.randint(ks[2], (E,), 0, N, dtype=jnp.int32)
    off = jax.random.randint(ks[3], (E,), 1, N, dtype=jnp.int32)
    col = (row + off) % N
    edge_index = jnp.stack([row, col], axis=0)
    u = jax.random.normal(ks[4], (B, 2), dtype=jnp.float32)
    params = {
        'bn0': {'g': jnp.ones((IN_DIM,), jnp.float32), 'be': jnp.zeros((IN_DIM,), jnp.float32)},
        'conv1': _make_mlp(ks[5], [2 * IN_DIM, BIG, BIG, BIG]),
        'conv2': _make_mlp(ks[6], [2 * (BIG + IN_DIM), 2 * BIG, 2 * BIG, 2 * BIG]),
        'conv3': _make_mlp(ks[7], [2 * (2 * BIG + IN_DIM), 4 * BIG, 4 * BIG, 4 * BIG]),
        'out': _make_mlp(ks[8], [4 * BIG * 2 + 2 * IN_DIM, BIGGER, BIGGER, 1]),
    }
    return {'x': x, 'u': u, 'params': params, 'batch': batch, 'edge_index': edge_index}


def _batchnorm(h, g, be):
    m = jnp.mean(h, axis=0)
    v = jnp.mean((h - m) ** 2, axis=0)
    return (h - m) / jnp.sqrt(v + EPS) * g + be


def _mlp_bn_relu(layers, h):
    for L in layers:
        h = h @ L['W'] + L['b']
        h = _batchnorm(h, L['g'], L['be'])
        h = jax.nn.relu(h)
    return h


def _out_mlp(layers, h):
    for L in layers[:-1]:
        h = h @ L['W'] + L['b']
        h = _batchnorm(h, L['g'], L['be'])
        h = jax.nn.relu(h)
    L = layers[-1]
    return h @ L['W'] + L['b']


def _knn_idx(x, batch, k):
    x2 = jnp.sum(x * x, axis=-1)
    d = x2[:, None] + x2[None, :] - 2.0 * (x @ x.T)
    same = batch[:, None] == batch[None, :]
    d = jnp.where(same, d, jnp.inf)
    _, idx = jax.lax.top_k(-d, k)
    return idx


def _dynamic_edge_conv(layers, x, batch, k):
    idx = _knn_idx(x, batch, k)
    xi = jnp.broadcast_to(x[:, None, :], (x.shape[0], k, x.shape[1]))
    xj = x[idx]
    feat = jnp.concatenate([xi, xj - xi], axis=-1).reshape(x.shape[0] * k, 2 * x.shape[1])
    h = _mlp_bn_relu(layers, feat)
    return h.reshape(x.shape[0], k, -1).mean(axis=1)


def reference(x, u, params, batch, edge_index):
    x0 = x
    x1 = _batchnorm(x, params['bn0']['g'], params['bn0']['be'])
    x2 = _dynamic_edge_conv(params['conv1'], x, batch, K)
    xc = jnp.concatenate([x1, x2], axis=-1)
    x2 = _dynamic_edge_conv(params['conv2'], xc, batch, K)
    xc = jnp.concatenate([x1, x2], axis=-1)
    x2 = _dynamic_edge_conv(params['conv3'], xc, batch, K)
    xc = jnp.concatenate([x1, x2], axis=-1)
    row, col = edge_index[0], edge_index[1]
    fij = _out_mlp(params['out'], jnp.concatenate([xc[row], xc[col]], axis=-1))[:, 0]
    dR = jnp.sqrt(jnp.square(x0[row, 1] - x0[col, 1]) + jnp.square(jnp.fmod(x0[row, 2] - x0[col, 2] + math.pi, 2.0 * math.pi) - math.pi))
    emd = jax.ops.segment_sum(dR * fij, batch[row], num_segments=B) + jnp.abs(u[:, 0] - u[:, 1])
    return emd[:, None]

if __name__ == "__main__":
    import jax
    _d = setup_inputs()
    print(jax.jit(kernel)(*tuple(_d.values())))

</pallas_src>

<mosaic_0001>
#map = affine_map<(d0, d1) -> (0, 0)>
#map1 = affine_map<(d0, d1) -> (0)>
module attributes {stable_mosaic.version = 14 : i64} {
  func.func @k(%arg0: i32, %arg1: i32, %arg2: memref<8192x16xf32, #tpu.memory_space<hbm>>, %arg3: memref<131072xi32, #tpu.memory_space<hbm>>, %arg4: memref<131072x16xf32, #tpu.memory_space<hbm>>, %arg5: memref<128xi32, #tpu.memory_space<vmem>>, %arg6: memref<128x16xf32, #tpu.memory_space<vmem>>, %arg7: memref<!tpu.dma_semaphore, #tpu.memory_space<semaphore_mem>>) attributes {dimension_semantics = [#tpu.dimension_semantics<core_parallel>, #tpu.dimension_semantics<subcore_parallel>], iteration_bounds = array<i64: 2, 16>, scalar_prefetch = 0 : i64, scratch_operands = 3 : i64, tpu.core_type = #tpu.core_type<sc_vector_subcore>, window_params = [{transform_indices = #map}, {transform_indices = #map1}, {transform_indices = #map}]} {
    %mul3A = arith.constant 2 : i32
    %mul3A_0 = arith.muli %arg1, %mul3A : i32
    %add3A = arith.addi %mul3A_0, %arg0 : i32
    %mul3A_1 = arith.constant 4096 : i32
    %mul3A_2 = arith.muli %add3A, %mul3A_1 : i32
    %scan3A = arith.constant 0 : i32
    %scan3A_3 = arith.constant 0 : i32
    %scan3A_4 = arith.constant 32 : i32
    %scan3A_5 = arith.addi %scan3A_3, %scan3A_4 : i32
    %scan3A_6 = arith.constant 1 : i32
    scf.for %scan3A_8 = %scan3A_3 to %scan3A_5 step %scan3A_6  : i32 {
      %mul3A_9 = arith.constant 128 : i32
      %mul3A_10 = arith.muli %scan3A_8, %mul3A_9 : i32
      %add3A_11 = arith.addi %mul3A_2, %mul3A_10 : i32
      %multiple_of3A = tpu.assume_multiple %add3A_11, 8 : i32
      "tpu.region"() ({
        %run_scoped3A = tpu.sem_alloc : memref<!tpu.dma_semaphore, #tpu.memory_space<semaphore_mem>>
        %dma_start3A_16 = tpu.memref_slice %arg3[%multiple_of3A] : memref<131072xi32, #tpu.memory_space<hbm>> -> memref<128xi32, #tpu.memory_space<hbm>>
        %dma_start3A_17 = tpu.memref_slice %arg3[%multiple_of3A] : memref<131072xi32, #tpu.memory_space<hbm>> -> memref<128xi32, #tpu.memory_space<hbm>>
        tpu.enqueue_dma source(%dma_start3A_17 : memref<128xi32, #tpu.memory_space<hbm>>) target(%arg5 : memref<128xi32, #tpu.memory_space<vmem>>) target_semaphore(%run_scoped3A : memref<!tpu.dma_semaphore, #tpu.memory_space<semaphore_mem>>)
        %dma_wait3A_18 = tpu.memref_slice %arg3[%multiple_of3A] : memref<131072xi32, #tpu.memory_space<hbm>> -> memref<128xi32, #tpu.memory_space<hbm>>
        %dma_wait3A_19 = tpu.memref_slice %arg3[%multiple_of3A] : memref<131072xi32, #tpu.memory_space<hbm>> -> memref<128xi32, #tpu.memory_space<hbm>>
        tpu.wait_dma2 semaphore(%run_scoped3A : memref<!tpu.dma_semaphore, #tpu.memory_space<semaphore_mem>>) src(%dma_wait3A_19 : memref<128xi32, #tpu.memory_space<hbm>>) dst(%arg5 : memref<128xi32, #tpu.memory_space<vmem>>)
        tpu.yield
      }) : () -> ()
      %dma_start3A = arith.constant 0 : i32
      %dma_start3A_12 = arith.constant 0 : i32
      %dma_start3A_13 = tpu.memref_slice %arg2[%dma_start3A, %dma_start3A_12] : memref<8192x16xf32, #tpu.memory_space<hbm>> -> memref<8192x16xf32, #tpu.memory_space<hbm>>
      tpu.enqueue_indirect_dma source(%dma_start3A_13 : memref<8192x16xf32, #tpu.memory_space<hbm>>) target(%arg6 : memref<128x16xf32, #tpu.memory_space<vmem>>) offsets(%arg5 : memref<128xi32, #tpu.memory_space<vmem>>) semaphore(%arg7 : memref<!tpu.dma_semaphore, #tpu.memory_space<semaphore_mem>>)
      %dma_wait3A = arith.constant 0 : i32
      %dma_wait3A_14 = arith.constant 0 : i32
      %dma_wait3A_15 = tpu.memref_slice %arg2[%dma_wait3A, %dma_wait3A_14] : memref<8192x16xf32, #tpu.memory_space<hbm>> -> memref<8192x16xf32, #tpu.memory_space<hbm>>
      tpu.wait_indirect_dma semaphore(%arg7 : memref<!tpu.dma_semaphore, #tpu.memory_space<semaphore_mem>>) src(%dma_wait3A_15 : memref<8192x16xf32, #tpu.memory_space<hbm>>) dst(%arg6 : memref<128x16xf32, #tpu.memory_space<vmem>>)
      "tpu.region"() ({
        %run_scoped3A = tpu.sem_alloc : memref<!tpu.dma_semaphore, #tpu.memory_space<semaphore_mem>>
        %dma_start3A_16 = arith.constant 0 : i32
        %dma_start3A_17 = tpu.memref_slice %arg4[%multiple_of3A, %dma_start3A_16] : memref<131072x16xf32, #tpu.memory_space<hbm>> -> memref<128x16xf32, #tpu.memory_space<hbm>>
        %dma_start3A_18 = arith.constant 0 : i32
        %dma_start3A_19 = tpu.memref_slice %arg4[%multiple_of3A, %dma_start3A_18] : memref<131072x16xf32, #tpu.memory_space<hbm>> -> memref<128x16xf32, #tpu.memory_space<hbm>>
        tpu.enqueue_dma source(%arg6 : memref<128x16xf32, #tpu.memory_space<vmem>>) target(%dma_start3A_19 : memref<128x16xf32, #tpu.memory_space<hbm>>) target_semaphore(%run_scoped3A : memref<!tpu.dma_semaphore, #tpu.memory_space<semaphore_mem>>)
        %dma_wait3A_20 = arith.constant 0 : i32
        %dma_wait3A_21 = tpu.memref_slice %arg4[%multiple_of3A, %dma_wait3A_20] : memref<131072x16xf32, #tpu.memory_space<hbm>> -> memref<128x16xf32, #tpu.memory_space<hbm>>
        %dma_wait3A_22 = arith.constant 0 : i32
        %dma_wait3A_23 = tpu.memref_slice %arg4[%multiple_of3A, %dma_wait3A_22] : memref<131072x16xf32, #tpu.memory_space<hbm>> -> memref<128x16xf32, #tpu.memory_space<hbm>>
        tpu.wait_dma2 semaphore(%run_scoped3A : memref<!tpu.dma_semaphore, #tpu.memory_space<semaphore_mem>>) src(%arg6 : memref<128x16xf32, #tpu.memory_space<vmem>>) dst(%dma_wait3A_23 : memref<128x16xf32, #tpu.memory_space<hbm>>)
        tpu.yield
      }) : () -> ()
    }
    %scan3A_7 = arith.constant 32 : i32
    return
  }
}

#map = affine_map<(d0, d1) -> (0, 0)>
#map1 = affine_map<(d0, d1) -> (0)>
module attributes {stable_mosaic.version = 14 : i64} {
  func.func @k(%arg0: i32, %arg1: i32, %arg2: memref<8192x16xf32, #tpu.memory_space<hbm>>, %arg3: memref<131072xi32, #tpu.memory_space<hbm>>, %arg4: memref<131072x16xf32, #tpu.memory_space<hbm>>, %arg5: memref<128xi32, #tpu.memory_space<vmem>>, %arg6: memref<128x16xf32, #tpu.memory_space<vmem>>, %arg7: memref<!tpu.dma_semaphore, #tpu.memory_space<semaphore_mem>>) attributes {dimension_semantics = [#tpu.dimension_semantics<core_parallel>, #tpu.dimension_semantics<subcore_parallel>], iteration_bounds = array<i64: 2, 16>, scalar_prefetch = 0 : i64, scratch_operands = 3 : i64, tpu.core_type = #tpu.core_type<sc_vector_subcore>, window_params = [{transform_indices = #map}, {transform_indices = #map1}, {transform_indices = #map}]} {
    %mul3A = arith.constant 2 : i32
    %mul3A_0 = arith.muli %arg1, %mul3A : i32
    %add3A = arith.addi %mul3A_0, %arg0 : i32
    %mul3A_1 = arith.constant 4096 : i32
    %mul3A_2 = arith.muli %add3A, %mul3A_1 : i32
    %scan3A = arith.constant 0 : i32
    %scan3A_3 = arith.constant 0 : i32
    %scan3A_4 = arith.constant 32 : i32
    %scan3A_5 = arith.addi %scan3A_3, %scan3A_4 : i32
    %scan3A_6 = arith.constant 1 : i32
    scf.for %scan3A_8 = %scan3A_3 to %scan3A_5 step %scan3A_6  : i32 {
      %mul3A_9 = arith.constant 128 : i32
      %mul3A_10 = arith.muli %scan3A_8, %mul3A_9 : i32
      %add3A_11 = arith.addi %mul3A_2, %mul3A_10 : i32
      %multiple_of3A = tpu.assume_multiple %add3A_11, 8 : i32
      "tpu.region"() ({
        %run_scoped3A = tpu.sem_alloc : memref<!tpu.dma_semaphore, #tpu.memory_space<semaphore_mem>>
        %dma_start3A_16 = tpu.memref_slice %arg3[%multiple_of3A] : memref<131072xi32, #tpu.memory_space<hbm>> -> memref<128xi32, #tpu.memory_space<hbm>>
        %dma_start3A_17 = tpu.memref_slice %arg3[%multiple_of3A] : memref<131072xi32, #tpu.memory_space<hbm>> -> memref<128xi32, #tpu.memory_space<hbm>>
        tpu.enqueue_dma source(%dma_start3A_17 : memref<128xi32, #tpu.memory_space<hbm>>) target(%arg5 : memref<128xi32, #tpu.memory_space<vmem>>) target_semaphore(%run_scoped3A : memref<!tpu.dma_semaphore, #tpu.memory_space<semaphore_mem>>)
        %dma_wait3A_18 = tpu.memref_slice %arg3[%multiple_of3A] : memref<131072xi32, #tpu.memory_space<hbm>> -> memref<128xi32, #tpu.memory_space<hbm>>
        %dma_wait3A_19 = tpu.memref_slice %arg3[%multiple_of3A] : memref<131072xi32, #tpu.memory_space<hbm>> -> memref<128xi32, #tpu.memory_space<hbm>>
        tpu.wait_dma2 semaphore(%run_scoped3A : memref<!tpu.dma_semaphore, #tpu.memory_space<semaphore_mem>>) src(%dma_wait3A_19 : memref<128xi32, #tpu.memory_space<hbm>>) dst(%arg5 : memref<128xi32, #tpu.memory_space<vmem>>)
        tpu.yield
      }) : () -> ()
      %dma_start3A = arith.constant 0 : i32
      %dma_start3A_12 = arith.constant 0 : i32
      %dma_start3A_13 = tpu.memref_slice %arg2[%dma_start3A, %dma_start3A_12] : memref<8192x16xf32, #tpu.memory_space<hbm>> -> memref<8192x16xf32, #tpu.memory_space<hbm>>
      tpu.enqueue_indirect_dma source(%dma_start3A_13 : memref<8192x16xf32, #tpu.memory_space<hbm>>) target(%arg6 : memref<128x16xf32, #tpu.memory_space<vmem>>) offsets(%arg5 : memref<128xi32, #tpu.memory_space<vmem>>) semaphore(%arg7 : memref<!tpu.dma_semaphore, #tpu.memory_space<semaphore_mem>>)
      %dma_wait3A = arith.constant 0 : i32
      %dma_wait3A_14 = arith.constant 0 : i32
      %dma_wait3A_15 = tpu.memref_slice %arg2[%dma_wait3A, %dma_wait3A_14] : memref<8192x16xf32, #tpu.memory_space<hbm>> -> memref<8192x16xf32, #tpu.memory_space<hbm>>
      tpu.wait_indirect_dma semaphore(%arg7 : memref<!tpu.dma_semaphore, #tpu.memory_space<semaphore_mem>>) src(%dma_wait3A_15 : memref<8192x16xf32, #tpu.memory_space<hbm>>) dst(%arg6 : memref<128x16xf32, #tpu.memory_space<vmem>>)
      "tpu.region"() ({
        %run_scoped3A = tpu.sem_alloc : memref<!tpu.dma_semaphore, #tpu.memory_space<semaphore_mem>>
        %dma_start3A_16 = arith.constant 0 : i32
        %dma_start3A_17 = tpu.memref_slice %arg4[%multiple_of3A, %dma_start3A_16] : memref<131072x16xf32, #tpu.memory_space<hbm>> -> memref<128x16xf32, #tpu.memory_space<hbm>>
        %dma_start3A_18 = arith.constant 0 : i32
        %dma_start3A_19 = tpu.memref_slice %arg4[%multiple_of3A, %dma_start3A_18] : memref<131072x16xf32, #tpu.memory_space<hbm>> -> memref<128x16xf32, #tpu.memory_space<hbm>>
        tpu.enqueue_dma source(%arg6 : memref<128x16xf32, #tpu.memory_space<vmem>>) target(%dma_start3A_19 : memref<128x16xf32, #tpu.memory_space<hbm>>) target_semaphore(%run_scoped3A : memref<!tpu.dma_semaphore, #tpu.memory_space<semaphore_mem>>)
        %dma_wait3A_20 = arith.constant 0 : i32
        %dma_wait3A_21 = tpu.memref_slice %arg4[%multiple_of3A, %dma_wait3A_20] : memref<131072x16xf32, #tpu.memory_space<hbm>> -> memref<128x16xf32, #tpu.memory_space<hbm>>
        %dma_wait3A_22 = arith.constant 0 : i32
        %dma_wait3A_23 = tpu.memref_slice %arg4[%multiple_of3A, %dma_wait3A_22] : memref<131072x16xf32, #tpu.memory_space<hbm>> -> memref<128x16xf32, #tpu.memory_space<hbm>>
        tpu.wait_dma2 semaphore(%run_scoped3A : memref<!tpu.dma_semaphore, #tpu.memory_space<semaphore_mem>>) src(%arg6 : memref<128x16xf32, #tpu.memory_space<vmem>>) dst(%dma_wait3A_23 : memref<128x16xf32, #tpu.memory_space<hbm>>)
        tpu.yield
      }) : () -> ()
    }
    %scan3A_7 = arith.constant 32 : i32
    return
  }
}

#map = affine_map<(d0, d1) -> (0, 0)>
#map1 = affine_map<(d0, d1) -> (0)>
module attributes {stable_mosaic.version = 14 : i64} {
  func.func @k(%arg0: i32, %arg1: i32, %arg2: memref<8192x48xf32, #tpu.memory_space<hbm>>, %arg3: memref<131072xi32, #tpu.memory_space<hbm>>, %arg4: memref<131072x48xf32, #tpu.memory_space<hbm>>, %arg5: memref<128xi32, #tpu.memory_space<vmem>>, %arg6: memref<128x48xf32, #tpu.memory_space<vmem>>, %arg7: memref<!tpu.dma_semaphore, #tpu.memory_space<semaphore_mem>>) attributes {dimension_semantics = [#tpu.dimension_semantics<core_parallel>, #tpu.dimension_semantics<subcore_parallel>], iteration_bounds = array<i64: 2, 16>, scalar_prefetch = 0 : i64, scratch_operands = 3 : i64, tpu.core_type = #tpu.core_type<sc_vector_subcore>, window_params = [{transform_indices = #map}, {transform_indices = #map1}, {transform_indices = #map}]} {
    %mul3A = arith.constant 2 : i32
    %mul3A_0 = arith.muli %arg1, %mul3A : i32
    %add3A = arith.addi %mul3A_0, %arg0 : i32
    %mul3A_1 = arith.constant 4096 : i32
    %mul3A_2 = arith.muli %add3A, %mul3A_1 : i32
    %scan3A = arith.constant 0 : i32
    %scan3A_3 = arith.constant 0 : i32
    %scan3A_4 = arith.constant 32 : i32
    %scan3A_5 = arith.addi %scan3A_3, %scan3A_4 : i32
    %scan3A_6 = arith.constant 1 : i32
    scf.for %scan3A_8 = %scan3A_3 to %scan3A_5 step %scan3A_6  : i32 {
      %mul3A_9 = arith.constant 128 : i32
      %mul3A_10 = arith.muli %scan3A_8, %mul3A_9 : i32
      %add3A_11 = arith.addi %mul3A_2, %mul3A_10 : i32
      %multiple_of3A = tpu.assume_multiple %add3A_11, 8 : i32
      "tpu.region"() ({
        %run_scoped3A = tpu.sem_alloc : memref<!tpu.dma_semaphore, #tpu.memory_space<semaphore_mem>>
        %dma_start3A_16 = tpu.memref_slice %arg3[%multiple_of3A] : memref<131072xi32, #tpu.memory_space<hbm>> -> memref<128xi32, #tpu.memory_space<hbm>>
        %dma_start3A_17 = tpu.memref_slice %arg3[%multiple_of3A] : memref<131072xi32, #tpu.memory_space<hbm>> -> memref<128xi32, #tpu.memory_space<hbm>>
        tpu.enqueue_dma source(%dma_start3A_17 : memref<128xi32, #tpu.memory_space<hbm>>) target(%arg5 : memref<128xi32, #tpu.memory_space<vmem>>) target_semaphore(%run_scoped3A : memref<!tpu.dma_semaphore, #tpu.memory_space<semaphore_mem>>)
        %dma_wait3A_18 = tpu.memref_slice %arg3[%multiple_of3A] : memref<131072xi32, #tpu.memory_space<hbm>> -> memref<128xi32, #tpu.memory_space<hbm>>
        %dma_wait3A_19 = tpu.memref_slice %arg3[%multiple_of3A] : memref<131072xi32, #tpu.memory_space<hbm>> -> memref<128xi32, #tpu.memory_space<hbm>>
        tpu.wait_dma2 semaphore(%run_scoped3A : memref<!tpu.dma_semaphore, #tpu.memory_space<semaphore_mem>>) src(%dma_wait3A_19 : memref<128xi32, #tpu.memory_space<hbm>>) dst(%arg5 : memref<128xi32, #tpu.memory_space<vmem>>)
        tpu.yield
      }) : () -> ()
      %dma_start3A = arith.constant 0 : i32
      %dma_start3A_12 = arith.constant 0 : i32
      %dma_start3A_13 = tpu.memref_slice %arg2[%dma_start3A, %dma_start3A_12] : memref<8192x48xf32, #tpu.memory_space<hbm>> -> memref<8192x48xf32, #tpu.memory_space<hbm>>
      tpu.enqueue_indirect_dma source(%dma_start3A_13 : memref<8192x48xf32, #tpu.memory_space<hbm>>) target(%arg6 : memref<128x48xf32, #tpu.memory_space<vmem>>) offsets(%arg5 : memref<128xi32, #tpu.memory_space<vmem>>) semaphore(%arg7 : memref<!tpu.dma_semaphore, #tpu.memory_space<semaphore_mem>>)
      %dma_wait3A = arith.constant 0 : i32
      %dma_wait3A_14 = arith.constant 0 : i32
      %dma_wait3A_15 = tpu.memref_slice %arg2[%dma_wait3A, %dma_wait3A_14] : memref<8192x48xf32, #tpu.memory_space<hbm>> -> memref<8192x48xf32, #tpu.memory_space<hbm>>
      tpu.wait_indirect_dma semaphore(%arg7 : memref<!tpu.dma_semaphore, #tpu.memory_space<semaphore_mem>>) src(%dma_wait3A_15 : memref<8192x48xf32, #tpu.memory_space<hbm>>) dst(%arg6 : memref<128x48xf32, #tpu.memory_space<vmem>>)
      "tpu.region"() ({
        %run_scoped3A = tpu.sem_alloc : memref<!tpu.dma_semaphore, #tpu.memory_space<semaphore_mem>>
        %dma_start3A_16 = arith.constant 0 : i32
        %dma_start3A_17 = tpu.memref_slice %arg4[%multiple_of3A, %dma_start3A_16] : memref<131072x48xf32, #tpu.memory_space<hbm>> -> memref<128x48xf32, #tpu.memory_space<hbm>>
        %dma_start3A_18 = arith.constant 0 : i32
        %dma_start3A_19 = tpu.memref_slice %arg4[%multiple_of3A, %dma_start3A_18] : memref<131072x48xf32, #tpu.memory_space<hbm>> -> memref<128x48xf32, #tpu.memory_space<hbm>>
        tpu.enqueue_dma source(%arg6 : memref<128x48xf32, #tpu.memory_space<vmem>>) target(%dma_start3A_19 : memref<128x48xf32, #tpu.memory_space<hbm>>) target_semaphore(%run_scoped3A : memref<!tpu.dma_semaphore, #tpu.memory_space<semaphore_mem>>)
        %dma_wait3A_20 = arith.constant 0 : i32
        %dma_wait3A_21 = tpu.memref_slice %arg4[%multiple_of3A, %dma_wait3A_20] : memref<131072x48xf32, #tpu.memory_space<hbm>> -> memref<128x48xf32, #tpu.memory_space<hbm>>
        %dma_wait3A_22 = arith.constant 0 : i32
        %dma_wait3A_23 = tpu.memref_slice %arg4[%multiple_of3A, %dma_wait3A_22] : memref<131072x48xf32, #tpu.memory_space<hbm>> -> memref<128x48xf32, #tpu.memory_space<hbm>>
        tpu.wait_dma2 semaphore(%run_scoped3A : memref<!tpu.dma_semaphore, #tpu.memory_space<semaphore_mem>>) src(%arg6 : memref<128x48xf32, #tpu.memory_space<vmem>>) dst(%dma_wait3A_23 : memref<128x48xf32, #tpu.memory_space<hbm>>)
        tpu.yield
      }) : () -> ()
    }
    %scan3A_7 = arith.constant 32 : i32
    return
  }
}

#map = affine_map<(d0, d1) -> (0, 0)>
#map1 = affine_map<(d0, d1) -> (0)>
module attributes {stable_mosaic.version = 14 : i64} {
  func.func @k(%arg0: i32, %arg1: i32, %arg2: memref<8192x80xf32, #tpu.memory_space<hbm>>, %arg3: memref<131072xi32, #tpu.memory_space<hbm>>, %arg4: memref<131072x80xf32, #tpu.memory_space<hbm>>, %arg5: memref<128xi32, #tpu.memory_space<vmem>>, %arg6: memref<128x80xf32, #tpu.memory_space<vmem>>, %arg7: memref<!tpu.dma_semaphore, #tpu.memory_space<semaphore_mem>>) attributes {dimension_semantics = [#tpu.dimension_semantics<core_parallel>, #tpu.dimension_semantics<subcore_parallel>], iteration_bounds = array<i64: 2, 16>, scalar_prefetch = 0 : i64, scratch_operands = 3 : i64, tpu.core_type = #tpu.core_type<sc_vector_subcore>, window_params = [{transform_indices = #map}, {transform_indices = #map1}, {transform_indices = #map}]} {
    %mul3A = arith.constant 2 : i32
    %mul3A_0 = arith.muli %arg1, %mul3A : i32
    %add3A = arith.addi %mul3A_0, %arg0 : i32
    %mul3A_1 = arith.constant 4096 : i32
    %mul3A_2 = arith.muli %add3A, %mul3A_1 : i32
    %scan3A = arith.constant 0 : i32
    %scan3A_3 = arith.constant 0 : i32
    %scan3A_4 = arith.constant 32 : i32
    %scan3A_5 = arith.addi %scan3A_3, %scan3A_4 : i32
    %scan3A_6 = arith.constant 1 : i32
    scf.for %scan3A_8 = %scan3A_3 to %scan3A_5 step %scan3A_6  : i32 {
      %mul3A_9 = arith.constant 128 : i32
      %mul3A_10 = arith.muli %scan3A_8, %mul3A_9 : i32
      %add3A_11 = arith.addi %mul3A_2, %mul3A_10 : i32
      %multiple_of3A = tpu.assume_multiple %add3A_11, 8 : i32
      "tpu.region"() ({
        %run_scoped3A = tpu.sem_alloc : memref<!tpu.dma_semaphore, #tpu.memory_space<semaphore_mem>>
        %dma_start3A_16 = tpu.memref_slice %arg3[%multiple_of3A] : memref<131072xi32, #tpu.memory_space<hbm>> -> memref<128xi32, #tpu.memory_space<hbm>>
        %dma_start3A_17 = tpu.memref_slice %arg3[%multiple_of3A] : memref<131072xi32, #tpu.memory_space<hbm>> -> memref<128xi32, #tpu.memory_space<hbm>>
        tpu.enqueue_dma source(%dma_start3A_17 : memref<128xi32, #tpu.memory_space<hbm>>) target(%arg5 : memref<128xi32, #tpu.memory_space<vmem>>) target_semaphore(%run_scoped3A : memref<!tpu.dma_semaphore, #tpu.memory_space<semaphore_mem>>)
        %dma_wait3A_18 = tpu.memref_slice %arg3[%multiple_of3A] : memref<131072xi32, #tpu.memory_space<hbm>> -> memref<128xi32, #tpu.memory_space<hbm>>
        %dma_wait3A_19 = tpu.memref_slice %arg3[%multiple_of3A] : memref<131072xi32, #tpu.memory_space<hbm>> -> memref<128xi32, #tpu.memory_space<hbm>>
        tpu.wait_dma2 semaphore(%run_scoped3A : memref<!tpu.dma_semaphore, #tpu.memory_space<semaphore_mem>>) src(%dma_wait3A_19 : memref<128xi32, #tpu.memory_space<hbm>>) dst(%arg5 : memref<128xi32, #tpu.memory_space<vmem>>)
        tpu.yield
      }) : () -> ()
      %dma_start3A = arith.constant 0 : i32
      %dma_start3A_12 = arith.constant 0 : i32
      %dma_start3A_13 = tpu.memref_slice %arg2[%dma_start3A, %dma_start3A_12] : memref<8192x80xf32, #tpu.memory_space<hbm>> -> memref<8192x80xf32, #tpu.memory_space<hbm>>
      tpu.enqueue_indirect_dma source(%dma_start3A_13 : memref<8192x80xf32, #tpu.memory_space<hbm>>) target(%arg6 : memref<128x80xf32, #tpu.memory_space<vmem>>) offsets(%arg5 : memref<128xi32, #tpu.memory_space<vmem>>) semaphore(%arg7 : memref<!tpu.dma_semaphore, #tpu.memory_space<semaphore_mem>>)
      %dma_wait3A = arith.constant 0 : i32
      %dma_wait3A_14 = arith.constant 0 : i32
      %dma_wait3A_15 = tpu.memref_slice %arg2[%dma_wait3A, %dma_wait3A_14] : memref<8192x80xf32, #tpu.memory_space<hbm>> -> memref<8192x80xf32, #tpu.memory_space<hbm>>
      tpu.wait_indirect_dma semaphore(%arg7 : memref<!tpu.dma_semaphore, #tpu.memory_space<semaphore_mem>>) src(%dma_wait3A_15 : memref<8192x80xf32, #tpu.memory_space<hbm>>) dst(%arg6 : memref<128x80xf32, #tpu.memory_space<vmem>>)
      "tpu.region"() ({
        %run_scoped3A = tpu.sem_alloc : memref<!tpu.dma_semaphore, #tpu.memory_space<semaphore_mem>>
        %dma_start3A_16 = arith.constant 0 : i32
        %dma_start3A_17 = tpu.memref_slice %arg4[%multiple_of3A, %dma_start3A_16] : memref<131072x80xf32, #tpu.memory_space<hbm>> -> memref<128x80xf32, #tpu.memory_space<hbm>>
        %dma_start3A_18 = arith.constant 0 : i32
        %dma_start3A_19 = tpu.memref_slice %arg4[%multiple_of3A, %dma_start3A_18] : memref<131072x80xf32, #tpu.memory_space<hbm>> -> memref<128x80xf32, #tpu.memory_space<hbm>>
        tpu.enqueue_dma source(%arg6 : memref<128x80xf32, #tpu.memory_space<vmem>>) target(%dma_start3A_19 : memref<128x80xf32, #tpu.memory_space<hbm>>) target_semaphore(%run_scoped3A : memref<!tpu.dma_semaphore, #tpu.memory_space<semaphore_mem>>)
        %dma_wait3A_20 = arith.constant 0 : i32
        %dma_wait3A_21 = tpu.memref_slice %arg4[%multiple_of3A, %dma_wait3A_20] : memref<131072x80xf32, #tpu.memory_space<hbm>> -> memref<128x80xf32, #tpu.memory_space<hbm>>
        %dma_wait3A_22 = arith.constant 0 : i32
        %dma_wait3A_23 = tpu.memref_slice %arg4[%multiple_of3A, %dma_wait3A_22] : memref<131072x80xf32, #tpu.memory_space<hbm>> -> memref<128x80xf32, #tpu.memory_space<hbm>>
        tpu.wait_dma2 semaphore(%run_scoped3A : memref<!tpu.dma_semaphore, #tpu.memory_space<semaphore_mem>>) src(%arg6 : memref<128x80xf32, #tpu.memory_space<vmem>>) dst(%dma_wait3A_23 : memref<128x80xf32, #tpu.memory_space<hbm>>)
        tpu.yield
      }) : () -> ()
    }
    %scan3A_7 = arith.constant 32 : i32
    return
  }
}

#map = affine_map<(d0, d1) -> (0, 0)>
#map1 = affine_map<(d0, d1) -> (0)>
module attributes {stable_mosaic.version = 14 : i64} {
  func.func @k(%arg0: i32, %arg1: i32, %arg2: memref<8192x16xf32, #tpu.memory_space<hbm>>, %arg3: memref<131072xi32, #tpu.memory_space<hbm>>, %arg4: memref<131072x16xf32, #tpu.memory_space<hbm>>, %arg5: memref<128xi32, #tpu.memory_space<vmem>>, %arg6: memref<128x16xf32, #tpu.memory_space<vmem>>, %arg7: memref<!tpu.dma_semaphore, #tpu.memory_space<semaphore_mem>>) attributes {dimension_semantics = [#tpu.dimension_semantics<core_parallel>, #tpu.dimension_semantics<subcore_parallel>], iteration_bounds = array<i64: 2, 16>, scalar_prefetch = 0 : i64, scratch_operands = 3 : i64, tpu.core_type = #tpu.core_type<sc_vector_subcore>, window_params = [{transform_indices = #map}, {transform_indices = #map1}, {transform_indices = #map}]} {
    %mul3A = arith.constant 2 : i32
    %mul3A_0 = arith.muli %arg1, %mul3A : i32
    %add3A = arith.addi %mul3A_0, %arg0 : i32
    %mul3A_1 = arith.constant 4096 : i32
    %mul3A_2 = arith.muli %add3A, %mul3A_1 : i32
    %scan3A = arith.constant 0 : i32
    %scan3A_3 = arith.constant 0 : i32
    %scan3A_4 = arith.constant 32 : i32
    %scan3A_5 = arith.addi %scan3A_3, %scan3A_4 : i32
    %scan3A_6 = arith.constant 1 : i32
    scf.for %scan3A_8 = %scan3A_3 to %scan3A_5 step %scan3A_6  : i32 {
      %mul3A_9 = arith.constant 128 : i32
      %mul3A_10 = arith.muli %scan3A_8, %mul3A_9 : i32
      %add3A_11 = arith.addi %mul3A_2, %mul3A_10 : i32
      %multiple_of3A = tpu.assume_multiple %add3A_11, 8 : i32
      "tpu.region"() ({
        %run_scoped3A = tpu.sem_alloc : memref<!tpu.dma_semaphore, #tpu.memory_space<semaphore_mem>>
        %dma_start3A_16 = tpu.memref_slice %arg3[%multiple_of3A] : memref<131072xi32, #tpu.memory_space<hbm>> -> memref<128xi32, #tpu.memory_space<hbm>>
        %dma_start3A_17 = tpu.memref_slice %arg3[%multiple_of3A] : memref<131072xi32, #tpu.memory_space<hbm>> -> memref<128xi32, #tpu.memory_space<hbm>>
        tpu.enqueue_dma source(%dma_start3A_17 : memref<128xi32, #tpu.memory_space<hbm>>) target(%arg5 : memref<128xi32, #tpu.memory_space<vmem>>) target_semaphore(%run_scoped3A : memref<!tpu.dma_semaphore, #tpu.memory_space<semaphore_mem>>)
        %dma_wait3A_18 = tpu.memref_slice %arg3[%multiple_of3A] : memref<131072xi32, #tpu.memory_space<hbm>> -> memref<128xi32, #tpu.memory_space<hbm>>
        %dma_wait3A_19 = tpu.memref_slice %arg3[%multiple_of3A] : memref<131072xi32, #tpu.memory_space<hbm>> -> memref<128xi32, #tpu.memory_space<hbm>>
        tpu.wait_dma2 semaphore(%run_scoped3A : memref<!tpu.dma_semaphore, #tpu.memory_space<semaphore_mem>>) src(%dma_wait3A_19 : memref<128xi32, #tpu.memory_space<hbm>>) dst(%arg5 : memref<128xi32, #tpu.memory_space<vmem>>)
        tpu.yield
      }) : () -> ()
      %dma_start3A = arith.constant 0 : i32
      %dma_start3A_12 = arith.constant 0 : i32
      %dma_start3A_13 = tpu.memref_slice %arg2[%dma_start3A, %dma_start3A_12] : memref<8192x16xf32, #tpu.memory_space<hbm>> -> memref<8192x16xf32, #tpu.memory_space<hbm>>
      tpu.enqueue_indirect_dma source(%dma_start3A_13 : memref<8192x16xf32, #tpu.memory_space<hbm>>) target(%arg6 : memref<128x16xf32, #tpu.memory_space<vmem>>) offsets(%arg5 : memref<128xi32, #tpu.memory_space<vmem>>) semaphore(%arg7 : memref<!tpu.dma_semaphore, #tpu.memory_space<semaphore_mem>>)
      %dma_wait3A = arith.constant 0 : i32
      %dma_wait3A_14 = arith.constant 0 : i32
      %dma_wait3A_15 = tpu.memref_slice %arg2[%dma_wait3A, %dma_wait3A_14] : memref<8192x16xf32, #tpu.memory_space<hbm>> -> memref<8192x16xf32, #tpu.memory_space<hbm>>
      tpu.wait_indirect_dma semaphore(%arg7 : memref<!tpu.dma_semaphore, #tpu.memory_space<semaphore_mem>>) src(%dma_wait3A_15 : memref<8192x16xf32, #tpu.memory_space<hbm>>) dst(%arg6 : memref<128x16xf32, #tpu.memory_space<vmem>>)
      "tpu.region"() ({
        %run_scoped3A = tpu.sem_alloc : memref<!tpu.dma_semaphore, #tpu.memory_space<semaphore_mem>>
        %dma_start3A_16 = arith.constant 0 : i32
        %dma_start3A_17 = tpu.memref_slice %arg4[%multiple_of3A, %dma_start3A_16] : memref<131072x16xf32, #tpu.memory_space<hbm>> -> memref<128x16xf32, #tpu.memory_space<hbm>>
        %dma_start3A_18 = arith.constant 0 : i32
        %dma_start3A_19 = tpu.memref_slice %arg4[%multiple_of3A, %dma_start3A_18] : memref<131072x16xf32, #tpu.memory_space<hbm>> -> memref<128x16xf32, #tpu.memory_space<hbm>>
        tpu.enqueue_dma source(%arg6 : memref<128x16xf32, #tpu.memory_space<vmem>>) target(%dma_start3A_19 : memref<128x16xf32, #tpu.memory_space<hbm>>) target_semaphore(%run_scoped3A : memref<!tpu.dma_semaphore, #tpu.memory_space<semaphore_mem>>)
        %dma_wait3A_20 = arith.constant 0 : i32
        %dma_wait3A_21 = tpu.memref_slice %arg4[%multiple_of3A, %dma_wait3A_20] : memref<131072x16xf32, #tpu.memory_space<hbm>> -> memref<128x16xf32, #tpu.memory_space<hbm>>
        %dma_wait3A_22 = arith.constant 0 : i32
        %dma_wait3A_23 = tpu.memref_slice %arg4[%multiple_of3A, %dma_wait3A_22] : memref<131072x16xf32, #tpu.memory_space<hbm>> -> memref<128x16xf32, #tpu.memory_space<hbm>>
        tpu.wait_dma2 semaphore(%run_scoped3A : memref<!tpu.dma_semaphore, #tpu.memory_space<semaphore_mem>>) src(%arg6 : memref<128x16xf32, #tpu.memory_space<vmem>>) dst(%dma_wait3A_23 : memref<128x16xf32, #tpu.memory_space<hbm>>)
        tpu.yield
      }) : () -> ()
    }
    %scan3A_7 = arith.constant 32 : i32
    return
  }
}

#map = affine_map<(d0, d1) -> (0, 0)>
#map1 = affine_map<(d0, d1) -> (0)>
module attributes {stable_mosaic.version = 14 : i64} {
  func.func @k(%arg0: i32, %arg1: i32, %arg2: memref<8192x256xf32, #tpu.memory_space<hbm>>, %arg3: memref<131072xi32, #tpu.memory_space<hbm>>, %arg4: memref<131072x256xf32, #tpu.memory_space<hbm>>, %arg5: memref<128xi32, #tpu.memory_space<vmem>>, %arg6: memref<128x256xf32, #tpu.memory_space<vmem>>, %arg7: memref<!tpu.dma_semaphore, #tpu.memory_space<semaphore_mem>>) attributes {dimension_semantics = [#tpu.dimension_semantics<core_parallel>, #tpu.dimension_semantics<subcore_parallel>], iteration_bounds = array<i64: 2, 16>, scalar_prefetch = 0 : i64, scratch_operands = 3 : i64, tpu.core_type = #tpu.core_type<sc_vector_subcore>, window_params = [{transform_indices = #map}, {transform_indices = #map1}, {transform_indices = #map}]} {
    %mul3A = arith.constant 2 : i32
    %mul3A_0 = arith.muli %arg1, %mul3A : i32
    %add3A = arith.addi %mul3A_0, %arg0 : i32
    %mul3A_1 = arith.constant 4096 : i32
    %mul3A_2 = arith.muli %add3A, %mul3A_1 : i32
    %scan3A = arith.constant 0 : i32
    %scan3A_3 = arith.constant 0 : i32
    %scan3A_4 = arith.constant 32 : i32
    %scan3A_5 = arith.addi %scan3A_3, %scan3A_4 : i32
    %scan3A_6 = arith.constant 1 : i32
    scf.for %scan3A_8 = %scan3A_3 to %scan3A_5 step %scan3A_6  : i32 {
      %mul3A_9 = arith.constant 128 : i32
      %mul3A_10 = arith.muli %scan3A_8, %mul3A_9 : i32
      %add3A_11 = arith.addi %mul3A_2, %mul3A_10 : i32
      %multiple_of3A = tpu.assume_multiple %add3A_11, 8 : i32
      "tpu.region"() ({
        %run_scoped3A = tpu.sem_alloc : memref<!tpu.dma_semaphore, #tpu.memory_space<semaphore_mem>>
        %dma_start3A_16 = tpu.memref_slice %arg3[%multiple_of3A] : memref<131072xi32, #tpu.memory_space<hbm>> -> memref<128xi32, #tpu.memory_space<hbm>>
        %dma_start3A_17 = tpu.memref_slice %arg3[%multiple_of3A] : memref<131072xi32, #tpu.memory_space<hbm>> -> memref<128xi32, #tpu.memory_space<hbm>>
        tpu.enqueue_dma source(%dma_start3A_17 : memref<128xi32, #tpu.memory_space<hbm>>) target(%arg5 : memref<128xi32, #tpu.memory_space<vmem>>) target_semaphore(%run_scoped3A : memref<!tpu.dma_semaphore, #tpu.memory_space<semaphore_mem>>)
        %dma_wait3A_18 = tpu.memref_slice %arg3[%multiple_of3A] : memref<131072xi32, #tpu.memory_space<hbm>> -> memref<128xi32, #tpu.memory_space<hbm>>
        %dma_wait3A_19 = tpu.memref_slice %arg3[%multiple_of3A] : memref<131072xi32, #tpu.memory_space<hbm>> -> memref<128xi32, #tpu.memory_space<hbm>>
        tpu.wait_dma2 semaphore(%run_scoped3A : memref<!tpu.dma_semaphore, #tpu.memory_space<semaphore_mem>>) src(%dma_wait3A_19 : memref<128xi32, #tpu.memory_space<hbm>>) dst(%arg5 : memref<128xi32, #tpu.memory_space<vmem>>)
        tpu.yield
      }) : () -> ()
      %dma_start3A = arith.constant 0 : i32
      %dma_start3A_12 = arith.constant 0 : i32
      %dma_start3A_13 = tpu.memref_slice %arg2[%dma_start3A, %dma_start3A_12] : memref<8192x256xf32, #tpu.memory_space<hbm>> -> memref<8192x256xf32, #tpu.memory_space<hbm>>
      tpu.enqueue_indirect_dma source(%dma_start3A_13 : memref<8192x256xf32, #tpu.memory_space<hbm>>) target(%arg6 : memref<128x256xf32, #tpu.memory_space<vmem>>) offsets(%arg5 : memref<128xi32, #tpu.memory_space<vmem>>) semaphore(%arg7 : memref<!tpu.dma_semaphore, #tpu.memory_space<semaphore_mem>>)
      %dma_wait3A = arith.constant 0 : i32
      %dma_wait3A_14 = arith.constant 0 : i32
      %dma_wait3A_15 = tpu.memref_slice %arg2[%dma_wait3A, %dma_wait3A_14] : memref<8192x256xf32, #tpu.memory_space<hbm>> -> memref<8192x256xf32, #tpu.memory_space<hbm>>
      tpu.wait_indirect_dma semaphore(%arg7 : memref<!tpu.dma_semaphore, #tpu.memory_space<semaphore_mem>>) src(%dma_wait3A_15 : memref<8192x256xf32, #tpu.memory_space<hbm>>) dst(%arg6 : memref<128x256xf32, #tpu.memory_space<vmem>>)
      "tpu.region"() ({
        %run_scoped3A = tpu.sem_alloc : memref<!tpu.dma_semaphore, #tpu.memory_space<semaphore_mem>>
        %dma_start3A_16 = arith.constant 0 : i32
        %dma_start3A_17 = tpu.memref_slice %arg4[%multiple_of3A, %dma_start3A_16] : memref<131072x256xf32, #tpu.memory_space<hbm>> -> memref<128x256xf32, #tpu.memory_space<hbm>>
        %dma_start3A_18 = arith.constant 0 : i32
        %dma_start3A_19 = tpu.memref_slice %arg4[%multiple_of3A, %dma_start3A_18] : memref<131072x256xf32, #tpu.memory_space<hbm>> -> memref<128x256xf32, #tpu.memory_space<hbm>>
        tpu.enqueue_dma source(%arg6 : memref<128x256xf32, #tpu.memory_space<vmem>>) target(%dma_start3A_19 : memref<128x256xf32, #tpu.memory_space<hbm>>) target_semaphore(%run_scoped3A : memref<!tpu.dma_semaphore, #tpu.memory_space<semaphore_mem>>)
        %dma_wait3A_20 = arith.constant 0 : i32
        %dma_wait3A_21 = tpu.memref_slice %arg4[%multiple_of3A, %dma_wait3A_20] : memref<131072x256xf32, #tpu.memory_space<hbm>> -> memref<128x256xf32, #tpu.memory_space<hbm>>
        %dma_wait3A_22 = arith.constant 0 : i32
        %dma_wait3A_23 = tpu.memref_slice %arg4[%multiple_of3A, %dma_wait3A_22] : memref<131072x256xf32, #tpu.memory_space<hbm>> -> memref<128x256xf32, #tpu.memory_space<hbm>>
        tpu.wait_dma2 semaphore(%run_scoped3A : memref<!tpu.dma_semaphore, #tpu.memory_space<semaphore_mem>>) src(%arg6 : memref<128x256xf32, #tpu.memory_space<vmem>>) dst(%dma_wait3A_23 : memref<128x256xf32, #tpu.memory_space<hbm>>)
        tpu.yield
      }) : () -> ()
    }
    %scan3A_7 = arith.constant 32 : i32
    return
  }
}

#map = affine_map<(d0, d1) -> (0, 0)>
#map1 = affine_map<(d0, d1) -> (0)>
module attributes {stable_mosaic.version = 14 : i64} {
  func.func @k(%arg0: i32, %arg1: i32, %arg2: memref<8192x256xf32, #tpu.memory_space<hbm>>, %arg3: memref<131072xi32, #tpu.memory_space<hbm>>, %arg4: memref<131072x256xf32, #tpu.memory_space<hbm>>, %arg5: memref<128xi32, #tpu.memory_space<vmem>>, %arg6: memref<128x256xf32, #tpu.memory_space<vmem>>, %arg7: memref<!tpu.dma_semaphore, #tpu.memory_space<semaphore_mem>>) attributes {dimension_semantics = [#tpu.dimension_semantics<core_parallel>, #tpu.dimension_semantics<subcore_parallel>], iteration_bounds = array<i64: 2, 16>, scalar_prefetch = 0 : i64, scratch_operands = 3 : i64, tpu.core_type = #tpu.core_type<sc_vector_subcore>, window_params = [{transform_indices = #map}, {transform_indices = #map1}, {transform_indices = #map}]} {
    %mul3A = arith.constant 2 : i32
    %mul3A_0 = arith.muli %arg1, %mul3A : i32
    %add3A = arith.addi %mul3A_0, %arg0 : i32
    %mul3A_1 = arith.constant 4096 : i32
    %mul3A_2 = arith.muli %add3A, %mul3A_1 : i32
    %scan3A = arith.constant 0 : i32
    %scan3A_3 = arith.constant 0 : i32
    %scan3A_4 = arith.constant 32 : i32
    %scan3A_5 = arith.addi %scan3A_3, %scan3A_4 : i32
    %scan3A_6 = arith.constant 1 : i32
    scf.for %scan3A_8 = %scan3A_3 to %scan3A_5 step %scan3A_6  : i32 {
      %mul3A_9 = arith.constant 128 : i32
      %mul3A_10 = arith.muli %scan3A_8, %mul3A_9 : i32
      %add3A_11 = arith.addi %mul3A_2, %mul3A_10 : i32
      %multiple_of3A = tpu.assume_multiple %add3A_11, 8 : i32
      "tpu.region"() ({
        %run_scoped3A = tpu.sem_alloc : memref<!tpu.dma_semaphore, #tpu.memory_space<semaphore_mem>>
        %dma_start3A_16 = tpu.memref_slice %arg3[%multiple_of3A] : memref<131072xi32, #tpu.memory_space<hbm>> -> memref<128xi32, #tpu.memory_space<hbm>>
        %dma_start3A_17 = tpu.memref_slice %arg3[%multiple_of3A] : memref<131072xi32, #tpu.memory_space<hbm>> -> memref<128xi32, #tpu.memory_space<hbm>>
        tpu.enqueue_dma source(%dma_start3A_17 : memref<128xi32, #tpu.memory_space<hbm>>) target(%arg5 : memref<128xi32, #tpu.memory_space<vmem>>) target_semaphore(%run_scoped3A : memref<!tpu.dma_semaphore, #tpu.memory_space<semaphore_mem>>)
        %dma_wait3A_18 = tpu.memref_slice %arg3[%multiple_of3A] : memref<131072xi32, #tpu.memory_space<hbm>> -> memref<128xi32, #tpu.memory_space<hbm>>
        %dma_wait3A_19 = tpu.memref_slice %arg3[%multiple_of3A] : memref<131072xi32, #tpu.memory_space<hbm>> -> memref<128xi32, #tpu.memory_space<hbm>>
        tpu.wait_dma2 semaphore(%run_scoped3A : memref<!tpu.dma_semaphore, #tpu.memory_space<semaphore_mem>>) src(%dma_wait3A_19 : memref<128xi32, #tpu.memory_space<hbm>>) dst(%arg5 : memref<128xi32, #tpu.memory_space<vmem>>)
        tpu.yield
      }) : () -> ()
      %dma_start3A = arith.constant 0 : i32
      %dma_start3A_12 = arith.constant 0 : i32
      %dma_start3A_13 = tpu.memref_slice %arg2[%dma_start3A, %dma_start3A_12] : memref<8192x256xf32, #tpu.memory_space<hbm>> -> memref<8192x256xf32, #tpu.memory_space<hbm>>
      tpu.enqueue_indirect_dma source(%dma_start3A_13 : memref<8192x256xf32, #tpu.memory_space<hbm>>) target(%arg6 : memref<128x256xf32, #tpu.memory_space<vmem>>) offsets(%arg5 : memref<128xi32, #tpu.memory_space<vmem>>) semaphore(%arg7 : memref<!tpu.dma_semaphore, #tpu.memory_space<semaphore_mem>>)
      %dma_wait3A = arith.constant 0 : i32
      %dma_wait3A_14 = arith.constant 0 : i32
      %dma_wait3A_15 = tpu.memref_slice %arg2[%dma_wait3A, %dma_wait3A_14] : memref<8192x256xf32, #tpu.memory_space<hbm>> -> memref<8192x256xf32, #tpu.memory_space<hbm>>
      tpu.wait_indirect_dma semaphore(%arg7 : memref<!tpu.dma_semaphore, #tpu.memory_space<semaphore_mem>>) src(%dma_wait3A_15 : memref<8192x256xf32, #tpu.memory_space<hbm>>) dst(%arg6 : memref<128x256xf32, #tpu.memory_space<vmem>>)
      "tpu.region"() ({
        %run_scoped3A = tpu.sem_alloc : memref<!tpu.dma_semaphore, #tpu.memory_space<semaphore_mem>>
        %dma_start3A_16 = arith.constant 0 : i32
        %dma_start3A_17 = tpu.memref_slice %arg4[%multiple_of3A, %dma_start3A_16] : memref<131072x256xf32, #tpu.memory_space<hbm>> -> memref<128x256xf32, #tpu.memory_space<hbm>>
        %dma_start3A_18 = arith.constant 0 : i32
        %dma_start3A_19 = tpu.memref_slice %arg4[%multiple_of3A, %dma_start3A_18] : memref<131072x256xf32, #tpu.memory_space<hbm>> -> memref<128x256xf32, #tpu.memory_space<hbm>>
        tpu.enqueue_dma source(%arg6 : memref<128x256xf32, #tpu.memory_space<vmem>>) target(%dma_start3A_19 : memref<128x256xf32, #tpu.memory_space<hbm>>) target_semaphore(%run_scoped3A : memref<!tpu.dma_semaphore, #tpu.memory_space<semaphore_mem>>)
        %dma_wait3A_20 = arith.constant 0 : i32
        %dma_wait3A_21 = tpu.memref_slice %arg4[%multiple_of3A, %dma_wait3A_20] : memref<131072x256xf32, #tpu.memory_space<hbm>> -> memref<128x256xf32, #tpu.memory_space<hbm>>
        %dma_wait3A_22 = arith.constant 0 : i32
        %dma_wait3A_23 = tpu.memref_slice %arg4[%multiple_of3A, %dma_wait3A_22] : memref<131072x256xf32, #tpu.memory_space<hbm>> -> memref<128x256xf32, #tpu.memory_space<hbm>>
        tpu.wait_dma2 semaphore(%run_scoped3A : memref<!tpu.dma_semaphore, #tpu.memory_space<semaphore_mem>>) src(%arg6 : memref<128x256xf32, #tpu.memory_space<vmem>>) dst(%dma_wait3A_23 : memref<128x256xf32, #tpu.memory_space<hbm>>)
        tpu.yield
      }) : () -> ()
    }
    %scan3A_7 = arith.constant 32 : i32
    return
  }
}

module attributes {stable_mosaic.version = 14 : i64} {
  func.func @_knn_body(%arg0: i32, %arg1: memref<512x128xf32, #tpu.memory_space<vmem>>, %arg2: memref<128x8192xf32, #tpu.memory_space<vmem>>, %arg3: memref<512x1xi32, #tpu.memory_space<vmem>>, %arg4: memref<1x8192xi32, #tpu.memory_space<vmem>>, %arg5: memref<512x16xi32, #tpu.memory_space<vmem>>, %arg6: memref<512x16xf32, #tpu.memory_space<vmem>>, %arg7: memref<512x16xi32, #tpu.memory_space<vmem>>) attributes {dimension_semantics = [#tpu.dimension_semantics<arbitrary>], iteration_bounds = array<i64: 16>, scalar_prefetch = 0 : i64, scratch_operands = 2 : i64, tpu.core_type = #tpu.core_type<tc>, window_params = [{transform_indices = @transform_0, window_bounds = array<i64: 512, 128>}, {pipeline_mode = #tpu.pipeline_mode<synchronous>, transform_indices = @transform_1, window_bounds = array<i64: 128, 8192>}, {transform_indices = @transform_2, window_bounds = array<i64: 512, 1>}, {pipeline_mode = #tpu.pipeline_mode<synchronous>, transform_indices = @transform_3, window_bounds = array<i64: 1, 8192>}, {transform_indices = @transform_4, window_bounds = array<i64: 512, 16>}]} {
    %broadcast_in_dim3A = arith.constant 0x7F800000 : f32
    %broadcast_in_dim3A_0 = vector.broadcast %broadcast_in_dim3A : f32 to vector<512x16xf32>
    %swap3A = arith.constant 0 : index
    %swap3A_1 = arith.constant 0 : index
    %swap3A_2 = vector.load %arg6[%swap3A, %swap3A_1] : memref<512x16xf32, #tpu.memory_space<vmem>>, vector<512x16xf32>
    tpu.vector_store %arg6[%swap3A, %swap3A_1], %broadcast_in_dim3A_0 {strides = array<i32>} : memref<512x16xf32, #tpu.memory_space<vmem>>, vector<512x16xf32>,
    %broadcast_in_dim3A_3 = arith.constant 0 : i32
    %broadcast_in_dim3A_4 = vector.broadcast %broadcast_in_dim3A_3 : i32 to vector<512x16xi32>
    %swap3A_5 = arith.constant 0 : index
    %swap3A_6 = arith.constant 0 : index
    %swap3A_7 = vector.load %arg7[%swap3A_5, %swap3A_6] : memref<512x16xi32, #tpu.memory_space<vmem>>, vector<512x16xi32>
    tpu.vector_store %arg7[%swap3A_5, %swap3A_6], %broadcast_in_dim3A_4 {strides = array<i32>} : memref<512x16xi32, #tpu.memory_space<vmem>>, vector<512x16xi32>,
    %get3A = arith.constant 0 : index
    %get3A_8 = arith.constant 0 : index
    %get3A_9 = vector.load %arg3[%get3A, %get3A_8] : memref<512x1xi32, #tpu.memory_space<vmem>>, vector<1x1xi32>
    %get3A_10 = vector.extract %get3A_9[0, 0] : i32 from vector<1x1xi32>
    %get3A_11 = arith.constant 511 : index
    %get3A_12 = arith.constant 0 : index
    %get3A_13 = vector.load %arg3[%get3A_11, %get3A_12] : memref<512x1xi32, #tpu.memory_space<vmem>>, vector<1x1xi32>
    %get3A_14 = vector.extract %get3A_13[0, 0] : i32 from vector<1x1xi32>
    %get3A_15 = arith.constant 0 : index
    %get3A_16 = arith.constant 0 : index
    %get3A_17 = vector.load %arg1[%get3A_15, %get3A_16] : memref<512x128xf32, #tpu.memory_space<vmem>>, vector<512x128xf32>
    %mul3A = arith.mulf %get3A_17, %get3A_17 : vector<512x128xf32>
    %reduce_sum3A = arith.constant dense<0.000000e+00> : vector<512xf32>
    %reduce_sum3A_18 = vector.multi_reduction <add>, %mul3A, %reduce_sum3A [1] : vector<512x128xf32> to vector<512xf32>
    %broadcast_in_dim3A_19 = vector.shape_cast %reduce_sum3A_18 : vector<512xf32> to vector<512x1xf32>
    %get3A_20 = arith.constant 0 : index
    %get3A_21 = arith.constant 0 : index
    %get3A_22 = vector.load %arg3[%get3A_20, %get3A_21] : memref<512x1xi32, #tpu.memory_space<vmem>>, vector<512x1xi32>
    %scan3A = arith.constant 0 : i32
    %scan3A_23 = arith.constant 16 : i32
    %scan3A_24 = arith.addi %scan3A, %scan3A_23 : i32
    %scan3A_25 = arith.constant 1 : i32
    scf.for %scan3A_33 = %scan3A to %scan3A_24 step %scan3A_25  : i32 {
      %mul3A_34 = arith.constant 512 : i32
      %mul3A_35 = arith.muli %scan3A_33, %mul3A_34 : i32
      %multiple_of3A = tpu.assume_multiple %mul3A_35, 512 : i32
      %get3A_36 = arith.constant 0 : index
      %get3A_37 = arith.index_cast %multiple_of3A : i32 to index
      %get3A_38 = vector.load %arg4[%get3A_36, %get3A_37] : memref<1x8192xi32, #tpu.memory_space<vmem>>, vector<1x512xi32>
      %slice3A = vector.extract_strided_slice %get3A_38 {offsets = [0, 0], sizes = [1, 1], strides = [1, 1]} : vector<1x512xi32> to vector<1x1xi32>
      %squeeze3A = vector.extract %slice3A[0, 0] : i32 from vector<1x1xi32>
      %slice3A_39 = vector.extract_strided_slice %get3A_38 {offsets = [0, 511], sizes = [1, 1], strides = [1, 1]} : vector<1x512xi32> to vector<1x1xi32>
      %squeeze3A_40 = vector.extract %slice3A_39[0, 0] : i32 from vector<1x1xi32>
      %le3A = arith.cmpi sle, %squeeze3A, %get3A_14 : i32
      %ge3A = arith.cmpi sge, %squeeze3A_40, %get3A_10 : i32
      %and3A = arith.andi %le3A, %ge3A : i1
      %convert_element_type3A = arith.extui %and3A : i1 to i32
      %cond3A = arith.constant 0 : i32
      %cond3A_41 = arith.cmpi ne, %convert_element_type3A, %cond3A : i32
      scf.if %cond3A_41 {
        %get3A_42 = arith.constant 0 : index
        %get3A_43 = arith.index_cast %multiple_of3A : i32 to index
        %get3A_44 = vector.load %arg2[%get3A_42, %get3A_43] : memref<128x8192xf32, #tpu.memory_space<vmem>>, vector<128x512xf32>
        %dot_general3A = arith.constant dense<0.000000e+00> : vector<512x512xf32>
        %dot_general3A_45 = tpu.matmul %get3A_17, %get3A_44, %dot_general3A {dimension_numbers = #tpu.dot_dimension_numbers<[1], [0], [0], [1], [0, 0, 1, 1], [], []>, transpose_lhs_hint = false} : vector<512x128xf32>, vector<128x512xf32>, vector<512x512xf32> -> vector<512x512xf32>
        %mul3A_46 = arith.mulf %get3A_44, %get3A_44 : vector<128x512xf32>
        %reduce_sum3A_47 = arith.constant dense<0.000000e+00> : vector<512xf32>
        %reduce_sum3A_48 = vector.multi_reduction <add>, %mul3A_46, %reduce_sum3A_47 [0] : vector<128x512xf32> to vector<512xf32>
        %broadcast_in_dim3A_49 = vector.shape_cast %reduce_sum3A_48 : vector<512xf32> to vector<1x512xf32>
        %add3A = vector.broadcast %broadcast_in_dim3A_19 : vector<512x1xf32> to vector<512x512xf32>
        %add3A_50 = vector.broadcast %broadcast_in_dim3A_49 : vector<1x512xf32> to vector<512x512xf32>
        %add3A_51 = arith.addf %add3A, %add3A_50 : vector<512x512xf32>
        %mul3A_52 = arith.constant 2.000000e+00 : f32
        %mul3A_53 = vector.broadcast %mul3A_52 : f32 to vector<512x512xf32>
        %mul3A_54 = arith.mulf %mul3A_53, %dot_general3A_45 : vector<512x512xf32>
        %sub3A = arith.subf %add3A_51, %mul3A_54 : vector<512x512xf32>
        %eq3A = vector.broadcast %get3A_22 : vector<512x1xi32> to vector<512x512xi32>
        %eq3A_55 = vector.broadcast %get3A_38 : vector<1x512xi32> to vector<512x512xi32>
        %eq3A_56 = arith.cmpi eq, %eq3A, %eq3A_55 : vector<512x512xi32>
        %jit3A = arith.constant 0x7F800000 : f32
        %broadcast_in_dim3A_57 = vector.broadcast %jit3A : f32 to vector<512x512xf32>
        %select_n3A = arith.select %eq3A_56, %sub3A, %broadcast_in_dim3A_57 : vector<512x512xi1>, vector<512x512xf32>
        %iota3A = tpu.iota {dimensions = array<i32: 1>} : vector<512x512xi32>
        %add3A_58 = vector.broadcast %multiple_of3A : i32 to vector<512x512xi32>
        %add3A_59 = arith.addi %iota3A, %add3A_58 : vector<512x512xi32>
        %get3A_60 = arith.constant 0 : index
        %get3A_61 = arith.constant 0 : index
        %get3A_62 = vector.load %arg6[%get3A_60, %get3A_61] : memref<512x16xf32, #tpu.memory_space<vmem>>, vector<512x16xf32>
        %concatenate3A = tpu.concatenate %get3A_62, %select_n3A in 1 : vector<512x16xf32>, vector<512x512xf32> -> vector<512x528xf32>
        %get3A_63 = arith.constant 0 : index
        %get3A_64 = arith.constant 0 : index
        %get3A_65 = vector.load %arg7[%get3A_63, %get3A_64] : memref<512x16xi32, #tpu.memory_space<vmem>>, vector<512x16xi32>
        %concatenate3A_66 = tpu.concatenate %get3A_65, %add3A_59 in 1 : vector<512x16xi32>, vector<512x512xi32> -> vector<512x528xi32>
        %iota3A_67 = tpu.iota {dimensions = array<i32: 1>} : vector<512x528xi32>
        %argmin3A = tpu.reduce_index %concatenate3A {axis = 1 : i32, kind = #tpu.reduction_kind<arg_min>} : vector<512x528xf32> -> vector<512xi32>
        %reshape3A = vector.shape_cast %argmin3A : vector<512xi32> to vector<512x1xi32>
        %eq3A_68 = vector.broadcast %reshape3A : vector<512x1xi32> to vector<512x528xi32>
        %eq3A_69 = arith.cmpi eq, %iota3A_67, %eq3A_68 : vector<512x528xi32>
        %reduce_min3A = arith.constant dense<0x7F800000> : vector<512xf32>
        %reduce_min3A_70 = vector.multi_reduction <minimumf>, %concatenate3A, %reduce_min3A [1] : vector<512x528xf32> to vector<512xf32>
        %broadcast_in_dim3A_71 = vector.shape_cast %reduce_min3A_70 : vector<512xf32> to vector<512x1xf32>
        %swap3A_72 = arith.constant 0 : index
        %swap3A_73 = arith.constant 0 : index
        %swap3A_74 = vector.load %arg6[%swap3A_72, %swap3A_73] : memref<512x16xf32, #tpu.memory_space<vmem>>, vector<512x1xf32>
        tpu.vector_store %arg6[%swap3A_72, %swap3A_73], %broadcast_in_dim3A_71 {strides = array<i32>} : memref<512x16xf32, #tpu.memory_space<vmem>>, vector<512x1xf32>,
        %jit3A_75 = arith.constant 1073741824 : i32
        %broadcast_in_dim3A_76 = vector.broadcast %jit3A_75 : i32 to vector<512x528xi32>
        %select_n3A_77 = arith.select %eq3A_69, %concatenate3A_66, %broadcast_in_dim3A_76 : vector<512x528xi1>, vector<512x528xi32>
        %reduce_min3A_78 = arith.constant dense<2147483647> : vector<512xi32>
        %reduce_min3A_79 = vector.multi_reduction <minsi>, %select_n3A_77, %reduce_min3A_78 [1] : vector<512x528xi32> to vector<512xi32>
        %broadcast_in_dim3A_80 = vector.shape_cast %reduce_min3A_79 : vector<512xi32> to vector<512x1xi32>
        %swap3A_81 = arith.constant 0 : index
        %swap3A_82 = arith.constant 0 : index
        %swap3A_83 = vector.load %arg7[%swap3A_81, %swap3A_82] : memref<512x16xi32, #tpu.memory_space<vmem>>, vector<512x1xi32>
        tpu.vector_store %arg7[%swap3A_81, %swap3A_82], %broadcast_in_dim3A_80 {strides = array<i32>} : memref<512x16xi32, #tpu.memory_space<vmem>>, vector<512x1xi32>,
        %jit3A_84 = arith.constant 0x7F800000 : f32
        %broadcast_in_dim3A_85 = vector.broadcast %jit3A_84 : f32 to vector<512x528xf32>
        %select_n3A_86 = arith.select %eq3A_69, %broadcast_in_dim3A_85, %concatenate3A : vector<512x528xi1>, vector<512x528xf32>
        %argmin3A_87 = tpu.reduce_index %select_n3A_86 {axis = 1 : i32, kind = #tpu.reduction_kind<arg_min>} : vector<512x528xf32> -> vector<512xi32>
        %reshape3A_88 = vector.shape_cast %argmin3A_87 : vector<512xi32> to vector<512x1xi32>
        %eq3A_89 = vector.broadcast %reshape3A_88 : vector<512x1xi32> to vector<512x528xi32>
        %eq3A_90 = arith.cmpi eq, %iota3A_67, %eq3A_89 : vector<512x528xi32>
        %reduce_min3A_91 = arith.constant dense<0x7F800000> : vector<512xf32>
        %reduce_min3A_92 = vector.multi_reduction <minimumf>, %select_n3A_86, %reduce_min3A_91 [1] : vector<512x528xf32> to vector<512xf32>
        %broadcast_in_dim3A_93 = vector.shape_cast %reduce_min3A_92 : vector<512xf32> to vector<512x1xf32>
        %swap3A_94 = arith.constant 0 : index
        %swap3A_95 = arith.constant 1 : index
        %swap3A_96 = vector.load %arg6[%swap3A_94, %swap3A_95] : memref<512x16xf32, #tpu.memory_space<vmem>>, vector<512x1xf32>
        tpu.vector_store %arg6[%swap3A_94, %swap3A_95], %broadcast_in_dim3A_93 {strides = array<i32>} : memref<512x16xf32, #tpu.memory_space<vmem>>, vector<512x1xf32>,
        %jit3A_97 = arith.constant 1073741824 : i32
        %broadcast_in_dim3A_98 = vector.broadcast %jit3A_97 : i32 to vector<512x528xi32>
        %select_n3A_99 = arith.select %eq3A_90, %concatenate3A_66, %broadcast_in_dim3A_98 : vector<512x528xi1>, vector<512x528xi32>
        %reduce_min3A_100 = arith.constant dense<2147483647> : vector<512xi32>
        %reduce_min3A_101 = vector.multi_reduction <minsi>, %select_n3A_99, %reduce_min3A_100 [1] : vector<512x528xi32> to vector<512xi32>
        %broadcast_in_dim3A_102 = vector.shape_cast %reduce_min3A_101 : vector<512xi32> to vector<512x1xi32>
        %swap3A_103 = arith.constant 0 : index
        %swap3A_104 = arith.constant 1 : index
        %swap3A_105 = vector.load %arg7[%swap3A_103, %swap3A_104] : memref<512x16xi32, #tpu.memory_space<vmem>>, vector<512x1xi32>
        tpu.vector_store %arg7[%swap3A_103, %swap3A_104], %broadcast_in_dim3A_102 {strides = array<i32>} : memref<512x16xi32, #tpu.memory_space<vmem>>, vector<512x1xi32>,
        %jit3A_106 = arith.constant 0x7F800000 : f32
        %broadcast_in_dim3A_107 = vector.broadcast %jit3A_106 : f32 to vector<512x528xf32>
        %select_n3A_108 = arith.select %eq3A_90, %broadcast_in_dim3A_107, %select_n3A_86 : vector<512x528xi1>, vector<512x528xf32>
        %argmin3A_109 = tpu.reduce_index %select_n3A_108 {axis = 1 : i32, kind = #tpu.reduction_kind<arg_min>} : vector<512x528xf32> -> vector<512xi32>
        %reshape3A_110 = vector.shape_cast %argmin3A_109 : vector<512xi32> to vector<512x1xi32>
        %eq3A_111 = vector.broadcast %reshape3A_110 : vector<512x1xi32> to vector<512x528xi32>
        %eq3A_112 = arith.cmpi eq, %iota3A_67, %eq3A_111 : vector<512x528xi32>
        %reduce_min3A_113 = arith.constant dense<0x7F800000> : vector<512xf32>
        %reduce_min3A_114 = vector.multi_reduction <minimumf>, %select_n3A_108, %reduce_min3A_113 [1] : vector<512x528xf32> to vector<512xf32>
        %broadcast_in_dim3A_115 = vector.shape_cast %reduce_min3A_114 : vector<512xf32> to vector<512x1xf32>
        %swap3A_116 = arith.constant 0 : index
        %swap3A_117 = arith.constant 2 : index
        %swap3A_118 = vector.load %arg6[%swap3A_116, %swap3A_117] : memref<512x16xf32, #tpu.memory_space<vmem>>, vector<512x1xf32>
        tpu.vector_store %arg6[%swap3A_116, %swap3A_117], %broadcast_in_dim3A_115 {strides = array<i32>} : memref<512x16xf32, #tpu.memory_space<vmem>>, vector<512x1xf32>,
        %jit3A_119 = arith.constant 1073741824 : i32
        %broadcast_in_dim3A_120 = vector.broadcast %jit3A_119 : i32 to vector<512x528xi32>
        %select_n3A_121 = arith.select %eq3A_112, %concatenate3A_66, %broadcast_in_dim3A_120 : vector<512x528xi1>, vector<512x528xi32>
        %reduce_min3A_122 = arith.constant dense<2147483647> : vector<512xi32>
        %reduce_min3A_123 = vector.multi_reduction <minsi>, %select_n3A_121, %reduce_min3A_122 [1] : vector<512x528xi32> to vector<512xi32>
        %broadcast_in_dim3A_124 = vector.shape_cast %reduce_min3A_123 : vector<512xi32> to vector<512x1xi32>
        %swap3A_125 = arith.constant 0 : index
        %swap3A_126 = arith.constant 2 : index
        %swap3A_127 = vector.load %arg7[%swap3A_125, %swap3A_126] : memref<512x16xi32, #tpu.memory_space<vmem>>, vector<512x1xi32>
        tpu.vector_store %arg7[%swap3A_125, %swap3A_126], %broadcast_in_dim3A_124 {strides = array<i32>} : memref<512x16xi32, #tpu.memory_space<vmem>>, vector<512x1xi32>,
        %jit3A_128 = arith.constant 0x7F800000 : f32
        %broadcast_in_dim3A_129 = vector.broadcast %jit3A_128 : f32 to vector<512x528xf32>
        %select_n3A_130 = arith.select %eq3A_112, %broadcast_in_dim3A_129, %select_n3A_108 : vector<512x528xi1>, vector<512x528xf32>
        %argmin3A_131 = tpu.reduce_index %select_n3A_130 {axis = 1 : i32, kind = #tpu.reduction_kind<arg_min>} : vector<512x528xf32> -> vector<512xi32>
        %reshape3A_132 = vector.shape_cast %argmin3A_131 : vector<512xi32> to vector<512x1xi32>
        %eq3A_133 = vector.broadcast %reshape3A_132 : vector<512x1xi32> to vector<512x528xi32>
        %eq3A_134 = arith.cmpi eq, %iota3A_67, %eq3A_133 : vector<512x528xi32>
        %reduce_min3A_135 = arith.constant dense<0x7F800000> : vector<512xf32>
        %reduce_min3A_136 = vector.multi_reduction <minimumf>, %select_n3A_130, %reduce_min3A_135 [1] : vector<512x528xf32> to vector<512xf32>
        %broadcast_in_dim3A_137 = vector.shape_cast %reduce_min3A_136 : vector<512xf32> to vector<512x1xf32>
        %swap3A_138 = arith.constant 0 : index
        %swap3A_139 = arith.constant 3 : index
        %swap3A_140 = vector.load %arg6[%swap3A_138, %swap3A_139] : memref<512x16xf32, #tpu.memory_space<vmem>>, vector<512x1xf32>
        tpu.vector_store %arg6[%swap3A_138, %swap3A_139], %broadcast_in_dim3A_137 {strides = array<i32>} : memref<512x16xf32, #tpu.memory_space<vmem>>, vector<512x1xf32>,
        %jit3A_141 = arith.constant 1073741824 : i32
        %broadcast_in_dim3A_142 = vector.broadcast %jit3A_141 : i32 to vector<512x528xi32>
        %select_n3A_143 = arith.select %eq3A_134, %concatenate3A_66, %broadcast_in_dim3A_142 : vector<512x528xi1>, vector<512x528xi32>
        %reduce_min3A_144 = arith.constant dense<2147483647> : vector<512xi32>
        %reduce_min3A_145 = vector.multi_reduction <minsi>, %select_n3A_143, %reduce_min3A_144 [1] : vector<512x528xi32> to vector<512xi32>
        %broadcast_in_dim3A_146 = vector.shape_cast %reduce_min3A_145 : vector<512xi32> to vector<512x1xi32>
        %swap3A_147 = arith.constant 0 : index
        %swap3A_148 = arith.constant 3 : index
        %swap3A_149 = vector.load %arg7[%swap3A_147, %swap3A_148] : memref<512x16xi32, #tpu.memory_space<vmem>>, vector<512x1xi32>
        tpu.vector_store %arg7[%swap3A_147, %swap3A_148], %broadcast_in_dim3A_146 {strides = array<i32>} : memref<512x16xi32, #tpu.memory_space<vmem>>, vector<512x1xi32>,
        %jit3A_150 = arith.constant 0x7F800000 : f32
        %broadcast_in_dim3A_151 = vector.broadcast %jit3A_150 : f32 to vector<512x528xf32>
        %select_n3A_152 = arith.select %eq3A_134, %broadcast_in_dim3A_151, %select_n3A_130 : vector<512x528xi1>, vector<512x528xf32>
        %argmin3A_153 = tpu.reduce_index %select_n3A_152 {axis = 1 : i32, kind = #tpu.reduction_kind<arg_min>} : vector<512x528xf32> -> vector<512xi32>
        %reshape3A_154 = vector.shape_cast %argmin3A_153 : vector<512xi32> to vector<512x1xi32>
        %eq3A_155 = vector.broadcast %reshape3A_154 : vector<512x1xi32> to vector<512x528xi32>
        %eq3A_156 = arith.cmpi eq, %iota3A_67, %eq3A_155 : vector<512x528xi32>
        %reduce_min3A_157 = arith.constant dense<0x7F800000> : vector<512xf32>
        %reduce_min3A_158 = vector.multi_reduction <minimumf>, %select_n3A_152, %reduce_min3A_157 [1] : vector<512x528xf32> to vector<512xf32>
        %broadcast_in_dim3A_159 = vector.shape_cast %reduce_min3A_158 : vector<512xf32> to vector<512x1xf32>
        %swap3A_160 = arith.constant 0 : index
        %swap3A_161 = arith.constant 4 : index
        %swap3A_162 = vector.load %arg6[%swap3A_160, %swap3A_161] : memref<512x16xf32, #tpu.memory_space<vmem>>, vector<512x1xf32>
        tpu.vector_store %arg6[%swap3A_160, %swap3A_161], %broadcast_in_dim3A_159 {strides = array<i32>} : memref<512x16xf32, #tpu.memory_space<vmem>>, vector<512x1xf32>,
        %jit3A_163 = arith.constant 1073741824 : i32
        %broadcast_in_dim3A_164 = vector.broadcast %jit3A_163 : i32 to vector<512x528xi32>
        %select_n3A_165 = arith.select %eq3A_156, %concatenate3A_66, %broadcast_in_dim3A_164 : vector<512x528xi1>, vector<512x528xi32>
        %reduce_min3A_166 = arith.constant dense<2147483647> : vector<512xi32>
        %reduce_min3A_167 = vector.multi_reduction <minsi>, %select_n3A_165, %reduce_min3A_166 [1] : vector<512x528xi32> to vector<512xi32>
        %broadcast_in_dim3A_168 = vector.shape_cast %reduce_min3A_167 : vector<512xi32> to vector<512x1xi32>
        %swap3A_169 = arith.constant 0 : index
        %swap3A_170 = arith.constant 4 : index
        %swap3A_171 = vector.load %arg7[%swap3A_169, %swap3A_170] : memref<512x16xi32, #tpu.memory_space<vmem>>, vector<512x1xi32>
        tpu.vector_store %arg7[%swap3A_169, %swap3A_170], %broadcast_in_dim3A_168 {strides = array<i32>} : memref<512x16xi32, #tpu.memory_space<vmem>>, vector<512x1xi32>,
        %jit3A_172 = arith.constant 0x7F800000 : f32
        %broadcast_in_dim3A_173 = vector.broadcast %jit3A_172 : f32 to vector<512x528xf32>
        %select_n3A_174 = arith.select %eq3A_156, %broadcast_in_dim3A_173, %select_n3A_152 : vector<512x528xi1>, vector<512x528xf32>
        %argmin3A_175 = tpu.reduce_index %select_n3A_174 {axis = 1 : i32, kind = #tpu.reduction_kind<arg_min>} : vector<512x528xf32> -> vector<512xi32>
        %reshape3A_176 = vector.shape_cast %argmin3A_175 : vector<512xi32> to vector<512x1xi32>
        %eq3A_177 = vector.broadcast %reshape3A_176 : vector<512x1xi32> to vector<512x528xi32>
        %eq3A_178 = arith.cmpi eq, %iota3A_67, %eq3A_177 : vector<512x528xi32>
        %reduce_min3A_179 = arith.constant dense<0x7F800000> : vector<512xf32>
        %reduce_min3A_180 = vector.multi_reduction <minimumf>, %select_n3A_174, %reduce_min3A_179 [1] : vector<512x528xf32> to vector<512xf32>
        %broadcast_in_dim3A_181 = vector.shape_cast %reduce_min3A_180 : vector<512xf32> to vector<512x1xf32>
        %swap3A_182 = arith.constant 0 : index
        %swap3A_183 = arith.constant 5 : index
        %swap3A_184 = vector.load %arg6[%swap3A_182, %swap3A_183] : memref<512x16xf32, #tpu.memory_space<vmem>>, vector<512x1xf32>
        tpu.vector_store %arg6[%swap3A_182, %swap3A_183], %broadcast_in_dim3A_181 {strides = array<i32>} : memref<512x16xf32, #tpu.memory_space<vmem>>, vector<512x1xf32>,
        %jit3A_185 = arith.constant 1073741824 : i32
        %broadcast_in_dim3A_186 = vector.broadcast %jit3A_185 : i32 to vector<512x528xi32>
        %select_n3A_187 = arith.select %eq3A_178, %concatenate3A_66, %broadcast_in_dim3A_186 : vector<512x528xi1>, vector<512x528xi32>
        %reduce_min3A_188 = arith.constant dense<2147483647> : vector<512xi32>
        %reduce_min3A_189 = vector.multi_reduction <minsi>, %select_n3A_187, %reduce_min3A_188 [1] : vector<512x528xi32> to vector<512xi32>
        %broadcast_in_dim3A_190 = vector.shape_cast %reduce_min3A_189 : vector<512xi32> to vector<512x1xi32>
        %swap3A_191 = arith.constant 0 : index
        %swap3A_192 = arith.constant 5 : index
        %swap3A_193 = vector.load %arg7[%swap3A_191, %swap3A_192] : memref<512x16xi32, #tpu.memory_space<vmem>>, vector<512x1xi32>
        tpu.vector_store %arg7[%swap3A_191, %swap3A_192], %broadcast_in_dim3A_190 {strides = array<i32>} : memref<512x16xi32, #tpu.memory_space<vmem>>, vector<512x1xi32>,
        %jit3A_194 = arith.constant 0x7F800000 : f32
        %broadcast_in_dim3A_195 = vector.broadcast %jit3A_194 : f32 to vector<512x528xf32>
        %select_n3A_196 = arith.select %eq3A_178, %broadcast_in_dim3A_195, %select_n3A_174 : vector<512x528xi1>, vector<512x528xf32>
        %argmin3A_197 = tpu.reduce_index %select_n3A_196 {axis = 1 : i32, kind = #tpu.reduction_kind<arg_min>} : vector<512x528xf32> -> vector<512xi32>
        %reshape3A_198 = vector.shape_cast %argmin3A_197 : vector<512xi32> to vector<512x1xi32>
        %eq3A_199 = vector.broadcast %reshape3A_198 : vector<512x1xi32> to vector<512x528xi32>
        %eq3A_200 = arith.cmpi eq, %iota3A_67, %eq3A_199 : vector<512x528xi32>
        %reduce_min3A_201 = arith.constant dense<0x7F800000> : vector<512xf32>
        %reduce_min3A_202 = vector.multi_reduction <minimumf>, %select_n3A_196, %reduce_min3A_201 [1] : vector<512x528xf32> to vector<512xf32>
        %broadcast_in_dim3A_203 = vector.shape_cast %reduce_min3A_202 : vector<512xf32> to vector<512x1xf32>
        %swap3A_204 = arith.constant 0 : index
        %swap3A_205 = arith.constant 6 : index
        %swap3A_206 = vector.load %arg6[%swap3A_204, %swap3A_205] : memref<512x16xf32, #tpu.memory_space<vmem>>, vector<512x1xf32>
        tpu.vector_store %arg6[%swap3A_204, %swap3A_205], %broadcast_in_dim3A_203 {strides = array<i32>} : memref<512x16xf32, #tpu.memory_space<vmem>>, vector<512x1xf32>,
        %jit3A_207 = arith.constant 1073741824 : i32
        %broadcast_in_dim3A_208 = vector.broadcast %jit3A_207 : i32 to vector<512x528xi32>
        %select_n3A_209 = arith.select %eq3A_200, %concatenate3A_66, %broadcast_in_dim3A_208 : vector<512x528xi1>, vector<512x528xi32>
        %reduce_min3A_210 = arith.constant dense<2147483647> : vector<512xi32>
        %reduce_min3A_211 = vector.multi_reduction <minsi>, %select_n3A_209, %reduce_min3A_210 [1] : vector<512x528xi32> to vector<512xi32>
        %broadcast_in_dim3A_212 = vector.shape_cast %reduce_min3A_211 : vector<512xi32> to vector<512x1xi32>
        %swap3A_213 = arith.constant 0 : index
        %swap3A_214 = arith.constant 6 : index
        %swap3A_215 = vector.load %arg7[%swap3A_213, %swap3A_214] : memref<512x16xi32, #tpu.memory_space<vmem>>, vector<512x1xi32>
        tpu.vector_store %arg7[%swap3A_213, %swap3A_214], %broadcast_in_dim3A_212 {strides = array<i32>} : memref<512x16xi32, #tpu.memory_space<vmem>>, vector<512x1xi32>,
        %jit3A_216 = arith.constant 0x7F800000 : f32
        %broadcast_in_dim3A_217 = vector.broadcast %jit3A_216 : f32 to vector<512x528xf32>
        %select_n3A_218 = arith.select %eq3A_200, %broadcast_in_dim3A_217, %select_n3A_196 : vector<512x528xi1>, vector<512x528xf32>
        %argmin3A_219 = tpu.reduce_index %select_n3A_218 {axis = 1 : i32, kind = #tpu.reduction_kind<arg_min>} : vector<512x528xf32> -> vector<512xi32>
        %reshape3A_220 = vector.shape_cast %argmin3A_219 : vector<512xi32> to vector<512x1xi32>
        %eq3A_221 = vector.broadcast %reshape3A_220 : vector<512x1xi32> to vector<512x528xi32>
        %eq3A_222 = arith.cmpi eq, %iota3A_67, %eq3A_221 : vector<512x528xi32>
        %reduce_min3A_223 = arith.constant dense<0x7F800000> : vector<512xf32>
        %reduce_min3A_224 = vector.multi_reduction <minimumf>, %select_n3A_218, %reduce_min3A_223 [1] : vector<512x528xf32> to vector<512xf32>
        %broadcast_in_dim3A_225 = vector.shape_cast %reduce_min3A_224 : vector<512xf32> to vector<512x1xf32>
        %swap3A_226 = arith.constant 0 : index
        %swap3A_227 = arith.constant 7 : index
        %swap3A_228 = vector.load %arg6[%swap3A_226, %swap3A_227] : memref<512x16xf32, #tpu.memory_space<vmem>>, vector<512x1xf32>
        tpu.vector_store %arg6[%swap3A_226, %swap3A_227], %broadcast_in_dim3A_225 {strides = array<i32>} : memref<512x16xf32, #tpu.memory_space<vmem>>, vector<512x1xf32>,
        %jit3A_229 = arith.constant 1073741824 : i32
        %broadcast_in_dim3A_230 = vector.broadcast %jit3A_229 : i32 to vector<512x528xi32>
        %select_n3A_231 = arith.select %eq3A_222, %concatenate3A_66, %broadcast_in_dim3A_230 : vector<512x528xi1>, vector<512x528xi32>
        %reduce_min3A_232 = arith.constant dense<2147483647> : vector<512xi32>
        %reduce_min3A_233 = vector.multi_reduction <minsi>, %select_n3A_231, %reduce_min3A_232 [1] : vector<512x528xi32> to vector<512xi32>
        %broadcast_in_dim3A_234 = vector.shape_cast %reduce_min3A_233 : vector<512xi32> to vector<512x1xi32>
        %swap3A_235 = arith.constant 0 : index
        %swap3A_236 = arith.constant 7 : index
        %swap3A_237 = vector.load %arg7[%swap3A_235, %swap3A_236] : memref<512x16xi32, #tpu.memory_space<vmem>>, vector<512x1xi32>
        tpu.vector_store %arg7[%swap3A_235, %swap3A_236], %broadcast_in_dim3A_234 {strides = array<i32>} : memref<512x16xi32, #tpu.memory_space<vmem>>, vector<512x1xi32>,
        %jit3A_238 = arith.constant 0x7F800000 : f32
        %broadcast_in_dim3A_239 = vector.broadcast %jit3A_238 : f32 to vector<512x528xf32>
        %select_n3A_240 = arith.select %eq3A_222, %broadcast_in_dim3A_239, %select_n3A_218 : vector<512x528xi1>, vector<512x528xf32>
        %argmin3A_241 = tpu.reduce_index %select_n3A_240 {axis = 1 : i32, kind = #tpu.reduction_kind<arg_min>} : vector<512x528xf32> -> vector<512xi32>
        %reshape3A_242 = vector.shape_cast %argmin3A_241 : vector<512xi32> to vector<512x1xi32>
        %eq3A_243 = vector.broadcast %reshape3A_242 : vector<512x1xi32> to vector<512x528xi32>
        %eq3A_244 = arith.cmpi eq, %iota3A_67, %eq3A_243 : vector<512x528xi32>
        %reduce_min3A_245 = arith.constant dense<0x7F800000> : vector<512xf32>
        %reduce_min3A_246 = vector.multi_reduction <minimumf>, %select_n3A_240, %reduce_min3A_245 [1] : vector<512x528xf32> to vector<512xf32>
        %broadcast_in_dim3A_247 = vector.shape_cast %reduce_min3A_246 : vector<512xf32> to vector<512x1xf32>
        %swap3A_248 = arith.constant 0 : index
        %swap3A_249 = arith.constant 8 : index
        %swap3A_250 = vector.load %arg6[%swap3A_248, %swap3A_249] : memref<512x16xf32, #tpu.memory_space<vmem>>, vector<512x1xf32>
        tpu.vector_store %arg6[%swap3A_248, %swap3A_249], %broadcast_in_dim3A_247 {strides = array<i32>} : memref<512x16xf32, #tpu.memory_space<vmem>>, vector<512x1xf32>,
        %jit3A_251 = arith.constant 1073741824 : i32
        %broadcast_in_dim3A_252 = vector.broadcast %jit3A_251 : i32 to vector<512x528xi32>
        %select_n3A_253 = arith.select %eq3A_244, %concatenate3A_66, %broadcast_in_dim3A_252 : vector<512x528xi1>, vector<512x528xi32>
        %reduce_min3A_254 = arith.constant dense<2147483647> : vector<512xi32>
        %reduce_min3A_255 = vector.multi_reduction <minsi>, %select_n3A_253, %reduce_min3A_254 [1] : vector<512x528xi32> to vector<512xi32>
        %broadcast_in_dim3A_256 = vector.shape_cast %reduce_min3A_255 : vector<512xi32> to vector<512x1xi32>
        %swap3A_257 = arith.constant 0 : index
        %swap3A_258 = arith.constant 8 : index
        %swap3A_259 = vector.load %arg7[%swap3A_257, %swap3A_258] : memref<512x16xi32, #tpu.memory_space<vmem>>, vector<512x1xi32>
        tpu.vector_store %arg7[%swap3A_257, %swap3A_258], %broadcast_in_dim3A_256 {strides = array<i32>} : memref<512x16xi32, #tpu.memory_space<vmem>>, vector<512x1xi32>,
        %jit3A_260 = arith.constant 0x7F800000 : f32
        %broadcast_in_dim3A_261 = vector.broadcast %jit3A_260 : f32 to vector<512x528xf32>
        %select_n3A_262 = arith.select %eq3A_244, %broadcast_in_dim3A_261, %select_n3A_240 : vector<512x528xi1>, vector<512x528xf32>
        %argmin3A_263 = tpu.reduce_index %select_n3A_262 {axis = 1 : i32, kind = #tpu.reduction_kind<arg_min>} : vector<512x528xf32> -> vector<512xi32>
        %reshape3A_264 = vector.shape_cast %argmin3A_263 : vector<512xi32> to vector<512x1xi32>
        %eq3A_265 = vector.broadcast %reshape3A_264 : vector<512x1xi32> to vector<512x528xi32>
        %eq3A_266 = arith.cmpi eq, %iota3A_67, %eq3A_265 : vector<512x528xi32>
        %reduce_min3A_267 = arith.constant dense<0x7F800000> : vector<512xf32>
        %reduce_min3A_268 = vector.multi_reduction <minimumf>, %select_n3A_262, %reduce_min3A_267 [1] : vector<512x528xf32> to vector<512xf32>
        %broadcast_in_dim3A_269 = vector.shape_cast %reduce_min3A_268 : vector<512xf32> to vector<512x1xf32>
        %swap3A_270 = arith.constant 0 : index
        %swap3A_271 = arith.constant 9 : index
        %swap3A_272 = vector.load %arg6[%swap3A_270, %swap3A_271] : memref<512x16xf32, #tpu.memory_space<vmem>>, vector<512x1xf32>
        tpu.vector_store %arg6[%swap3A_270, %swap3A_271], %broadcast_in_dim3A_269 {strides = array<i32>} : memref<512x16xf32, #tpu.memory_space<vmem>>, vector<512x1xf32>,
        %jit3A_273 = arith.constant 1073741824 : i32
        %broadcast_in_dim3A_274 = vector.broadcast %jit3A_273 : i32 to vector<512x528xi32>
        %select_n3A_275 = arith.select %eq3A_266, %concatenate3A_66, %broadcast_in_dim3A_274 : vector<512x528xi1>, vector<512x528xi32>
        %reduce_min3A_276 = arith.constant dense<2147483647> : vector<512xi32>
        %reduce_min3A_277 = vector.multi_reduction <minsi>, %select_n3A_275, %reduce_min3A_276 [1] : vector<512x528xi32> to vector<512xi32>
        %broadcast_in_dim3A_278 = vector.shape_cast %reduce_min3A_277 : vector<512xi32> to vector<512x1xi32>
        %swap3A_279 = arith.constant 0 : index
        %swap3A_280 = arith.constant 9 : index
        %swap3A_281 = vector.load %arg7[%swap3A_279, %swap3A_280] : memref<512x16xi32, #tpu.memory_space<vmem>>, vector<512x1xi32>
        tpu.vector_store %arg7[%swap3A_279, %swap3A_280], %broadcast_in_dim3A_278 {strides = array<i32>} : memref<512x16xi32, #tpu.memory_space<vmem>>, vector<512x1xi32>,
        %jit3A_282 = arith.constant 0x7F800000 : f32
        %broadcast_in_dim3A_283 = vector.broadcast %jit3A_282 : f32 to vector<512x528xf32>
        %select_n3A_284 = arith.select %eq3A_266, %broadcast_in_dim3A_283, %select_n3A_262 : vector<512x528xi1>, vector<512x528xf32>
        %argmin3A_285 = tpu.reduce_index %select_n3A_284 {axis = 1 : i32, kind = #tpu.reduction_kind<arg_min>} : vector<512x528xf32> -> vector<512xi32>
        %reshape3A_286 = vector.shape_cast %argmin3A_285 : vector<512xi32> to vector<512x1xi32>
        %eq3A_287 = vector.broadcast %reshape3A_286 : vector<512x1xi32> to vector<512x528xi32>
        %eq3A_288 = arith.cmpi eq, %iota3A_67, %eq3A_287 : vector<512x528xi32>
        %reduce_min3A_289 = arith.constant dense<0x7F800000> : vector<512xf32>
        %reduce_min3A_290 = vector.multi_reduction <minimumf>, %select_n3A_284, %reduce_min3A_289 [1] : vector<512x528xf32> to vector<512xf32>
        %broadcast_in_dim3A_291 = vector.shape_cast %reduce_min3A_290 : vector<512xf32> to vector<512x1xf32>
        %swap3A_292 = arith.constant 0 : index
        %swap3A_293 = arith.constant 10 : index
        %swap3A_294 = vector.load %arg6[%swap3A_292, %swap3A_293] : memref<512x16xf32, #tpu.memory_space<vmem>>, vector<512x1xf32>
        tpu.vector_store %arg6[%swap3A_292, %swap3A_293], %broadcast_in_dim3A_291 {strides = array<i32>} : memref<512x16xf32, #tpu.memory_space<vmem>>, vector<512x1xf32>,
        %jit3A_295 = arith.constant 1073741824 : i32
        %broadcast_in_dim3A_296 = vector.broadcast %jit3A_295 : i32 to vector<512x528xi32>
        %select_n3A_297 = arith.select %eq3A_288, %concatenate3A_66, %broadcast_in_dim3A_296 : vector<512x528xi1>, vector<512x528xi32>
        %reduce_min3A_298 = arith.constant dense<2147483647> : vector<512xi32>
        %reduce_min3A_299 = vector.multi_reduction <minsi>, %select_n3A_297, %reduce_min3A_298 [1] : vector<512x528xi32> to vector<512xi32>
        %broadcast_in_dim3A_300 = vector.shape_cast %reduce_min3A_299 : vector<512xi32> to vector<512x1xi32>
        %swap3A_301 = arith.constant 0 : index
        %swap3A_302 = arith.constant 10 : index
        %swap3A_303 = vector.load %arg7[%swap3A_301, %swap3A_302] : memref<512x16xi32, #tpu.memory_space<vmem>>, vector<512x1xi32>
        tpu.vector_store %arg7[%swap3A_301, %swap3A_302], %broadcast_in_dim3A_300 {strides = array<i32>} : memref<512x16xi32, #tpu.memory_space<vmem>>, vector<512x1xi32>,
        %jit3A_304 = arith.constant 0x7F800000 : f32
        %broadcast_in_dim3A_305 = vector.broadcast %jit3A_304 : f32 to vector<512x528xf32>
        %select_n3A_306 = arith.select %eq3A_288, %broadcast_in_dim3A_305, %select_n3A_284 : vector<512x528xi1>, vector<512x528xf32>
        %argmin3A_307 = tpu.reduce_index %select_n3A_306 {axis = 1 : i32, kind = #tpu.reduction_kind<arg_min>} : vector<512x528xf32> -> vector<512xi32>
        %reshape3A_308 = vector.shape_cast %argmin3A_307 : vector<512xi32> to vector<512x1xi32>
        %eq3A_309 = vector.broadcast %reshape3A_308 : vector<512x1xi32> to vector<512x528xi32>
        %eq3A_310 = arith.cmpi eq, %iota3A_67, %eq3A_309 : vector<512x528xi32>
        %reduce_min3A_311 = arith.constant dense<0x7F800000> : vector<512xf32>
        %reduce_min3A_312 = vector.multi_reduction <minimumf>, %select_n3A_306, %reduce_min3A_311 [1] : vector<512x528xf32> to vector<512xf32>
        %broadcast_in_dim3A_313 = vector.shape_cast %reduce_min3A_312 : vector<512xf32> to vector<512x1xf32>
        %swap3A_314 = arith.constant 0 : index
        %swap3A_315 = arith.constant 11 : index
        %swap3A_316 = vector.load %arg6[%swap3A_314, %swap3A_315] : memref<512x16xf32, #tpu.memory_space<vmem>>, vector<512x1xf32>
        tpu.vector_store %arg6[%swap3A_314, %swap3A_315], %broadcast_in_dim3A_313 {strides = array<i32>} : memref<512x16xf32, #tpu.memory_space<vmem>>, vector<512x1xf32>,
        %jit3A_317 = arith.constant 1073741824 : i32
        %broadcast_in_dim3A_318 = vector.broadcast %jit3A_317 : i32 to vector<512x528xi32>
        %select_n3A_319 = arith.select %eq3A_310, %concatenate3A_66, %broadcast_in_dim3A_318 : vector<512x528xi1>, vector<512x528xi32>
        %reduce_min3A_320 = arith.constant dense<2147483647> : vector<512xi32>
        %reduce_min3A_321 = vector.multi_reduction <minsi>, %select_n3A_319, %reduce_min3A_320 [1] : vector<512x528xi32> to vector<512xi32>
        %broadcast_in_dim3A_322 = vector.shape_cast %reduce_min3A_321 : vector<512xi32> to vector<512x1xi32>
        %swap3A_323 = arith.constant 0 : index
        %swap3A_324 = arith.constant 11 : index
        %swap3A_325 = vector.load %arg7[%swap3A_323, %swap3A_324] : memref<512x16xi32, #tpu.memory_space<vmem>>, vector<512x1xi32>
        tpu.vector_store %arg7[%swap3A_323, %swap3A_324], %broadcast_in_dim3A_322 {strides = array<i32>} : memref<512x16xi32, #tpu.memory_space<vmem>>, vector<512x1xi32>,
        %jit3A_326 = arith.constant 0x7F800000 : f32
        %broadcast_in_dim3A_327 = vector.broadcast %jit3A_326 : f32 to vector<512x528xf32>
        %select_n3A_328 = arith.select %eq3A_310, %broadcast_in_dim3A_327, %select_n3A_306 : vector<512x528xi1>, vector<512x528xf32>
        %argmin3A_329 = tpu.reduce_index %select_n3A_328 {axis = 1 : i32, kind = #tpu.reduction_kind<arg_min>} : vector<512x528xf32> -> vector<512xi32>
        %reshape3A_330 = vector.shape_cast %argmin3A_329 : vector<512xi32> to vector<512x1xi32>
        %eq3A_331 = vector.broadcast %reshape3A_330 : vector<512x1xi32> to vector<512x528xi32>
        %eq3A_332 = arith.cmpi eq, %iota3A_67, %eq3A_331 : vector<512x528xi32>
        %reduce_min3A_333 = arith.constant dense<0x7F800000> : vector<512xf32>
        %reduce_min3A_334 = vector.multi_reduction <minimumf>, %select_n3A_328, %reduce_min3A_333 [1] : vector<512x528xf32> to vector<512xf32>
        %broadcast_in_dim3A_335 = vector.shape_cast %reduce_min3A_334 : vector<512xf32> to vector<512x1xf32>
        %swap3A_336 = arith.constant 0 : index
        %swap3A_337 = arith.constant 12 : index
        %swap3A_338 = vector.load %arg6[%swap3A_336, %swap3A_337] : memref<512x16xf32, #tpu.memory_space<vmem>>, vector<512x1xf32>
        tpu.vector_store %arg6[%swap3A_336, %swap3A_337], %broadcast_in_dim3A_335 {strides = array<i32>} : memref<512x16xf32, #tpu.memory_space<vmem>>, vector<512x1xf32>,
        %jit3A_339 = arith.constant 1073741824 : i32
        %broadcast_in_dim3A_340 = vector.broadcast %jit3A_339 : i32 to vector<512x528xi32>
        %select_n3A_341 = arith.select %eq3A_332, %concatenate3A_66, %broadcast_in_dim3A_340 : vector<512x528xi1>, vector<512x528xi32>
        %reduce_min3A_342 = arith.constant dense<2147483647> : vector<512xi32>
        %reduce_min3A_343 = vector.multi_reduction <minsi>, %select_n3A_341, %reduce_min3A_342 [1] : vector<512x528xi32> to vector<512xi32>
        %broadcast_in_dim3A_344 = vector.shape_cast %reduce_min3A_343 : vector<512xi32> to vector<512x1xi32>
        %swap3A_345 = arith.constant 0 : index
        %swap3A_346 = arith.constant 12 : index
        %swap3A_347 = vector.load %arg7[%swap3A_345, %swap3A_346] : memref<512x16xi32, #tpu.memory_space<vmem>>, vector<512x1xi32>
        tpu.vector_store %arg7[%swap3A_345, %swap3A_346], %broadcast_in_dim3A_344 {strides = array<i32>} : memref<512x16xi32, #tpu.memory_space<vmem>>, vector<512x1xi32>,
        %jit3A_348 = arith.constant 0x7F800000 : f32
        %broadcast_in_dim3A_349 = vector.broadcast %jit3A_348 : f32 to vector<512x528xf32>
        %select_n3A_350 = arith.select %eq3A_332, %broadcast_in_dim3A_349, %select_n3A_328 : vector<512x528xi1>, vector<512x528xf32>
        %argmin3A_351 = tpu.reduce_index %select_n3A_350 {axis = 1 : i32, kind = #tpu.reduction_kind<arg_min>} : vector<512x528xf32> -> vector<512xi32>
        %reshape3A_352 = vector.shape_cast %argmin3A_351 : vector<512xi32> to vector<512x1xi32>
        %eq3A_353 = vector.broadcast %reshape3A_352 : vector<512x1xi32> to vector<512x528xi32>
        %eq3A_354 = arith.cmpi eq, %iota3A_67, %eq3A_353 : vector<512x528xi32>
        %reduce_min3A_355 = arith.constant dense<0x7F800000> : vector<512xf32>
        %reduce_min3A_356 = vector.multi_reduction <minimumf>, %select_n3A_350, %reduce_min3A_355 [1] : vector<512x528xf32> to vector<512xf32>
        %broadcast_in_dim3A_357 = vector.shape_cast %reduce_min3A_356 : vector<512xf32> to vector<512x1xf32>
        %swap3A_358 = arith.constant 0 : index
        %swap3A_359 = arith.constant 13 : index
        %swap3A_360 = vector.load %arg6[%swap3A_358, %swap3A_359] : memref<512x16xf32, #tpu.memory_space<vmem>>, vector<512x1xf32>
        tpu.vector_store %arg6[%swap3A_358, %swap3A_359], %broadcast_in_dim3A_357 {strides = array<i32>} : memref<512x16xf32, #tpu.memory_space<vmem>>, vector<512x1xf32>,
        %jit3A_361 = arith.constant 1073741824 : i32
        %broadcast_in_dim3A_362 = vector.broadcast %jit3A_361 : i32 to vector<512x528xi32>
        %select_n3A_363 = arith.select %eq3A_354, %concatenate3A_66, %broadcast_in_dim3A_362 : vector<512x528xi1>, vector<512x528xi32>
        %reduce_min3A_364 = arith.constant dense<2147483647> : vector<512xi32>
        %reduce_min3A_365 = vector.multi_reduction <minsi>, %select_n3A_363, %reduce_min3A_364 [1] : vector<512x528xi32> to vector<512xi32>
        %broadcast_in_dim3A_366 = vector.shape_cast %reduce_min3A_365 : vector<512xi32> to vector<512x1xi32>
        %swap3A_367 = arith.constant 0 : index
        %swap3A_368 = arith.constant 13 : index
        %swap3A_369 = vector.load %arg7[%swap3A_367, %swap3A_368] : memref<512x16xi32, #tpu.memory_space<vmem>>, vector<512x1xi32>
        tpu.vector_store %arg7[%swap3A_367, %swap3A_368], %broadcast_in_dim3A_366 {strides = array<i32>} : memref<512x16xi32, #tpu.memory_space<vmem>>, vector<512x1xi32>,
        %jit3A_370 = arith.constant 0x7F800000 : f32
        %broadcast_in_dim3A_371 = vector.broadcast %jit3A_370 : f32 to vector<512x528xf32>
        %select_n3A_372 = arith.select %eq3A_354, %broadcast_in_dim3A_371, %select_n3A_350 : vector<512x528xi1>, vector<512x528xf32>
        %argmin3A_373 = tpu.reduce_index %select_n3A_372 {axis = 1 : i32, kind = #tpu.reduction_kind<arg_min>} : vector<512x528xf32> -> vector<512xi32>
        %reshape3A_374 = vector.shape_cast %argmin3A_373 : vector<512xi32> to vector<512x1xi32>
        %eq3A_375 = vector.broadcast %reshape3A_374 : vector<512x1xi32> to vector<512x528xi32>
        %eq3A_376 = arith.cmpi eq, %iota3A_67, %eq3A_375 : vector<512x528xi32>
        %reduce_min3A_377 = arith.constant dense<0x7F800000> : vector<512xf32>
        %reduce_min3A_378 = vector.multi_reduction <minimumf>, %select_n3A_372, %reduce_min3A_377 [1] : vector<512x528xf32> to vector<512xf32>
        %broadcast_in_dim3A_379 = vector.shape_cast %reduce_min3A_378 : vector<512xf32> to vector<512x1xf32>
        %swap3A_380 = arith.constant 0 : index
        %swap3A_381 = arith.constant 14 : index
        %swap3A_382 = vector.load %arg6[%swap3A_380, %swap3A_381] : memref<512x16xf32, #tpu.memory_space<vmem>>, vector<512x1xf32>
        tpu.vector_store %arg6[%swap3A_380, %swap3A_381], %broadcast_in_dim3A_379 {strides = array<i32>} : memref<512x16xf32, #tpu.memory_space<vmem>>, vector<512x1xf32>,
        %jit3A_383 = arith.constant 1073741824 : i32
        %broadcast_in_dim3A_384 = vector.broadcast %jit3A_383 : i32 to vector<512x528xi32>
        %select_n3A_385 = arith.select %eq3A_376, %concatenate3A_66, %broadcast_in_dim3A_384 : vector<512x528xi1>, vector<512x528xi32>
        %reduce_min3A_386 = arith.constant dense<2147483647> : vector<512xi32>
        %reduce_min3A_387 = vector.multi_reduction <minsi>, %select_n3A_385, %reduce_min3A_386 [1] : vector<512x528xi32> to vector<512xi32>
        %broadcast_in_dim3A_388 = vector.shape_cast %reduce_min3A_387 : vector<512xi32> to vector<512x1xi32>
        %swap3A_389 = arith.constant 0 : index
        %swap3A_390 = arith.constant 14 : index
        %swap3A_391 = vector.load %arg7[%swap3A_389, %swap3A_390] : memref<512x16xi32, #tpu.memory_space<vmem>>, vector<512x1xi32>
        tpu.vector_store %arg7[%swap3A_389, %swap3A_390], %broadcast_in_dim3A_388 {strides = array<i32>} : memref<512x16xi32, #tpu.memory_space<vmem>>, vector<512x1xi32>,
        %jit3A_392 = arith.constant 0x7F800000 : f32
        %broadcast_in_dim3A_393 = vector.broadcast %jit3A_392 : f32 to vector<512x528xf32>
        %select_n3A_394 = arith.select %eq3A_376, %broadcast_in_dim3A_393, %select_n3A_372 : vector<512x528xi1>, vector<512x528xf32>
        %argmin3A_395 = tpu.reduce_index %select_n3A_394 {axis = 1 : i32, kind = #tpu.reduction_kind<arg_min>} : vector<512x528xf32> -> vector<512xi32>
        %reshape3A_396 = vector.shape_cast %argmin3A_395 : vector<512xi32> to vector<512x1xi32>
        %eq3A_397 = vector.broadcast %reshape3A_396 : vector<512x1xi32> to vector<512x528xi32>
        %eq3A_398 = arith.cmpi eq, %iota3A_67, %eq3A_397 : vector<512x528xi32>
        %reduce_min3A_399 = arith.constant dense<0x7F800000> : vector<512xf32>
        %reduce_min3A_400 = vector.multi_reduction <minimumf>, %select_n3A_394, %reduce_min3A_399 [1] : vector<512x528xf32> to vector<512xf32>
        %broadcast_in_dim3A_401 = vector.shape_cast %reduce_min3A_400 : vector<512xf32> to vector<512x1xf32>
        %swap3A_402 = arith.constant 0 : index
        %swap3A_403 = arith.constant 15 : index
        %swap3A_404 = vector.load %arg6[%swap3A_402, %swap3A_403] : memref<512x16xf32, #tpu.memory_space<vmem>>, vector<512x1xf32>
        tpu.vector_store %arg6[%swap3A_402, %swap3A_403], %broadcast_in_dim3A_401 {strides = array<i32>} : memref<512x16xf32, #tpu.memory_space<vmem>>, vector<512x1xf32>,
        %jit3A_405 = arith.constant 1073741824 : i32
        %broadcast_in_dim3A_406 = vector.broadcast %jit3A_405 : i32 to vector<512x528xi32>
        %select_n3A_407 = arith.select %eq3A_398, %concatenate3A_66, %broadcast_in_dim3A_406 : vector<512x528xi1>, vector<512x528xi32>
        %reduce_min3A_408 = arith.constant dense<2147483647> : vector<512xi32>
        %reduce_min3A_409 = vector.multi_reduction <minsi>, %select_n3A_407, %reduce_min3A_408 [1] : vector<512x528xi32> to vector<512xi32>
        %broadcast_in_dim3A_410 = vector.shape_cast %reduce_min3A_409 : vector<512xi32> to vector<512x1xi32>
        %swap3A_411 = arith.constant 0 : index
        %swap3A_412 = arith.constant 15 : index
        %swap3A_413 = vector.load %arg7[%swap3A_411, %swap3A_412] : memref<512x16xi32, #tpu.memory_space<vmem>>, vector<512x1xi32>
        tpu.vector_store %arg7[%swap3A_411, %swap3A_412], %broadcast_in_dim3A_410 {strides = array<i32>} : memref<512x16xi32, #tpu.memory_space<vmem>>, vector<512x1xi32>,
      } else {
      }
    }
    %scan3A_26 = arith.constant 16 : i32
    %get3A_27 = arith.constant 0 : index
    %get3A_28 = arith.constant 0 : index
    %get3A_29 = vector.load %arg7[%get3A_27, %get3A_28] : memref<512x16xi32, #tpu.memory_space<vmem>>, vector<512x16xi32>
    %swap3A_30 = arith.constant 0 : index
    %swap3A_31 = arith.constant 0 : index
    %swap3A_32 = vector.load %arg5[%swap3A_30, %swap3A_31] : memref<512x16xi32, #tpu.memory_space<vmem>>, vector<512x16xi32>
    tpu.vector_store %arg5[%swap3A_30, %swap3A_31], %get3A_29 {strides = array<i32>} : memref<512x16xi32, #tpu.memory_space<vmem>>, vector<512x16xi32>,
    return
  }
  func.func @transform_0(%arg0: i32) -> (i32, i32) {
    %c0_i32 = arith.constant 0 : i32
    %c0_i32_0 = arith.constant 0 : i32
    return %arg0, %c0_i32 : i32, i32
  }
  func.func @transform_1(%arg0: i32) -> (i32, i32) {
    %c0_i32 = arith.constant 0 : i32
    %c0_i32_0 = arith.constant 0 : i32
    %c0_i32_1 = arith.constant 0 : i32
    return %c0_i32, %c0_i32_0 : i32, i32
  }
  func.func @transform_2(%arg0: i32) -> (i32, i32) {
    %c0_i32 = arith.constant 0 : i32
    %c0_i32_0 = arith.constant 0 : i32
    return %arg0, %c0_i32 : i32, i32
  }
  func.func @transform_3(%arg0: i32) -> (i32, i32) {
    %c0_i32 = arith.constant 0 : i32
    %c0_i32_0 = arith.constant 0 : i32
    %c0_i32_1 = arith.constant 0 : i32
    return %c0_i32, %c0_i32_0 : i32, i32
  }
  func.func @transform_4(%arg0: i32) -> (i32, i32) {
    %c0_i32 = arith.constant 0 : i32
    %c0_i32_0 = arith.constant 0 : i32
    return %arg0, %c0_i32 : i32, i32
  }
}

module attributes {stable_mosaic.version = 14 : i64} {
  func.func @_pnode_body(%arg0: i32, %arg1: memref<1024x3xf32, #tpu.memory_space<vmem>>, %arg2: memref<3x32xf32, #tpu.memory_space<vmem>>, %arg3: memref<1x32xf32, #tpu.memory_space<vmem>>, %arg4: memref<1024x32xf32, #tpu.memory_space<vmem>>) attributes {dimension_semantics = [#tpu.dimension_semantics<arbitrary>], iteration_bounds = array<i64: 8>, scalar_prefetch = 0 : i64, scratch_operands = 0 : i64, tpu.core_type = #tpu.core_type<tc>, window_params = [{transform_indices = @transform_0, window_bounds = array<i64: 1024, 3>}, {pipeline_mode = #tpu.pipeline_mode<synchronous>, transform_indices = @transform_1, window_bounds = array<i64: 3, 32>}, {pipeline_mode = #tpu.pipeline_mode<synchronous>, transform_indices = @transform_2, window_bounds = array<i64: 1, 32>}, {transform_indices = @transform_3, window_bounds = array<i64: 1024, 32>}]} {
    %get3A = arith.constant 0 : index
    %get3A_0 = arith.constant 0 : index
    %get3A_1 = vector.load %arg1[%get3A, %get3A_0] : memref<1024x3xf32, #tpu.memory_space<vmem>>, vector<1024x3xf32>
    %get3A_2 = arith.constant 0 : index
    %get3A_3 = arith.constant 0 : index
    %get3A_4 = vector.load %arg2[%get3A_2, %get3A_3] : memref<3x32xf32, #tpu.memory_space<vmem>>, vector<3x32xf32>
    %dot_general3A = arith.constant dense<0.000000e+00> : vector<1024x32xf32>
    %dot_general3A_5 = tpu.matmul %get3A_1, %get3A_4, %dot_general3A {dimension_numbers = #tpu.dot_dimension_numbers<[1], [0], [0], [1], [0, 0, 1, 1], [], []>, transpose_lhs_hint = false} : vector<1024x3xf32>, vector<3x32xf32>, vector<1024x32xf32> -> vector<1024x32xf32>
    %get3A_6 = arith.constant 0 : index
    %get3A_7 = arith.constant 0 : index
    %get3A_8 = vector.load %arg3[%get3A_6, %get3A_7] : memref<1x32xf32, #tpu.memory_space<vmem>>, vector<1x32xf32>
    %add3A = vector.broadcast %get3A_8 : vector<1x32xf32> to vector<1024x32xf32>
    %add3A_9 = arith.addf %dot_general3A_5, %add3A : vector<1024x32xf32>
    %swap3A = arith.constant 0 : index
    %swap3A_10 = arith.constant 0 : index
    %swap3A_11 = vector.load %arg4[%swap3A, %swap3A_10] : memref<1024x32xf32, #tpu.memory_space<vmem>>, vector<1024x32xf32>
    tpu.vector_store %arg4[%swap3A, %swap3A_10], %add3A_9 {strides = array<i32>} : memref<1024x32xf32, #tpu.memory_space<vmem>>, vector<1024x32xf32>,
    return
  }
  func.func @transform_0(%arg0: i32) -> (i32, i32) {
    %c0_i32 = arith.constant 0 : i32
    %c0_i32_0 = arith.constant 0 : i32
    return %arg0, %c0_i32 : i32, i32
  }
  func.func @transform_1(%arg0: i32) -> (i32, i32) {
    %c0_i32 = arith.constant 0 : i32
    %c0_i32_0 = arith.constant 0 : i32
    %c0_i32_1 = arith.constant 0 : i32
    return %c0_i32, %c0_i32_0 : i32, i32
  }
  func.func @transform_2(%arg0: i32) -> (i32, i32) {
    %c0_i32 = arith.constant 0 : i32
    %c0_i32_0 = arith.constant 0 : i32
    %c0_i32_1 = arith.constant 0 : i32
    return %c0_i32, %c0_i32_0 : i32, i32
  }
  func.func @transform_3(%arg0: i32) -> (i32, i32) {
    %c0_i32 = arith.constant 0 : i32
    %c0_i32_0 = arith.constant 0 : i32
    return %arg0, %c0_i32 : i32, i32
  }
}

module attributes {stable_mosaic.version = 14 : i64} {
  func.func @_bn0_body(%arg0: memref<8192x3xf32, #tpu.memory_space<vmem>>, %arg1: memref<1x3xf32, #tpu.memory_space<vmem>>, %arg2: memref<1x3xf32, #tpu.memory_space<vmem>>, %arg3: memref<8192x3xf32, #tpu.memory_space<vmem>>) attributes {dimension_semantics = [], scalar_prefetch = 0 : i64, scratch_operands = 0 : i64, tpu.core_type = #tpu.core_type<tc>} {
    %get3A = arith.constant 0 : index
    %get3A_0 = arith.constant 0 : index
    %get3A_1 = vector.load %arg0[%get3A, %get3A_0] : memref<8192x3xf32, #tpu.memory_space<vmem>>, vector<8192x3xf32>
    %reduce_sum3A = arith.constant dense<0.000000e+00> : vector<3xf32>
    %reduce_sum3A_2 = vector.multi_reduction <add>, %get3A_1, %reduce_sum3A [0] : vector<8192x3xf32> to vector<3xf32>
    %broadcast_in_dim3A = vector.shape_cast %reduce_sum3A_2 : vector<3xf32> to vector<1x3xf32>
    %div3A = arith.constant 8.192000e+03 : f32
    %div3A_3 = vector.broadcast %div3A : f32 to vector<1x3xf32>
    %div3A_4 = arith.divf %broadcast_in_dim3A, %div3A_3 : vector<1x3xf32>
    %sub3A = vector.broadcast %div3A_4 : vector<1x3xf32> to vector<8192x3xf32>
    %sub3A_5 = arith.subf %get3A_1, %sub3A : vector<8192x3xf32>
    %sub3A_6 = vector.broadcast %div3A_4 : vector<1x3xf32> to vector<8192x3xf32>
    %sub3A_7 = arith.subf %get3A_1, %sub3A_6 : vector<8192x3xf32>
    %mul3A = arith.mulf %sub3A_5, %sub3A_7 : vector<8192x3xf32>
    %reduce_sum3A_8 = arith.constant dense<0.000000e+00> : vector<3xf32>
    %reduce_sum3A_9 = vector.multi_reduction <add>, %mul3A, %reduce_sum3A_8 [0] : vector<8192x3xf32> to vector<3xf32>
    %broadcast_in_dim3A_10 = vector.shape_cast %reduce_sum3A_9 : vector<3xf32> to vector<1x3xf32>
    %div3A_11 = arith.constant 8.192000e+03 : f32
    %div3A_12 = vector.broadcast %div3A_11 : f32 to vector<1x3xf32>
    %div3A_13 = arith.divf %broadcast_in_dim3A_10, %div3A_12 : vector<1x3xf32>
    %sub3A_14 = vector.broadcast %div3A_4 : vector<1x3xf32> to vector<8192x3xf32>
    %sub3A_15 = arith.subf %get3A_1, %sub3A_14 : vector<8192x3xf32>
    %add3A = arith.constant 9.99999974E-6 : f32
    %add3A_16 = vector.broadcast %add3A : f32 to vector<1x3xf32>
    %add3A_17 = arith.addf %div3A_13, %add3A_16 : vector<1x3xf32>
    %rsqrt3A = math.rsqrt %add3A_17 : vector<1x3xf32>
    %mul3A_18 = vector.broadcast %rsqrt3A : vector<1x3xf32> to vector<8192x3xf32>
    %mul3A_19 = arith.mulf %sub3A_15, %mul3A_18 : vector<8192x3xf32>
    %get3A_20 = arith.constant 0 : index
    %get3A_21 = arith.constant 0 : index
    %get3A_22 = vector.load %arg1[%get3A_20, %get3A_21] : memref<1x3xf32, #tpu.memory_space<vmem>>, vector<1x3xf32>
    %mul3A_23 = vector.broadcast %get3A_22 : vector<1x3xf32> to vector<8192x3xf32>
    %mul3A_24 = arith.mulf %mul3A_19, %mul3A_23 : vector<8192x3xf32>
    %get3A_25 = arith.constant 0 : index
    %get3A_26 = arith.constant 0 : index
    %get3A_27 = vector.load %arg2[%get3A_25, %get3A_26] : memref<1x3xf32, #tpu.memory_space<vmem>>, vector<1x3xf32>
    %add3A_28 = vector.broadcast %get3A_27 : vector<1x3xf32> to vector<8192x3xf32>
    %add3A_29 = arith.addf %mul3A_24, %add3A_28 : vector<8192x3xf32>
    %swap3A = arith.constant 0 : index
    %swap3A_30 = arith.constant 0 : index
    %swap3A_31 = vector.load %arg3[%swap3A, %swap3A_30] : memref<8192x3xf32, #tpu.memory_space<vmem>>, vector<8192x3xf32>
    tpu.vector_store %arg3[%swap3A, %swap3A_30], %add3A_29 {strides = array<i32>} : memref<8192x3xf32, #tpu.memory_space<vmem>>, vector<8192x3xf32>,
    return
  }
}

module attributes {stable_mosaic.version = 14 : i64} {
  func.func @_h1_conv_body(%arg0: i32, %arg1: memref<128x32xf32, #tpu.memory_space<vmem>>, %arg2: memref<128x16xf32, #tpu.memory_space<vmem>>, %arg3: memref<2048x16xf32, #tpu.memory_space<vmem>>, %arg4: memref<16x32xf32, #tpu.memory_space<vmem>>, %arg5: memref<2048x128xf32, #tpu.memory_space<vmem>>, %arg6: memref<2048x32xf32, #tpu.memory_space<vmem>>, %arg7: memref<2x32xf32, #tpu.memory_space<vmem>>) attributes {dimension_semantics = [#tpu.dimension_semantics<arbitrary>], iteration_bounds = array<i64: 64>, scalar_prefetch = 0 : i64, scratch_operands = 0 : i64, tpu.core_type = #tpu.core_type<tc>, window_params = [{transform_indices = @transform_0, window_bounds = array<i64: 128, 32>}, {transform_indices = @transform_1, window_bounds = array<i64: 128, 16>}, {transform_indices = @transform_2, window_bounds = array<i64: 2048, 16>}, {pipeline_mode = #tpu.pipeline_mode<synchronous>, transform_indices = @transform_3, window_bounds = array<i64: 16, 32>}, {pipeline_mode = #tpu.pipeline_mode<synchronous>, transform_indices = @transform_4, window_bounds = array<i64: 2048, 128>}, {transform_indices = @transform_5, window_bounds = array<i64: 2048, 32>}, {pipeline_mode = #tpu.pipeline_mode<synchronous>, transform_indices = @transform_6, window_bounds = array<i64: 2, 32>}]} {
    %get3A = arith.constant 0 : index
    %get3A_0 = arith.constant 0 : index
    %get3A_1 = vector.load %arg5[%get3A, %get3A_0] : memref<2048x128xf32, #tpu.memory_space<vmem>>, vector<2048x128xf32>
    %get3A_2 = arith.constant 0 : index
    %get3A_3 = arith.constant 0 : index
    %get3A_4 = vector.load %arg2[%get3A_2, %get3A_3] : memref<128x16xf32, #tpu.memory_space<vmem>>, vector<128x16xf32>
    %dot_general3A = arith.constant dense<0.000000e+00> : vector<2048x16xf32>
    %dot_general3A_5 = tpu.matmul %get3A_1, %get3A_4, %dot_general3A {dimension_numbers = #tpu.dot_dimension_numbers<[1], [0], [0], [1], [0, 0, 1, 1], [], []>, precision = #tpu.contract_precision<fp32>, transpose_lhs_hint = false} : vector<2048x128xf32>, vector<128x16xf32>, vector<2048x16xf32> -> vector<2048x16xf32>
    %get3A_6 = arith.constant 0 : index
    %get3A_7 = arith.constant 0 : index
    %get3A_8 = vector.load %arg3[%get3A_6, %get3A_7] : memref<2048x16xf32, #tpu.memory_space<vmem>>, vector<2048x16xf32>
    %sub3A = arith.subf %get3A_8, %dot_general3A_5 : vector<2048x16xf32>
    %get3A_9 = arith.constant 0 : index
    %get3A_10 = arith.constant 0 : index
    %get3A_11 = vector.load %arg1[%get3A_9, %get3A_10] : memref<128x32xf32, #tpu.memory_space<vmem>>, vector<128x32xf32>
    %dot_general3A_12 = arith.constant dense<0.000000e+00> : vector<2048x32xf32>
    %dot_general3A_13 = tpu.matmul %get3A_1, %get3A_11, %dot_general3A_12 {dimension_numbers = #tpu.dot_dimension_numbers<[1], [0], [0], [1], [0, 0, 1, 1], [], []>, precision = #tpu.contract_precision<fp32>, transpose_lhs_hint = false} : vector<2048x128xf32>, vector<128x32xf32>, vector<2048x32xf32> -> vector<2048x32xf32>
    %get3A_14 = arith.constant 0 : index
    %get3A_15 = arith.constant 0 : index
    %get3A_16 = vector.load %arg4[%get3A_14, %get3A_15] : memref<16x32xf32, #tpu.memory_space<vmem>>, vector<16x32xf32>
    %dot_general3A_17 = arith.constant dense<0.000000e+00> : vector<2048x32xf32>
    %dot_general3A_18 = tpu.matmul %sub3A, %get3A_16, %dot_general3A_17 {dimension_numbers = #tpu.dot_dimension_numbers<[1], [0], [0], [1], [0, 0, 1, 1], [], []>, transpose_lhs_hint = false} : vector<2048x16xf32>, vector<16x32xf32>, vector<2048x32xf32> -> vector<2048x32xf32>
    %add3A = arith.addf %dot_general3A_13, %dot_general3A_18 : vector<2048x32xf32>
    %swap3A = arith.constant 0 : index
    %swap3A_19 = arith.constant 0 : index
    %swap3A_20 = vector.load %arg6[%swap3A, %swap3A_19] : memref<2048x32xf32, #tpu.memory_space<vmem>>, vector<2048x32xf32>
    tpu.vector_store %arg6[%swap3A, %swap3A_19], %add3A {strides = array<i32>} : memref<2048x32xf32, #tpu.memory_space<vmem>>, vector<2048x32xf32>,
    %reduce_sum3A = arith.constant dense<0.000000e+00> : vector<32xf32>
    %reduce_sum3A_21 = vector.multi_reduction <add>, %add3A, %reduce_sum3A [0] : vector<2048x32xf32> to vector<32xf32>
    %broadcast_in_dim3A = vector.shape_cast %reduce_sum3A_21 : vector<32xf32> to vector<1x32xf32>
    %mul3A = arith.mulf %add3A, %add3A : vector<2048x32xf32>
    %reduce_sum3A_22 = arith.constant dense<0.000000e+00> : vector<32xf32>
    %reduce_sum3A_23 = vector.multi_reduction <add>, %mul3A, %reduce_sum3A_22 [0] : vector<2048x32xf32> to vector<32xf32>
    %broadcast_in_dim3A_24 = vector.shape_cast %reduce_sum3A_23 : vector<32xf32> to vector<1x32xf32>
    %concatenate3A = tpu.concatenate %broadcast_in_dim3A, %broadcast_in_dim3A_24 in 0 : vector<1x32xf32>, vector<1x32xf32> -> vector<2x32xf32>
    %eq3A = arith.constant 0 : i32
    %eq3A_25 = arith.cmpi eq, %arg0, %eq3A : i32
    %convert_element_type3A = arith.extui %eq3A_25 : i1 to i32
    %cond3A = arith.constant 0 : i32
    %cond3A_26 = arith.cmpi ne, %convert_element_type3A, %cond3A : i32
    scf.if %cond3A_26 {
      %swap3A_31 = arith.constant 0 : index
      %swap3A_32 = arith.constant 0 : index
      %swap3A_33 = vector.load %arg7[%swap3A_31, %swap3A_32] : memref<2x32xf32, #tpu.memory_space<vmem>>, vector<2x32xf32>
      tpu.vector_store %arg7[%swap3A_31, %swap3A_32], %concatenate3A {strides = array<i32>} : memref<2x32xf32, #tpu.memory_space<vmem>>, vector<2x32xf32>,
    } else {
    }
    %gt3A = arith.constant 0 : i32
    %gt3A_27 = arith.cmpi sgt, %arg0, %gt3A : i32
    %convert_element_type3A_28 = arith.extui %gt3A_27 : i1 to i32
    %cond3A_29 = arith.constant 0 : i32
    %cond3A_30 = arith.cmpi ne, %convert_element_type3A_28, %cond3A_29 : i32
    scf.if %cond3A_30 {
      %get3A_31 = arith.constant 0 : index
      %get3A_32 = arith.constant 0 : index
      %get3A_33 = vector.load %arg7[%get3A_31, %get3A_32] : memref<2x32xf32, #tpu.memory_space<vmem>>, vector<2x32xf32>
      %add3A_34 = arith.addf %get3A_33, %concatenate3A : vector<2x32xf32>
      %swap3A_35 = arith.constant 0 : index
      %swap3A_36 = arith.constant 0 : index
      %swap3A_37 = vector.load %arg7[%swap3A_35, %swap3A_36] : memref<2x32xf32, #tpu.memory_space<vmem>>, vector<2x32xf32>
      tpu.vector_store %arg7[%swap3A_35, %swap3A_36], %add3A_34 {strides = array<i32>} : memref<2x32xf32, #tpu.memory_space<vmem>>, vector<2x32xf32>,
    } else {
    }
    return
  }
  func.func @transform_0(%arg0: i32) -> (i32, i32) {
    %c0_i32 = arith.constant 0 : i32
    %c0_i32_0 = arith.constant 0 : i32
    return %arg0, %c0_i32 : i32, i32
  }
  func.func @transform_1(%arg0: i32) -> (i32, i32) {
    %c0_i32 = arith.constant 0 : i32
    %c0_i32_0 = arith.constant 0 : i32
    return %arg0, %c0_i32 : i32, i32
  }
  func.func @transform_2(%arg0: i32) -> (i32, i32) {
    %c0_i32 = arith.constant 0 : i32
    %c0_i32_0 = arith.constant 0 : i32
    return %arg0, %c0_i32 : i32, i32
  }
  func.func @transform_3(%arg0: i32) -> (i32, i32) {
    %c0_i32 = arith.constant 0 : i32
    %c0_i32_0 = arith.constant 0 : i32
    %c0_i32_1 = arith.constant 0 : i32
    return %c0_i32, %c0_i32_0 : i32, i32
  }
  func.func @transform_4(%arg0: i32) -> (i32, i32) {
    %c0_i32 = arith.constant 0 : i32
    %c0_i32_0 = arith.constant 0 : i32
    %c0_i32_1 = arith.constant 0 : i32
    return %c0_i32, %c0_i32_0 : i32, i32
  }
  func.func @transform_5(%arg0: i32) -> (i32, i32) {
    %c0_i32 = arith.constant 0 : i32
    %c0_i32_0 = arith.constant 0 : i32
    return %arg0, %c0_i32 : i32, i32
  }
  func.func @transform_6(%arg0: i32) -> (i32, i32) {
    %c0_i32 = arith.constant 0 : i32
    %c0_i32_0 = arith.constant 0 : i32
    %c0_i32_1 = arith.constant 0 : i32
    return %c0_i32, %c0_i32_0 : i32, i32
  }
}

module attributes {stable_mosaic.version = 14 : i64} {
  func.func @_flin_body(%arg0: i32, %arg1: memref<2048x32xf32, #tpu.memory_space<vmem>>, %arg2: memref<1x32xf32, #tpu.memory_space<vmem>>, %arg3: memref<1x32xf32, #tpu.memory_space<vmem>>, %arg4: memref<32x32xf32, #tpu.memory_space<vmem>>, %arg5: memref<1x32xf32, #tpu.memory_space<vmem>>, %arg6: memref<2048x32xf32, #tpu.memory_space<vmem>>, %arg7: memref<2x32xf32, #tpu.memory_space<vmem>>) attributes {dimension_semantics = [#tpu.dimension_semantics<arbitrary>], iteration_bounds = array<i64: 64>, scalar_prefetch = 0 : i64, scratch_operands = 0 : i64, tpu.core_type = #tpu.core_type<tc>, window_params = [{transform_indices = @transform_0, window_bounds = array<i64: 2048, 32>}, {pipeline_mode = #tpu.pipeline_mode<synchronous>, transform_indices = @transform_1, window_bounds = array<i64: 1, 32>}, {pipeline_mode = #tpu.pipeline_mode<synchronous>, transform_indices = @transform_2, window_bounds = array<i64: 1, 32>}, {pipeline_mode = #tpu.pipeline_mode<synchronous>, transform_indices = @transform_3, window_bounds = array<i64: 32, 32>}, {pipeline_mode = #tpu.pipeline_mode<synchronous>, transform_indices = @transform_4, window_bounds = array<i64: 1, 32>}, {transform_indices = @transform_5, window_bounds = array<i64: 2048, 32>}, {pipeline_mode = #tpu.pipeline_mode<synchronous>, transform_indices = @transform_6, window_bounds = array<i64: 2, 32>}]} {
    %get3A = arith.constant 0 : index
    %get3A_0 = arith.constant 0 : index
    %get3A_1 = vector.load %arg1[%get3A, %get3A_0] : memref<2048x32xf32, #tpu.memory_space<vmem>>, vector<2048x32xf32>
    %get3A_2 = arith.constant 0 : index
    %get3A_3 = arith.constant 0 : index
    %get3A_4 = vector.load %arg2[%get3A_2, %get3A_3] : memref<1x32xf32, #tpu.memory_space<vmem>>, vector<1x32xf32>
    %mul3A = vector.broadcast %get3A_4 : vector<1x32xf32> to vector<2048x32xf32>
    %mul3A_5 = arith.mulf %get3A_1, %mul3A : vector<2048x32xf32>
    %get3A_6 = arith.constant 0 : index
    %get3A_7 = arith.constant 0 : index
    %get3A_8 = vector.load %arg3[%get3A_6, %get3A_7] : memref<1x32xf32, #tpu.memory_space<vmem>>, vector<1x32xf32>
    %add3A = vector.broadcast %get3A_8 : vector<1x32xf32> to vector<2048x32xf32>
    %add3A_9 = arith.addf %mul3A_5, %add3A : vector<2048x32xf32>
    %max3A = arith.constant 0.000000e+00 : f32
    %max3A_10 = vector.broadcast %max3A : f32 to vector<2048x32xf32>
    %max3A_11 = arith.maximumf %add3A_9, %max3A_10 : vector<2048x32xf32>
    %get3A_12 = arith.constant 0 : index
    %get3A_13 = arith.constant 0 : index
    %get3A_14 = vector.load %arg4[%get3A_12, %get3A_13] : memref<32x32xf32, #tpu.memory_space<vmem>>, vector<32x32xf32>
    %dot_general3A = arith.constant dense<0.000000e+00> : vector<2048x32xf32>
    %dot_general3A_15 = tpu.matmul %max3A_11, %get3A_14, %dot_general3A {dimension_numbers = #tpu.dot_dimension_numbers<[1], [0], [0], [1], [0, 0, 1, 1], [], []>, transpose_lhs_hint = false} : vector<2048x32xf32>, vector<32x32xf32>, vector<2048x32xf32> -> vector<2048x32xf32>
    %get3A_16 = arith.constant 0 : index
    %get3A_17 = arith.constant 0 : index
    %get3A_18 = vector.load %arg5[%get3A_16, %get3A_17] : memref<1x32xf32, #tpu.memory_space<vmem>>, vector<1x32xf32>
    %add3A_19 = vector.broadcast %get3A_18 : vector<1x32xf32> to vector<2048x32xf32>
    %add3A_20 = arith.addf %dot_general3A_15, %add3A_19 : vector<2048x32xf32>
    %swap3A = arith.constant 0 : index
    %swap3A_21 = arith.constant 0 : index
    %swap3A_22 = vector.load %arg6[%swap3A, %swap3A_21] : memref<2048x32xf32, #tpu.memory_space<vmem>>, vector<2048x32xf32>
    tpu.vector_store %arg6[%swap3A, %swap3A_21], %add3A_20 {strides = array<i32>} : memref<2048x32xf32, #tpu.memory_space<vmem>>, vector<2048x32xf32>,
    %reduce_sum3A = arith.constant dense<0.000000e+00> : vector<32xf32>
    %reduce_sum3A_23 = vector.multi_reduction <add>, %add3A_20, %reduce_sum3A [0] : vector<2048x32xf32> to vector<32xf32>
    %broadcast_in_dim3A = vector.shape_cast %reduce_sum3A_23 : vector<32xf32> to vector<1x32xf32>
    %mul3A_24 = arith.mulf %add3A_20, %add3A_20 : vector<2048x32xf32>
    %reduce_sum3A_25 = arith.constant dense<0.000000e+00> : vector<32xf32>
    %reduce_sum3A_26 = vector.multi_reduction <add>, %mul3A_24, %reduce_sum3A_25 [0] : vector<2048x32xf32> to vector<32xf32>
    %broadcast_in_dim3A_27 = vector.shape_cast %reduce_sum3A_26 : vector<32xf32> to vector<1x32xf32>
    %concatenate3A = tpu.concatenate %broadcast_in_dim3A, %broadcast_in_dim3A_27 in 0 : vector<1x32xf32>, vector<1x32xf32> -> vector<2x32xf32>
    %eq3A = arith.constant 0 : i32
    %eq3A_28 = arith.cmpi eq, %arg0, %eq3A : i32
    %convert_element_type3A = arith.extui %eq3A_28 : i1 to i32
    %cond3A = arith.constant 0 : i32
    %cond3A_29 = arith.cmpi ne, %convert_element_type3A, %cond3A : i32
    scf.if %cond3A_29 {
      %swap3A_34 = arith.constant 0 : index
      %swap3A_35 = arith.constant 0 : index
      %swap3A_36 = vector.load %arg7[%swap3A_34, %swap3A_35] : memref<2x32xf32, #tpu.memory_space<vmem>>, vector<2x32xf32>
      tpu.vector_store %arg7[%swap3A_34, %swap3A_35], %concatenate3A {strides = array<i32>} : memref<2x32xf32, #tpu.memory_space<vmem>>, vector<2x32xf32>,
    } else {
    }
    %gt3A = arith.constant 0 : i32
    %gt3A_30 = arith.cmpi sgt, %arg0, %gt3A : i32
    %convert_element_type3A_31 = arith.extui %gt3A_30 : i1 to i32
    %cond3A_32 = arith.constant 0 : i32
    %cond3A_33 = arith.cmpi ne, %convert_element_type3A_31, %cond3A_32 : i32
    scf.if %cond3A_33 {
      %get3A_34 = arith.constant 0 : index
      %get3A_35 = arith.constant 0 : index
      %get3A_36 = vector.load %arg7[%get3A_34, %get3A_35] : memref<2x32xf32, #tpu.memory_space<vmem>>, vector<2x32xf32>
      %add3A_37 = arith.addf %get3A_36, %concatenate3A : vector<2x32xf32>
      %swap3A_38 = arith.constant 0 : index
      %swap3A_39 = arith.constant 0 : index
      %swap3A_40 = vector.load %arg7[%swap3A_38, %swap3A_39] : memref<2x32xf32, #tpu.memory_space<vmem>>, vector<2x32xf32>
      tpu.vector_store %arg7[%swap3A_38, %swap3A_39], %add3A_37 {strides = array<i32>} : memref<2x32xf32, #tpu.memory_space<vmem>>, vector<2x32xf32>,
    } else {
    }
    return
  }
  func.func @transform_0(%arg0: i32) -> (i32, i32) {
    %c0_i32 = arith.constant 0 : i32
    %c0_i32_0 = arith.constant 0 : i32
    return %arg0, %c0_i32 : i32, i32
  }
  func.func @transform_1(%arg0: i32) -> (i32, i32) {
    %c0_i32 = arith.constant 0 : i32
    %c0_i32_0 = arith.constant 0 : i32
    %c0_i32_1 = arith.constant 0 : i32
    return %c0_i32, %c0_i32_0 : i32, i32
  }
  func.func @transform_2(%arg0: i32) -> (i32, i32) {
    %c0_i32 = arith.constant 0 : i32
    %c0_i32_0 = arith.constant 0 : i32
    %c0_i32_1 = arith.constant 0 : i32
    return %c0_i32, %c0_i32_0 : i32, i32
  }
  func.func @transform_3(%arg0: i32) -> (i32, i32) {
    %c0_i32 = arith.constant 0 : i32
    %c0_i32_0 = arith.constant 0 : i32
    %c0_i32_1 = arith.constant 0 : i32
    return %c0_i32, %c0_i32_0 : i32, i32
  }
  func.func @transform_4(%arg0: i32) -> (i32, i32) {
    %c0_i32 = arith.constant 0 : i32
    %c0_i32_0 = arith.constant 0 : i32
    %c0_i32_1 = arith.constant 0 : i32
    return %c0_i32, %c0_i32_0 : i32, i32
  }
  func.func @transform_5(%arg0: i32) -> (i32, i32) {
    %c0_i32 = arith.constant 0 : i32
    %c0_i32_0 = arith.constant 0 : i32
    return %arg0, %c0_i32 : i32, i32
  }
  func.func @transform_6(%arg0: i32) -> (i32, i32) {
    %c0_i32 = arith.constant 0 : i32
    %c0_i32_0 = arith.constant 0 : i32
    %c0_i32_1 = arith.constant 0 : i32
    return %c0_i32, %c0_i32_0 : i32, i32
  }
}

module attributes {stable_mosaic.version = 14 : i64} {
  func.func @_finalize_body(%arg0: i32, %arg1: memref<2048x32xf32, #tpu.memory_space<vmem>>, %arg2: memref<1x32xf32, #tpu.memory_space<vmem>>, %arg3: memref<1x32xf32, #tpu.memory_space<vmem>>, %arg4: memref<128x2048xf32, #tpu.memory_space<vmem>>, %arg5: memref<128x32xf32, #tpu.memory_space<vmem>>) attributes {dimension_semantics = [#tpu.dimension_semantics<arbitrary>], iteration_bounds = array<i64: 64>, scalar_prefetch = 0 : i64, scratch_operands = 0 : i64, tpu.core_type = #tpu.core_type<tc>, window_params = [{transform_indices = @transform_0, window_bounds = array<i64: 2048, 32>}, {pipeline_mode = #tpu.pipeline_mode<synchronous>, transform_indices = @transform_1, window_bounds = array<i64: 1, 32>}, {pipeline_mode = #tpu.pipeline_mode<synchronous>, transform_indices = @transform_2, window_bounds = array<i64: 1, 32>}, {pipeline_mode = #tpu.pipeline_mode<synchronous>, transform_indices = @transform_3, window_bounds = array<i64: 128, 2048>}, {transform_indices = @transform_4, window_bounds = array<i64: 128, 32>}]} {
    %get3A = arith.constant 0 : index
    %get3A_0 = arith.constant 0 : index
    %get3A_1 = vector.load %arg1[%get3A, %get3A_0] : memref<2048x32xf32, #tpu.memory_space<vmem>>, vector<2048x32xf32>
    %get3A_2 = arith.constant 0 : index
    %get3A_3 = arith.constant 0 : index
    %get3A_4 = vector.load %arg2[%get3A_2, %get3A_3] : memref<1x32xf32, #tpu.memory_space<vmem>>, vector<1x32xf32>
    %mul3A = vector.broadcast %get3A_4 : vector<1x32xf32> to vector<2048x32xf32>
    %mul3A_5 = arith.mulf %get3A_1, %mul3A : vector<2048x32xf32>
    %get3A_6 = arith.constant 0 : index
    %get3A_7 = arith.constant 0 : index
    %get3A_8 = vector.load %arg3[%get3A_6, %get3A_7] : memref<1x32xf32, #tpu.memory_space<vmem>>, vector<1x32xf32>
    %add3A = vector.broadcast %get3A_8 : vector<1x32xf32> to vector<2048x32xf32>
    %add3A_9 = arith.addf %mul3A_5, %add3A : vector<2048x32xf32>
    %max3A = arith.constant 0.000000e+00 : f32
    %max3A_10 = vector.broadcast %max3A : f32 to vector<2048x32xf32>
    %max3A_11 = arith.maximumf %add3A_9, %max3A_10 : vector<2048x32xf32>
    %get3A_12 = arith.constant 0 : index
    %get3A_13 = arith.constant 0 : index
    %get3A_14 = vector.load %arg4[%get3A_12, %get3A_13] : memref<128x2048xf32, #tpu.memory_space<vmem>>, vector<128x2048xf32>
    %dot_general3A = arith.constant dense<0.000000e+00> : vector<128x32xf32>
    %dot_general3A_15 = tpu.matmul %get3A_14, %max3A_11, %dot_general3A {dimension_numbers = #tpu.dot_dimension_numbers<[1], [0], [0], [1], [0, 0, 1, 1], [], []>, precision = #tpu.contract_precision<fp32>, transpose_lhs_hint = false} : vector<128x2048xf32>, vector<2048x32xf32>, vector<128x32xf32> -> vector<128x32xf32>
    %swap3A = arith.constant 0 : index
    %swap3A_16 = arith.constant 0 : index
    %swap3A_17 = vector.load %arg5[%swap3A, %swap3A_16] : memref<128x32xf32, #tpu.memory_space<vmem>>, vector<128x32xf32>
    tpu.vector_store %arg5[%swap3A, %swap3A_16], %dot_general3A_15 {strides = array<i32>} : memref<128x32xf32, #tpu.memory_space<vmem>>, vector<128x32xf32>,
    return
  }
  func.func @transform_0(%arg0: i32) -> (i32, i32) {
    %c0_i32 = arith.constant 0 : i32
    %c0_i32_0 = arith.constant 0 : i32
    return %arg0, %c0_i32 : i32, i32
  }
  func.func @transform_1(%arg0: i32) -> (i32, i32) {
    %c0_i32 = arith.constant 0 : i32
    %c0_i32_0 = arith.constant 0 : i32
    %c0_i32_1 = arith.constant 0 : i32
    return %c0_i32, %c0_i32_0 : i32, i32
  }
  func.func @transform_2(%arg0: i32) -> (i32, i32) {
    %c0_i32 = arith.constant 0 : i32
    %c0_i32_0 = arith.constant 0 : i32
    %c0_i32_1 = arith.constant 0 : i32
    return %c0_i32, %c0_i32_0 : i32, i32
  }
  func.func @transform_3(%arg0: i32) -> (i32, i32) {
    %c0_i32 = arith.constant 0 : i32
    %c0_i32_0 = arith.constant 0 : i32
    %c0_i32_1 = arith.constant 0 : i32
    return %c0_i32, %c0_i32_0 : i32, i32
  }
  func.func @transform_4(%arg0: i32) -> (i32, i32) {
    %c0_i32 = arith.constant 0 : i32
    %c0_i32_0 = arith.constant 0 : i32
    return %arg0, %c0_i32 : i32, i32
  }
}

module attributes {stable_mosaic.version = 14 : i64} {
  func.func @_pnode_body(%arg0: i32, %arg1: memref<1024x35xf32, #tpu.memory_space<vmem>>, %arg2: memref<35x64xf32, #tpu.memory_space<vmem>>, %arg3: memref<1x64xf32, #tpu.memory_space<vmem>>, %arg4: memref<1024x64xf32, #tpu.memory_space<vmem>>) attributes {dimension_semantics = [#tpu.dimension_semantics<arbitrary>], iteration_bounds = array<i64: 8>, scalar_prefetch = 0 : i64, scratch_operands = 0 : i64, tpu.core_type = #tpu.core_type<tc>, window_params = [{transform_indices = @transform_0, window_bounds = array<i64: 1024, 35>}, {pipeline_mode = #tpu.pipeline_mode<synchronous>, transform_indices = @transform_1, window_bounds = array<i64: 35, 64>}, {pipeline_mode = #tpu.pipeline_mode<synchronous>, transform_indices = @transform_2, window_bounds = array<i64: 1, 64>}, {transform_indices = @transform_3, window_bounds = array<i64: 1024, 64>}]} {
    %get3A = arith.constant 0 : index
    %get3A_0 = arith.constant 0 : index
    %get3A_1 = vector.load %arg1[%get3A, %get3A_0] : memref<1024x35xf32, #tpu.memory_space<vmem>>, vector<1024x35xf32>
    %get3A_2 = arith.constant 0 : index
    %get3A_3 = arith.constant 0 : index
    %get3A_4 = vector.load %arg2[%get3A_2, %get3A_3] : memref<35x64xf32, #tpu.memory_space<vmem>>, vector<35x64xf32>
    %dot_general3A = arith.constant dense<0.000000e+00> : vector<1024x64xf32>
    %dot_general3A_5 = tpu.matmul %get3A_1, %get3A_4, %dot_general3A {dimension_numbers = #tpu.dot_dimension_numbers<[1], [0], [0], [1], [0, 0, 1, 1], [], []>, transpose_lhs_hint = false} : vector<1024x35xf32>, vector<35x64xf32>, vector<1024x64xf32> -> vector<1024x64xf32>
    %get3A_6 = arith.constant 0 : index
    %get3A_7 = arith.constant 0 : index
    %get3A_8 = vector.load %arg3[%get3A_6, %get3A_7] : memref<1x64xf32, #tpu.memory_space<vmem>>, vector<1x64xf32>
    %add3A = vector.broadcast %get3A_8 : vector<1x64xf32> to vector<1024x64xf32>
    %add3A_9 = arith.addf %dot_general3A_5, %add3A : vector<1024x64xf32>
    %swap3A = arith.constant 0 : index
    %swap3A_10 = arith.constant 0 : index
    %swap3A_11 = vector.load %arg4[%swap3A, %swap3A_10] : memref<1024x64xf32, #tpu.memory_space<vmem>>, vector<1024x64xf32>
    tpu.vector_store %arg4[%swap3A, %swap3A_10], %add3A_9 {strides = array<i32>} : memref<1024x64xf32, #tpu.memory_space<vmem>>, vector<1024x64xf32>,
    return
  }
  func.func @transform_0(%arg0: i32) -> (i32, i32) {
    %c0_i32 = arith.constant 0 : i32
    %c0_i32_0 = arith.constant 0 : i32
    return %arg0, %c0_i32 : i32, i32
  }
  func.func @transform_1(%arg0: i32) -> (i32, i32) {
    %c0_i32 = arith.constant 0 : i32
    %c0_i32_0 = arith.constant 0 : i32
    %c0_i32_1 = arith.constant 0 : i32
    return %c0_i32, %c0_i32_0 : i32, i32
  }
  func.func @transform_2(%arg0: i32) -> (i32, i32) {
    %c0_i32 = arith.constant 0 : i32
    %c0_i32_0 = arith.constant 0 : i32
    %c0_i32_1 = arith.constant 0 : i32
    return %c0_i32, %c0_i32_0 : i32, i32
  }
  func.func @transform_3(%arg0: i32) -> (i32, i32) {
    %c0_i32 = arith.constant 0 : i32
    %c0_i32_0 = arith.constant 0 : i32
    return %arg0, %c0_i32 : i32, i32
  }
}

module attributes {stable_mosaic.version = 14 : i64} {
  func.func @_h1_conv_body(%arg0: i32, %arg1: memref<128x64xf32, #tpu.memory_space<vmem>>, %arg2: memref<128x48xf32, #tpu.memory_space<vmem>>, %arg3: memref<2048x48xf32, #tpu.memory_space<vmem>>, %arg4: memref<48x64xf32, #tpu.memory_space<vmem>>, %arg5: memref<2048x128xf32, #tpu.memory_space<vmem>>, %arg6: memref<2048x64xf32, #tpu.memory_space<vmem>>, %arg7: memref<2x64xf32, #tpu.memory_space<vmem>>) attributes {dimension_semantics = [#tpu.dimension_semantics<arbitrary>], iteration_bounds = array<i64: 64>, scalar_prefetch = 0 : i64, scratch_operands = 0 : i64, tpu.core_type = #tpu.core_type<tc>, window_params = [{transform_indices = @transform_0, window_bounds = array<i64: 128, 64>}, {transform_indices = @transform_1, window_bounds = array<i64: 128, 48>}, {transform_indices = @transform_2, window_bounds = array<i64: 2048, 48>}, {pipeline_mode = #tpu.pipeline_mode<synchronous>, transform_indices = @transform_3, window_bounds = array<i64: 48, 64>}, {pipeline_mode = #tpu.pipeline_mode<synchronous>, transform_indices = @transform_4, window_bounds = array<i64: 2048, 128>}, {transform_indices = @transform_5, window_bounds = array<i64: 2048, 64>}, {pipeline_mode = #tpu.pipeline_mode<synchronous>, transform_indices = @transform_6, window_bounds = array<i64: 2, 64>}]} {
    %get3A = arith.constant 0 : index
    %get3A_0 = arith.constant 0 : index
    %get3A_1 = vector.load %arg5[%get3A, %get3A_0] : memref<2048x128xf32, #tpu.memory_space<vmem>>, vector<2048x128xf32>
    %get3A_2 = arith.constant 0 : index
    %get3A_3 = arith.constant 0 : index
    %get3A_4 = vector.load %arg2[%get3A_2, %get3A_3] : memref<128x48xf32, #tpu.memory_space<vmem>>, vector<128x48xf32>
    %dot_general3A = arith.constant dense<0.000000e+00> : vector<2048x48xf32>
    %dot_general3A_5 = tpu.matmul %get3A_1, %get3A_4, %dot_general3A {dimension_numbers = #tpu.dot_dimension_numbers<[1], [0], [0], [1], [0, 0, 1, 1], [], []>, precision = #tpu.contract_precision<fp32>, transpose_lhs_hint = false} : vector<2048x128xf32>, vector<128x48xf32>, vector<2048x48xf32> -> vector<2048x48xf32>
    %get3A_6 = arith.constant 0 : index
    %get3A_7 = arith.constant 0 : index
    %get3A_8 = vector.load %arg3[%get3A_6, %get3A_7] : memref<2048x48xf32, #tpu.memory_space<vmem>>, vector<2048x48xf32>
    %sub3A = arith.subf %get3A_8, %dot_general3A_5 : vector<2048x48xf32>
    %get3A_9 = arith.constant 0 : index
    %get3A_10 = arith.constant 0 : index
    %get3A_11 = vector.load %arg1[%get3A_9, %get3A_10] : memref<128x64xf32, #tpu.memory_space<vmem>>, vector<128x64xf32>
    %dot_general3A_12 = arith.constant dense<0.000000e+00> : vector<2048x64xf32>
    %dot_general3A_13 = tpu.matmul %get3A_1, %get3A_11, %dot_general3A_12 {dimension_numbers = #tpu.dot_dimension_numbers<[1], [0], [0], [1], [0, 0, 1, 1], [], []>, precision = #tpu.contract_precision<fp32>, transpose_lhs_hint = false} : vector<2048x128xf32>, vector<128x64xf32>, vector<2048x64xf32> -> vector<2048x64xf32>
    %get3A_14 = arith.constant 0 : index
    %get3A_15 = arith.constant 0 : index
    %get3A_16 = vector.load %arg4[%get3A_14, %get3A_15] : memref<48x64xf32, #tpu.memory_space<vmem>>, vector<48x64xf32>
    %dot_general3A_17 = arith.constant dense<0.000000e+00> : vector<2048x64xf32>
    %dot_general3A_18 = tpu.matmul %sub3A, %get3A_16, %dot_general3A_17 {dimension_numbers = #tpu.dot_dimension_numbers<[1], [0], [0], [1], [0, 0, 1, 1], [], []>, transpose_lhs_hint = false} : vector<2048x48xf32>, vector<48x64xf32>, vector<2048x64xf32> -> vector<2048x64xf32>
    %add3A = arith.addf %dot_general3A_13, %dot_general3A_18 : vector<2048x64xf32>
    %swap3A = arith.constant 0 : index
    %swap3A_19 = arith.constant 0 : index
    %swap3A_20 = vector.load %arg6[%swap3A, %swap3A_19] : memref<2048x64xf32, #tpu.memory_space<vmem>>, vector<2048x64xf32>
    tpu.vector_store %arg6[%swap3A, %swap3A_19], %add3A {strides = array<i32>} : memref<2048x64xf32, #tpu.memory_space<vmem>>, vector<2048x64xf32>,
    %reduce_sum3A = arith.constant dense<0.000000e+00> : vector<64xf32>
    %reduce_sum3A_21 = vector.multi_reduction <add>, %add3A, %reduce_sum3A [0] : vector<2048x64xf32> to vector<64xf32>
    %broadcast_in_dim3A = vector.shape_cast %reduce_sum3A_21 : vector<64xf32> to vector<1x64xf32>
    %mul3A = arith.mulf %add3A, %add3A : vector<2048x64xf32>
    %reduce_sum3A_22 = arith.constant dense<0.000000e+00> : vector<64xf32>
    %reduce_sum3A_23 = vector.multi_reduction <add>, %mul3A, %reduce_sum3A_22 [0] : vector<2048x64xf32> to vector<64xf32>
    %broadcast_in_dim3A_24 = vector.shape_cast %reduce_sum3A_23 : vector<64xf32> to vector<1x64xf32>
    %concatenate3A = tpu.concatenate %broadcast_in_dim3A, %broadcast_in_dim3A_24 in 0 : vector<1x64xf32>, vector<1x64xf32> -> vector<2x64xf32>
    %eq3A = arith.constant 0 : i32
    %eq3A_25 = arith.cmpi eq, %arg0, %eq3A : i32
    %convert_element_type3A = arith.extui %eq3A_25 : i1 to i32
    %cond3A = arith.constant 0 : i32
    %cond3A_26 = arith.cmpi ne, %convert_element_type3A, %cond3A : i32
    scf.if %cond3A_26 {
      %swap3A_31 = arith.constant 0 : index
      %swap3A_32 = arith.constant 0 : index
      %swap3A_33 = vector.load %arg7[%swap3A_31, %swap3A_32] : memref<2x64xf32, #tpu.memory_space<vmem>>, vector<2x64xf32>
      tpu.vector_store %arg7[%swap3A_31, %swap3A_32], %concatenate3A {strides = array<i32>} : memref<2x64xf32, #tpu.memory_space<vmem>>, vector<2x64xf32>,
    } else {
    }
    %gt3A = arith.constant 0 : i32
    %gt3A_27 = arith.cmpi sgt, %arg0, %gt3A : i32
    %convert_element_type3A_28 = arith.extui %gt3A_27 : i1 to i32
    %cond3A_29 = arith.constant 0 : i32
    %cond3A_30 = arith.cmpi ne, %convert_element_type3A_28, %cond3A_29 : i32
    scf.if %cond3A_30 {
      %get3A_31 = arith.constant 0 : index
      %get3A_32 = arith.constant 0 : index
      %get3A_33 = vector.load %arg7[%get3A_31, %get3A_32] : memref<2x64xf32, #tpu.memory_space<vmem>>, vector<2x64xf32>
      %add3A_34 = arith.addf %get3A_33, %concatenate3A : vector<2x64xf32>
      %swap3A_35 = arith.constant 0 : index
      %swap3A_36 = arith.constant 0 : index
      %swap3A_37 = vector.load %arg7[%swap3A_35, %swap3A_36] : memref<2x64xf32, #tpu.memory_space<vmem>>, vector<2x64xf32>
      tpu.vector_store %arg7[%swap3A_35, %swap3A_36], %add3A_34 {strides = array<i32>} : memref<2x64xf32, #tpu.memory_space<vmem>>, vector<2x64xf32>,
    } else {
    }
    return
  }
  func.func @transform_0(%arg0: i32) -> (i32, i32) {
    %c0_i32 = arith.constant 0 : i32
    %c0_i32_0 = arith.constant 0 : i32
    return %arg0, %c0_i32 : i32, i32
  }
  func.func @transform_1(%arg0: i32) -> (i32, i32) {
    %c0_i32 = arith.constant 0 : i32
    %c0_i32_0 = arith.constant 0 : i32
    return %arg0, %c0_i32 : i32, i32
  }
  func.func @transform_2(%arg0: i32) -> (i32, i32) {
    %c0_i32 = arith.constant 0 : i32
    %c0_i32_0 = arith.constant 0 : i32
    return %arg0, %c0_i32 : i32, i32
  }
  func.func @transform_3(%arg0: i32) -> (i32, i32) {
    %c0_i32 = arith.constant 0 : i32
    %c0_i32_0 = arith.constant 0 : i32
    %c0_i32_1 = arith.constant 0 : i32
    return %c0_i32, %c0_i32_0 : i32, i32
  }
  func.func @transform_4(%arg0: i32) -> (i32, i32) {
    %c0_i32 = arith.constant 0 : i32
    %c0_i32_0 = arith.constant 0 : i32
    %c0_i32_1 = arith.constant 0 : i32
    return %c0_i32, %c0_i32_0 : i32, i32
  }
  func.func @transform_5(%arg0: i32) -> (i32, i32) {
    %c0_i32 = arith.constant 0 : i32
    %c0_i32_0 = arith.constant 0 : i32
    return %arg0, %c0_i32 : i32, i32
  }
  func.func @transform_6(%arg0: i32) -> (i32, i32) {
    %c0_i32 = arith.constant 0 : i32
    %c0_i32_0 = arith.constant 0 : i32
    %c0_i32_1 = arith.constant 0 : i32
    return %c0_i32, %c0_i32_0 : i32, i32
  }
}

module attributes {stable_mosaic.version = 14 : i64} {
  func.func @_flin_body(%arg0: i32, %arg1: memref<2048x64xf32, #tpu.memory_space<vmem>>, %arg2: memref<1x64xf32, #tpu.memory_space<vmem>>, %arg3: memref<1x64xf32, #tpu.memory_space<vmem>>, %arg4: memref<64x64xf32, #tpu.memory_space<vmem>>, %arg5: memref<1x64xf32, #tpu.memory_space<vmem>>, %arg6: memref<2048x64xf32, #tpu.memory_space<vmem>>, %arg7: memref<2x64xf32, #tpu.memory_space<vmem>>) attributes {dimension_semantics = [#tpu.dimension_semantics<arbitrary>], iteration_bounds = array<i64: 64>, scalar_prefetch = 0 : i64, scratch_operands = 0 : i64, tpu.core_type = #tpu.core_type<tc>, window_params = [{transform_indices = @transform_0, window_bounds = array<i64: 2048, 64>}, {pipeline_mode = #tpu.pipeline_mode<synchronous>, transform_indices = @transform_1, window_bounds = array<i64: 1, 64>}, {pipeline_mode = #tpu.pipeline_mode<synchronous>, transform_indices = @transform_2, window_bounds = array<i64: 1, 64>}, {pipeline_mode = #tpu.pipeline_mode<synchronous>, transform_indices = @transform_3, window_bounds = array<i64: 64, 64>}, {pipeline_mode = #tpu.pipeline_mode<synchronous>, transform_indices = @transform_4, window_bounds = array<i64: 1, 64>}, {transform_indices = @transform_5, window_bounds = array<i64: 2048, 64>}, {pipeline_mode = #tpu.pipeline_mode<synchronous>, transform_indices = @transform_6, window_bounds = array<i64: 2, 64>}]} {
    %get3A = arith.constant 0 : index
    %get3A_0 = arith.constant 0 : index
    %get3A_1 = vector.load %arg1[%get3A, %get3A_0] : memref<2048x64xf32, #tpu.memory_space<vmem>>, vector<2048x64xf32>
    %get3A_2 = arith.constant 0 : index
    %get3A_3 = arith.constant 0 : index
    %get3A_4 = vector.load %arg2[%get3A_2, %get3A_3] : memref<1x64xf32, #tpu.memory_space<vmem>>, vector<1x64xf32>
    %mul3A = vector.broadcast %get3A_4 : vector<1x64xf32> to vector<2048x64xf32>
    %mul3A_5 = arith.mulf %get3A_1, %mul3A : vector<2048x64xf32>
    %get3A_6 = arith.constant 0 : index
    %get3A_7 = arith.constant 0 : index
    %get3A_8 = vector.load %arg3[%get3A_6, %get3A_7] : memref<1x64xf32, #tpu.memory_space<vmem>>, vector<1x64xf32>
    %add3A = vector.broadcast %get3A_8 : vector<1x64xf32> to vector<2048x64xf32>
    %add3A_9 = arith.addf %mul3A_5, %add3A : vector<2048x64xf32>
    %max3A = arith.constant 0.000000e+00 : f32
    %max3A_10 = vector.broadcast %max3A : f32 to vector<2048x64xf32>
    %max3A_11 = arith.maximumf %add3A_9, %max3A_10 : vector<2048x64xf32>
    %get3A_12 = arith.constant 0 : index
    %get3A_13 = arith.constant 0 : index
    %get3A_14 = vector.load %arg4[%get3A_12, %get3A_13] : memref<64x64xf32, #tpu.memory_space<vmem>>, vector<64x64xf32>
    %dot_general3A = arith.constant dense<0.000000e+00> : vector<2048x64xf32>
    %dot_general3A_15 = tpu.matmul %max3A_11, %get3A_14, %dot_general3A {dimension_numbers = #tpu.dot_dimension_numbers<[1], [0], [0], [1], [0, 0, 1, 1], [], []>, transpose_lhs_hint = false} : vector<2048x64xf32>, vector<64x64xf32>, vector<2048x64xf32> -> vector<2048x64xf32>
    %get3A_16 = arith.constant 0 : index
    %get3A_17 = arith.constant 0 : index
    %get3A_18 = vector.load %arg5[%get3A_16, %get3A_17] : memref<1x64xf32, #tpu.memory_space<vmem>>, vector<1x64xf32>
    %add3A_19 = vector.broadcast %get3A_18 : vector<1x64xf32> to vector<2048x64xf32>
    %add3A_20 = arith.addf %dot_general3A_15, %add3A_19 : vector<2048x64xf32>
    %swap3A = arith.constant 0 : index
    %swap3A_21 = arith.constant 0 : index
    %swap3A_22 = vector.load %arg6[%swap3A, %swap3A_21] : memref<2048x64xf32, #tpu.memory_space<vmem>>, vector<2048x64xf32>
    tpu.vector_store %arg6[%swap3A, %swap3A_21], %add3A_20 {strides = array<i32>} : memref<2048x64xf32, #tpu.memory_space<vmem>>, vector<2048x64xf32>,
    %reduce_sum3A = arith.constant dense<0.000000e+00> : vector<64xf32>
    %reduce_sum3A_23 = vector.multi_reduction <add>, %add3A_20, %reduce_sum3A [0] : vector<2048x64xf32> to vector<64xf32>
    %broadcast_in_dim3A = vector.shape_cast %reduce_sum3A_23 : vector<64xf32> to vector<1x64xf32>
    %mul3A_24 = arith.mulf %add3A_20, %add3A_20 : vector<2048x64xf32>
    %reduce_sum3A_25 = arith.constant dense<0.000000e+00> : vector<64xf32>
    %reduce_sum3A_26 = vector.multi_reduction <add>, %mul3A_24, %reduce_sum3A_25 [0] : vector<2048x64xf32> to vector<64xf32>
    %broadcast_in_dim3A_27 = vector.shape_cast %reduce_sum3A_26 : vector<64xf32> to vector<1x64xf32>
    %concatenate3A = tpu.concatenate %broadcast_in_dim3A, %broadcast_in_dim3A_27 in 0 : vector<1x64xf32>, vector<1x64xf32> -> vector<2x64xf32>
    %eq3A = arith.constant 0 : i32
    %eq3A_28 = arith.cmpi eq, %arg0, %eq3A : i32
    %convert_element_type3A = arith.extui %eq3A_28 : i1 to i32
    %cond3A = arith.constant 0 : i32
    %cond3A_29 = arith.cmpi ne, %convert_element_type3A, %cond3A : i32
    scf.if %cond3A_29 {
      %swap3A_34 = arith.constant 0 : index
      %swap3A_35 = arith.constant 0 : index
      %swap3A_36 = vector.load %arg7[%swap3A_34, %swap3A_35] : memref<2x64xf32, #tpu.memory_space<vmem>>, vector<2x64xf32>
      tpu.vector_store %arg7[%swap3A_34, %swap3A_35], %concatenate3A {strides = array<i32>} : memref<2x64xf32, #tpu.memory_space<vmem>>, vector<2x64xf32>,
    } else {
    }
    %gt3A = arith.constant 0 : i32
    %gt3A_30 = arith.cmpi sgt, %arg0, %gt3A : i32
    %convert_element_type3A_31 = arith.extui %gt3A_30 : i1 to i32
    %cond3A_32 = arith.constant 0 : i32
    %cond3A_33 = arith.cmpi ne, %convert_element_type3A_31, %cond3A_32 : i32
    scf.if %cond3A_33 {
      %get3A_34 = arith.constant 0 : index
      %get3A_35 = arith.constant 0 : index
      %get3A_36 = vector.load %arg7[%get3A_34, %get3A_35] : memref<2x64xf32, #tpu.memory_space<vmem>>, vector<2x64xf32>
      %add3A_37 = arith.addf %get3A_36, %concatenate3A : vector<2x64xf32>
      %swap3A_38 = arith.constant 0 : index
      %swap3A_39 = arith.constant 0 : index
      %swap3A_40 = vector.load %arg7[%swap3A_38, %swap3A_39] : memref<2x64xf32, #tpu.memory_space<vmem>>, vector<2x64xf32>
      tpu.vector_store %arg7[%swap3A_38, %swap3A_39], %add3A_37 {strides = array<i32>} : memref<2x64xf32, #tpu.memory_space<vmem>>, vector<2x64xf32>,
    } else {
    }
    return
  }
  func.func @transform_0(%arg0: i32) -> (i32, i32) {
    %c0_i32 = arith.constant 0 : i32
    %c0_i32_0 = arith.constant 0 : i32
    return %arg0, %c0_i32 : i32, i32
  }
  func.func @transform_1(%arg0: i32) -> (i32, i32) {
    %c0_i32 = arith.constant 0 : i32
    %c0_i32_0 = arith.constant 0 : i32
    %c0_i32_1 = arith.constant 0 : i32
    return %c0_i32, %c0_i32_0 : i32, i32
  }
  func.func @transform_2(%arg0: i32) -> (i32, i32) {
    %c0_i32 = arith.constant 0 : i32
    %c0_i32_0 = arith.constant 0 : i32
    %c0_i32_1 = arith.constant 0 : i32
    return %c0_i32, %c0_i32_0 : i32, i32
  }
  func.func @transform_3(%arg0: i32) -> (i32, i32) {
    %c0_i32 = arith.constant 0 : i32
    %c0_i32_0 = arith.constant 0 : i32
    %c0_i32_1 = arith.constant 0 : i32
    return %c0_i32, %c0_i32_0 : i32, i32
  }
  func.func @transform_4(%arg0: i32) -> (i32, i32) {
    %c0_i32 = arith.constant 0 : i32
    %c0_i32_0 = arith.constant 0 : i32
    %c0_i32_1 = arith.constant 0 : i32
    return %c0_i32, %c0_i32_0 : i32, i32
  }
  func.func @transform_5(%arg0: i32) -> (i32, i32) {
    %c0_i32 = arith.constant 0 : i32
    %c0_i32_0 = arith.constant 0 : i32
    return %arg0, %c0_i32 : i32, i32
  }
  func.func @transform_6(%arg0: i32) -> (i32, i32) {
    %c0_i32 = arith.constant 0 : i32
    %c0_i32_0 = arith.constant 0 : i32
    %c0_i32_1 = arith.constant 0 : i32
    return %c0_i32, %c0_i32_0 : i32, i32
  }
}

module attributes {stable_mosaic.version = 14 : i64} {
  func.func @_finalize_body(%arg0: i32, %arg1: memref<2048x64xf32, #tpu.memory_space<vmem>>, %arg2: memref<1x64xf32, #tpu.memory_space<vmem>>, %arg3: memref<1x64xf32, #tpu.memory_space<vmem>>, %arg4: memref<128x2048xf32, #tpu.memory_space<vmem>>, %arg5: memref<128x64xf32, #tpu.memory_space<vmem>>) attributes {dimension_semantics = [#tpu.dimension_semantics<arbitrary>], iteration_bounds = array<i64: 64>, scalar_prefetch = 0 : i64, scratch_operands = 0 : i64, tpu.core_type = #tpu.core_type<tc>, window_params = [{transform_indices = @transform_0, window_bounds = array<i64: 2048, 64>}, {pipeline_mode = #tpu.pipeline_mode<synchronous>, transform_indices = @transform_1, window_bounds = array<i64: 1, 64>}, {pipeline_mode = #tpu.pipeline_mode<synchronous>, transform_indices = @transform_2, window_bounds = array<i64: 1, 64>}, {pipeline_mode = #tpu.pipeline_mode<synchronous>, transform_indices = @transform_3, window_bounds = array<i64: 128, 2048>}, {transform_indices = @transform_4, window_bounds = array<i64: 128, 64>}]} {
    %get3A = arith.constant 0 : index
    %get3A_0 = arith.constant 0 : index
    %get3A_1 = vector.load %arg1[%get3A, %get3A_0] : memref<2048x64xf32, #tpu.memory_space<vmem>>, vector<2048x64xf32>
    %get3A_2 = arith.constant 0 : index
    %get3A_3 = arith.constant 0 : index
    %get3A_4 = vector.load %arg2[%get3A_2, %get3A_3] : memref<1x64xf32, #tpu.memory_space<vmem>>, vector<1x64xf32>
    %mul3A = vector.broadcast %get3A_4 : vector<1x64xf32> to vector<2048x64xf32>
    %mul3A_5 = arith.mulf %get3A_1, %mul3A : vector<2048x64xf32>
    %get3A_6 = arith.constant 0 : index
    %get3A_7 = arith.constant 0 : index
    %get3A_8 = vector.load %arg3[%get3A_6, %get3A_7] : memref<1x64xf32, #tpu.memory_space<vmem>>, vector<1x64xf32>
    %add3A = vector.broadcast %get3A_8 : vector<1x64xf32> to vector<2048x64xf32>
    %add3A_9 = arith.addf %mul3A_5, %add3A : vector<2048x64xf32>
    %max3A = arith.constant 0.000000e+00 : f32
    %max3A_10 = vector.broadcast %max3A : f32 to vector<2048x64xf32>
    %max3A_11 = arith.maximumf %add3A_9, %max3A_10 : vector<2048x64xf32>
    %get3A_12 = arith.constant 0 : index
    %get3A_13 = arith.constant 0 : index
    %get3A_14 = vector.load %arg4[%get3A_12, %get3A_13] : memref<128x2048xf32, #tpu.memory_space<vmem>>, vector<128x2048xf32>
    %dot_general3A = arith.constant dense<0.000000e+00> : vector<128x64xf32>
    %dot_general3A_15 = tpu.matmul %get3A_14, %max3A_11, %dot_general3A {dimension_numbers = #tpu.dot_dimension_numbers<[1], [0], [0], [1], [0, 0, 1, 1], [], []>, precision = #tpu.contract_precision<fp32>, transpose_lhs_hint = false} : vector<128x2048xf32>, vector<2048x64xf32>, vector<128x64xf32> -> vector<128x64xf32>
    %swap3A = arith.constant 0 : index
    %swap3A_16 = arith.constant 0 : index
    %swap3A_17 = vector.load %arg5[%swap3A, %swap3A_16] : memref<128x64xf32, #tpu.memory_space<vmem>>, vector<128x64xf32>
    tpu.vector_store %arg5[%swap3A, %swap3A_16], %dot_general3A_15 {strides = array<i32>} : memref<128x64xf32, #tpu.memory_space<vmem>>, vector<128x64xf32>,
    return
  }
  func.func @transform_0(%arg0: i32) -> (i32, i32) {
    %c0_i32 = arith.constant 0 : i32
    %c0_i32_0 = arith.constant 0 : i32
    return %arg0, %c0_i32 : i32, i32
  }
  func.func @transform_1(%arg0: i32) -> (i32, i32) {
    %c0_i32 = arith.constant 0 : i32
    %c0_i32_0 = arith.constant 0 : i32
    %c0_i32_1 = arith.constant 0 : i32
    return %c0_i32, %c0_i32_0 : i32, i32
  }
  func.func @transform_2(%arg0: i32) -> (i32, i32) {
    %c0_i32 = arith.constant 0 : i32
    %c0_i32_0 = arith.constant 0 : i32
    %c0_i32_1 = arith.constant 0 : i32
    return %c0_i32, %c0_i32_0 : i32, i32
  }
  func.func @transform_3(%arg0: i32) -> (i32, i32) {
    %c0_i32 = arith.constant 0 : i32
    %c0_i32_0 = arith.constant 0 : i32
    %c0_i32_1 = arith.constant 0 : i32
    return %c0_i32, %c0_i32_0 : i32, i32
  }
  func.func @transform_4(%arg0: i32) -> (i32, i32) {
    %c0_i32 = arith.constant 0 : i32
    %c0_i32_0 = arith.constant 0 : i32
    return %arg0, %c0_i32 : i32, i32
  }
}

module attributes {stable_mosaic.version = 14 : i64} {
  func.func @_pnode_body(%arg0: i32, %arg1: memref<1024x67xf32, #tpu.memory_space<vmem>>, %arg2: memref<67x128xf32, #tpu.memory_space<vmem>>, %arg3: memref<1x128xf32, #tpu.memory_space<vmem>>, %arg4: memref<1024x128xf32, #tpu.memory_space<vmem>>) attributes {dimension_semantics = [#tpu.dimension_semantics<arbitrary>], iteration_bounds = array<i64: 8>, scalar_prefetch = 0 : i64, scratch_operands = 0 : i64, tpu.core_type = #tpu.core_type<tc>, window_params = [{transform_indices = @transform_0, window_bounds = array<i64: 1024, 67>}, {pipeline_mode = #tpu.pipeline_mode<synchronous>, transform_indices = @transform_1, window_bounds = array<i64: 67, 128>}, {pipeline_mode = #tpu.pipeline_mode<synchronous>, transform_indices = @transform_2, window_bounds = array<i64: 1, 128>}, {transform_indices = @transform_3, window_bounds = array<i64: 1024, 128>}]} {
    %get3A = arith.constant 0 : index
    %get3A_0 = arith.constant 0 : index
    %get3A_1 = vector.load %arg1[%get3A, %get3A_0] : memref<1024x67xf32, #tpu.memory_space<vmem>>, vector<1024x67xf32>
    %get3A_2 = arith.constant 0 : index
    %get3A_3 = arith.constant 0 : index
    %get3A_4 = vector.load %arg2[%get3A_2, %get3A_3] : memref<67x128xf32, #tpu.memory_space<vmem>>, vector<67x128xf32>
    %dot_general3A = arith.constant dense<0.000000e+00> : vector<1024x128xf32>
    %dot_general3A_5 = tpu.matmul %get3A_1, %get3A_4, %dot_general3A {dimension_numbers = #tpu.dot_dimension_numbers<[1], [0], [0], [1], [0, 0, 1, 1], [], []>, transpose_lhs_hint = false} : vector<1024x67xf32>, vector<67x128xf32>, vector<1024x128xf32> -> vector<1024x128xf32>
    %get3A_6 = arith.constant 0 : index
    %get3A_7 = arith.constant 0 : index
    %get3A_8 = vector.load %arg3[%get3A_6, %get3A_7] : memref<1x128xf32, #tpu.memory_space<vmem>>, vector<1x128xf32>
    %add3A = vector.broadcast %get3A_8 : vector<1x128xf32> to vector<1024x128xf32>
    %add3A_9 = arith.addf %dot_general3A_5, %add3A : vector<1024x128xf32>
    %swap3A = arith.constant 0 : index
    %swap3A_10 = arith.constant 0 : index
    %swap3A_11 = vector.load %arg4[%swap3A, %swap3A_10] : memref<1024x128xf32, #tpu.memory_space<vmem>>, vector<1024x128xf32>
    tpu.vector_store %arg4[%swap3A, %swap3A_10], %add3A_9 {strides = array<i32>} : memref<1024x128xf32, #tpu.memory_space<vmem>>, vector<1024x128xf32>,
    return
  }
  func.func @transform_0(%arg0: i32) -> (i32, i32) {
    %c0_i32 = arith.constant 0 : i32
    %c0_i32_0 = arith.constant 0 : i32
    return %arg0, %c0_i32 : i32, i32
  }
  func.func @transform_1(%arg0: i32) -> (i32, i32) {
    %c0_i32 = arith.constant 0 : i32
    %c0_i32_0 = arith.constant 0 : i32
    %c0_i32_1 = arith.constant 0 : i32
    return %c0_i32, %c0_i32_0 : i32, i32
  }
  func.func @transform_2(%arg0: i32) -> (i32, i32) {
    %c0_i32 = arith.constant 0 : i32
    %c0_i32_0 = arith.constant 0 : i32
    %c0_i32_1 = arith.constant 0 : i32
    return %c0_i32, %c0_i32_0 : i32, i32
  }
  func.func @transform_3(%arg0: i32) -> (i32, i32) {
    %c0_i32 = arith.constant 0 : i32
    %c0_i32_0 = arith.constant 0 : i32
    return %arg0, %c0_i32 : i32, i32
  }
}

module attributes {stable_mosaic.version = 14 : i64} {
  func.func @_h1_conv_body(%arg0: i32, %arg1: memref<128x128xf32, #tpu.memory_space<vmem>>, %arg2: memref<128x80xf32, #tpu.memory_space<vmem>>, %arg3: memref<2048x80xf32, #tpu.memory_space<vmem>>, %arg4: memref<80x128xf32, #tpu.memory_space<vmem>>, %arg5: memref<2048x128xf32, #tpu.memory_space<vmem>>, %arg6: memref<2048x128xf32, #tpu.memory_space<vmem>>, %arg7: memref<2x128xf32, #tpu.memory_space<vmem>>) attributes {dimension_semantics = [#tpu.dimension_semantics<arbitrary>], iteration_bounds = array<i64: 64>, scalar_prefetch = 0 : i64, scratch_operands = 0 : i64, tpu.core_type = #tpu.core_type<tc>, window_params = [{transform_indices = @transform_0, window_bounds = array<i64: 128, 128>}, {transform_indices = @transform_1, window_bounds = array<i64: 128, 80>}, {transform_indices = @transform_2, window_bounds = array<i64: 2048, 80>}, {pipeline_mode = #tpu.pipeline_mode<synchronous>, transform_indices = @transform_3, window_bounds = array<i64: 80, 128>}, {pipeline_mode = #tpu.pipeline_mode<synchronous>, transform_indices = @transform_4, window_bounds = array<i64: 2048, 128>}, {transform_indices = @transform_5, window_bounds = array<i64: 2048, 128>}, {pipeline_mode = #tpu.pipeline_mode<synchronous>, transform_indices = @transform_6, window_bounds = array<i64: 2, 128>}]} {
    %get3A = arith.constant 0 : index
    %get3A_0 = arith.constant 0 : index
    %get3A_1 = vector.load %arg5[%get3A, %get3A_0] : memref<2048x128xf32, #tpu.memory_space<vmem>>, vector<2048x128xf32>
    %get3A_2 = arith.constant 0 : index
    %get3A_3 = arith.constant 0 : index
    %get3A_4 = vector.load %arg2[%get3A_2, %get3A_3] : memref<128x80xf32, #tpu.memory_space<vmem>>, vector<128x80xf32>
    %dot_general3A = arith.constant dense<0.000000e+00> : vector<2048x80xf32>
    %dot_general3A_5 = tpu.matmul %get3A_1, %get3A_4, %dot_general3A {dimension_numbers = #tpu.dot_dimension_numbers<[1], [0], [0], [1], [0, 0, 1, 1], [], []>, precision = #tpu.contract_precision<fp32>, transpose_lhs_hint = false} : vector<2048x128xf32>, vector<128x80xf32>, vector<2048x80xf32> -> vector<2048x80xf32>
    %get3A_6 = arith.constant 0 : index
    %get3A_7 = arith.constant 0 : index
    %get3A_8 = vector.load %arg3[%get3A_6, %get3A_7] : memref<2048x80xf32, #tpu.memory_space<vmem>>, vector<2048x80xf32>
    %sub3A = arith.subf %get3A_8, %dot_general3A_5 : vector<2048x80xf32>
    %get3A_9 = arith.constant 0 : index
    %get3A_10 = arith.constant 0 : index
    %get3A_11 = vector.load %arg1[%get3A_9, %get3A_10] : memref<128x128xf32, #tpu.memory_space<vmem>>, vector<128x128xf32>
    %dot_general3A_12 = arith.constant dense<0.000000e+00> : vector<2048x128xf32>
    %dot_general3A_13 = tpu.matmul %get3A_1, %get3A_11, %dot_general3A_12 {dimension_numbers = #tpu.dot_dimension_numbers<[1], [0], [0], [1], [0, 0, 1, 1], [], []>, precision = #tpu.contract_precision<fp32>, transpose_lhs_hint = false} : vector<2048x128xf32>, vector<128x128xf32>, vector<2048x128xf32> -> vector<2048x128xf32>
    %get3A_14 = arith.constant 0 : index
    %get3A_15 = arith.constant 0 : index
    %get3A_16 = vector.load %arg4[%get3A_14, %get3A_15] : memref<80x128xf32, #tpu.memory_space<vmem>>, vector<80x128xf32>
    %dot_general3A_17 = arith.constant dense<0.000000e+00> : vector<2048x128xf32>
    %dot_general3A_18 = tpu.matmul %sub3A, %get3A_16, %dot_general3A_17 {dimension_numbers = #tpu.dot_dimension_numbers<[1], [0], [0], [1], [0, 0, 1, 1], [], []>, transpose_lhs_hint = false} : vector<2048x80xf32>, vector<80x128xf32>, vector<2048x128xf32> -> vector<2048x128xf32>
    %add3A = arith.addf %dot_general3A_13, %dot_general3A_18 : vector<2048x128xf32>
    %swap3A = arith.constant 0 : index
    %swap3A_19 = arith.constant 0 : index
    %swap3A_20 = vector.load %arg6[%swap3A, %swap3A_19] : memref<2048x128xf32, #tpu.memory_space<vmem>>, vector<2048x128xf32>
    tpu.vector_store %arg6[%swap3A, %swap3A_19], %add3A {strides = array<i32>} : memref<2048x128xf32, #tpu.memory_space<vmem>>, vector<2048x128xf32>,
    %reduce_sum3A = arith.constant dense<0.000000e+00> : vector<128xf32>
    %reduce_sum3A_21 = vector.multi_reduction <add>, %add3A, %reduce_sum3A [0] : vector<2048x128xf32> to vector<128xf32>
    %broadcast_in_dim3A = vector.shape_cast %reduce_sum3A_21 : vector<128xf32> to vector<1x128xf32>
    %mul3A = arith.mulf %add3A, %add3A : vector<2048x128xf32>
    %reduce_sum3A_22 = arith.constant dense<0.000000e+00> : vector<128xf32>
    %reduce_sum3A_23 = vector.multi_reduction <add>, %mul3A, %reduce_sum3A_22 [0] : vector<2048x128xf32> to vector<128xf32>
    %broadcast_in_dim3A_24 = vector.shape_cast %reduce_sum3A_23 : vector<128xf32> to vector<1x128xf32>
    %concatenate3A = tpu.concatenate %broadcast_in_dim3A, %broadcast_in_dim3A_24 in 0 : vector<1x128xf32>, vector<1x128xf32> -> vector<2x128xf32>
    %eq3A = arith.constant 0 : i32
    %eq3A_25 = arith.cmpi eq, %arg0, %eq3A : i32
    %convert_element_type3A = arith.extui %eq3A_25 : i1 to i32
    %cond3A = arith.constant 0 : i32
    %cond3A_26 = arith.cmpi ne, %convert_element_type3A, %cond3A : i32
    scf.if %cond3A_26 {
      %swap3A_31 = arith.constant 0 : index
      %swap3A_32 = arith.constant 0 : index
      %swap3A_33 = vector.load %arg7[%swap3A_31, %swap3A_32] : memref<2x128xf32, #tpu.memory_space<vmem>>, vector<2x128xf32>
      tpu.vector_store %arg7[%swap3A_31, %swap3A_32], %concatenate3A {strides = array<i32>} : memref<2x128xf32, #tpu.memory_space<vmem>>, vector<2x128xf32>,
    } else {
    }
    %gt3A = arith.constant 0 : i32
    %gt3A_27 = arith.cmpi sgt, %arg0, %gt3A : i32
    %convert_element_type3A_28 = arith.extui %gt3A_27 : i1 to i32
    %cond3A_29 = arith.constant 0 : i32
    %cond3A_30 = arith.cmpi ne, %convert_element_type3A_28, %cond3A_29 : i32
    scf.if %cond3A_30 {
      %get3A_31 = arith.constant 0 : index
      %get3A_32 = arith.constant 0 : index
      %get3A_33 = vector.load %arg7[%get3A_31, %get3A_32] : memref<2x128xf32, #tpu.memory_space<vmem>>, vector<2x128xf32>
      %add3A_34 = arith.addf %get3A_33, %concatenate3A : vector<2x128xf32>
      %swap3A_35 = arith.constant 0 : index
      %swap3A_36 = arith.constant 0 : index
      %swap3A_37 = vector.load %arg7[%swap3A_35, %swap3A_36] : memref<2x128xf32, #tpu.memory_space<vmem>>, vector<2x128xf32>
      tpu.vector_store %arg7[%swap3A_35, %swap3A_36], %add3A_34 {strides = array<i32>} : memref<2x128xf32, #tpu.memory_space<vmem>>, vector<2x128xf32>,
    } else {
    }
    return
  }
  func.func @transform_0(%arg0: i32) -> (i32, i32) {
    %c0_i32 = arith.constant 0 : i32
    %c0_i32_0 = arith.constant 0 : i32
    return %arg0, %c0_i32 : i32, i32
  }
  func.func @transform_1(%arg0: i32) -> (i32, i32) {
    %c0_i32 = arith.constant 0 : i32
    %c0_i32_0 = arith.constant 0 : i32
    return %arg0, %c0_i32 : i32, i32
  }
  func.func @transform_2(%arg0: i32) -> (i32, i32) {
    %c0_i32 = arith.constant 0 : i32
    %c0_i32_0 = arith.constant 0 : i32
    return %arg0, %c0_i32 : i32, i32
  }
  func.func @transform_3(%arg0: i32) -> (i32, i32) {
    %c0_i32 = arith.constant 0 : i32
    %c0_i32_0 = arith.constant 0 : i32
    %c0_i32_1 = arith.constant 0 : i32
    return %c0_i32, %c0_i32_0 : i32, i32
  }
  func.func @transform_4(%arg0: i32) -> (i32, i32) {
    %c0_i32 = arith.constant 0 : i32
    %c0_i32_0 = arith.constant 0 : i32
    %c0_i32_1 = arith.constant 0 : i32
    return %c0_i32, %c0_i32_0 : i32, i32
  }
  func.func @transform_5(%arg0: i32) -> (i32, i32) {
    %c0_i32 = arith.constant 0 : i32
    %c0_i32_0 = arith.constant 0 : i32
    return %arg0, %c0_i32 : i32, i32
  }
  func.func @transform_6(%arg0: i32) -> (i32, i32) {
    %c0_i32 = arith.constant 0 : i32
    %c0_i32_0 = arith.constant 0 : i32
    %c0_i32_1 = arith.constant 0 : i32
    return %c0_i32, %c0_i32_0 : i32, i32
  }
}

module attributes {stable_mosaic.version = 14 : i64} {
  func.func @_flin_body(%arg0: i32, %arg1: memref<2048x128xf32, #tpu.memory_space<vmem>>, %arg2: memref<1x128xf32, #tpu.memory_space<vmem>>, %arg3: memref<1x128xf32, #tpu.memory_space<vmem>>, %arg4: memref<128x128xf32, #tpu.memory_space<vmem>>, %arg5: memref<1x128xf32, #tpu.memory_space<vmem>>, %arg6: memref<2048x128xf32, #tpu.memory_space<vmem>>, %arg7: memref<2x128xf32, #tpu.memory_space<vmem>>) attributes {dimension_semantics = [#tpu.dimension_semantics<arbitrary>], iteration_bounds = array<i64: 64>, scalar_prefetch = 0 : i64, scratch_operands = 0 : i64, tpu.core_type = #tpu.core_type<tc>, window_params = [{transform_indices = @transform_0, window_bounds = array<i64: 2048, 128>}, {pipeline_mode = #tpu.pipeline_mode<synchronous>, transform_indices = @transform_1, window_bounds = array<i64: 1, 128>}, {pipeline_mode = #tpu.pipeline_mode<synchronous>, transform_indices = @transform_2, window_bounds = array<i64: 1, 128>}, {pipeline_mode = #tpu.pipeline_mode<synchronous>, transform_indices = @transform_3, window_bounds = array<i64: 128, 128>}, {pipeline_mode = #tpu.pipeline_mode<synchronous>, transform_indices = @transform_4, window_bounds = array<i64: 1, 128>}, {transform_indices = @transform_5, window_bounds = array<i64: 2048, 128>}, {pipeline_mode = #tpu.pipeline_mode<synchronous>, transform_indices = @transform_6, window_bounds = array<i64: 2, 128>}]} {
    %get3A = arith.constant 0 : index
    %get3A_0 = arith.constant 0 : index
    %get3A_1 = vector.load %arg1[%get3A, %get3A_0] : memref<2048x128xf32, #tpu.memory_space<vmem>>, vector<2048x128xf32>
    %get3A_2 = arith.constant 0 : index
    %get3A_3 = arith.constant 0 : index
    %get3A_4 = vector.load %arg2[%get3A_2, %get3A_3] : memref<1x128xf32, #tpu.memory_space<vmem>>, vector<1x128xf32>
    %mul3A = vector.broadcast %get3A_4 : vector<1x128xf32> to vector<2048x128xf32>
    %mul3A_5 = arith.mulf %get3A_1, %mul3A : vector<2048x128xf32>
    %get3A_6 = arith.constant 0 : index
    %get3A_7 = arith.constant 0 : index
    %get3A_8 = vector.load %arg3[%get3A_6, %get3A_7] : memref<1x128xf32, #tpu.memory_space<vmem>>, vector<1x128xf32>
    %add3A = vector.broadcast %get3A_8 : vector<1x128xf32> to vector<2048x128xf32>
    %add3A_9 = arith.addf %mul3A_5, %add3A : vector<2048x128xf32>
    %max3A = arith.constant 0.000000e+00 : f32
    %max3A_10 = vector.broadcast %max3A : f32 to vector<2048x128xf32>
    %max3A_11 = arith.maximumf %add3A_9, %max3A_10 : vector<2048x128xf32>
    %get3A_12 = arith.constant 0 : index
    %get3A_13 = arith.constant 0 : index
    %get3A_14 = vector.load %arg4[%get3A_12, %get3A_13] : memref<128x128xf32, #tpu.memory_space<vmem>>, vector<128x128xf32>
    %dot_general3A = arith.constant dense<0.000000e+00> : vector<2048x128xf32>
    %dot_general3A_15 = tpu.matmul %max3A_11, %get3A_14, %dot_general3A {dimension_numbers = #tpu.dot_dimension_numbers<[1], [0], [0], [1], [0, 0, 1, 1], [], []>, transpose_lhs_hint = false} : vector<2048x128xf32>, vector<128x128xf32>, vector<2048x128xf32> -> vector<2048x128xf32>
    %get3A_16 = arith.constant 0 : index
    %get3A_17 = arith.constant 0 : index
    %get3A_18 = vector.load %arg5[%get3A_16, %get3A_17] : memref<1x128xf32, #tpu.memory_space<vmem>>, vector<1x128xf32>
    %add3A_19 = vector.broadcast %get3A_18 : vector<1x128xf32> to vector<2048x128xf32>
    %add3A_20 = arith.addf %dot_general3A_15, %add3A_19 : vector<2048x128xf32>
    %swap3A = arith.constant 0 : index
    %swap3A_21 = arith.constant 0 : index
    %swap3A_22 = vector.load %arg6[%swap3A, %swap3A_21] : memref<2048x128xf32, #tpu.memory_space<vmem>>, vector<2048x128xf32>
    tpu.vector_store %arg6[%swap3A, %swap3A_21], %add3A_20 {strides = array<i32>} : memref<2048x128xf32, #tpu.memory_space<vmem>>, vector<2048x128xf32>,
    %reduce_sum3A = arith.constant dense<0.000000e+00> : vector<128xf32>
    %reduce_sum3A_23 = vector.multi_reduction <add>, %add3A_20, %reduce_sum3A [0] : vector<2048x128xf32> to vector<128xf32>
    %broadcast_in_dim3A = vector.shape_cast %reduce_sum3A_23 : vector<128xf32> to vector<1x128xf32>
    %mul3A_24 = arith.mulf %add3A_20, %add3A_20 : vector<2048x128xf32>
    %reduce_sum3A_25 = arith.constant dense<0.000000e+00> : vector<128xf32>
    %reduce_sum3A_26 = vector.multi_reduction <add>, %mul3A_24, %reduce_sum3A_25 [0] : vector<2048x128xf32> to vector<128xf32>
    %broadcast_in_dim3A_27 = vector.shape_cast %reduce_sum3A_26 : vector<128xf32> to vector<1x128xf32>
    %concatenate3A = tpu.concatenate %broadcast_in_dim3A, %broadcast_in_dim3A_27 in 0 : vector<1x128xf32>, vector<1x128xf32> -> vector<2x128xf32>
    %eq3A = arith.constant 0 : i32
    %eq3A_28 = arith.cmpi eq, %arg0, %eq3A : i32
    %convert_element_type3A = arith.extui %eq3A_28 : i1 to i32
    %cond3A = arith.constant 0 : i32
    %cond3A_29 = arith.cmpi ne, %convert_element_type3A, %cond3A : i32
    scf.if %cond3A_29 {
      %swap3A_34 = arith.constant 0 : index
      %swap3A_35 = arith.constant 0 : index
      %swap3A_36 = vector.load %arg7[%swap3A_34, %swap3A_35] : memref<2x128xf32, #tpu.memory_space<vmem>>, vector<2x128xf32>
      tpu.vector_store %arg7[%swap3A_34, %swap3A_35], %concatenate3A {strides = array<i32>} : memref<2x128xf32, #tpu.memory_space<vmem>>, vector<2x128xf32>,
    } else {
    }
    %gt3A = arith.constant 0 : i32
    %gt3A_30 = arith.cmpi sgt, %arg0, %gt3A : i32
    %convert_element_type3A_31 = arith.extui %gt3A_30 : i1 to i32
    %cond3A_32 = arith.constant 0 : i32
    %cond3A_33 = arith.cmpi ne, %convert_element_type3A_31, %cond3A_32 : i32
    scf.if %cond3A_33 {
      %get3A_34 = arith.constant 0 : index
      %get3A_35 = arith.constant 0 : index
      %get3A_36 = vector.load %arg7[%get3A_34, %get3A_35] : memref<2x128xf32, #tpu.memory_space<vmem>>, vector<2x128xf32>
      %add3A_37 = arith.addf %get3A_36, %concatenate3A : vector<2x128xf32>
      %swap3A_38 = arith.constant 0 : index
      %swap3A_39 = arith.constant 0 : index
      %swap3A_40 = vector.load %arg7[%swap3A_38, %swap3A_39] : memref<2x128xf32, #tpu.memory_space<vmem>>, vector<2x128xf32>
      tpu.vector_store %arg7[%swap3A_38, %swap3A_39], %add3A_37 {strides = array<i32>} : memref<2x128xf32, #tpu.memory_space<vmem>>, vector<2x128xf32>,
    } else {
    }
    return
  }
  func.func @transform_0(%arg0: i32) -> (i32, i32) {
    %c0_i32 = arith.constant 0 : i32
    %c0_i32_0 = arith.constant 0 : i32
    return %arg0, %c0_i32 : i32, i32
  }
  func.func @transform_1(%arg0: i32) -> (i32, i32) {
    %c0_i32 = arith.constant 0 : i32
    %c0_i32_0 = arith.constant 0 : i32
    %c0_i32_1 = arith.constant 0 : i32
    return %c0_i32, %c0_i32_0 : i32, i32
  }
  func.func @transform_2(%arg0: i32) -> (i32, i32) {
    %c0_i32 = arith.constant 0 : i32
    %c0_i32_0 = arith.constant 0 : i32
    %c0_i32_1 = arith.constant 0 : i32
    return %c0_i32, %c0_i32_0 : i32, i32
  }
  func.func @transform_3(%arg0: i32) -> (i32, i32) {
    %c0_i32 = arith.constant 0 : i32
    %c0_i32_0 = arith.constant 0 : i32
    %c0_i32_1 = arith.constant 0 : i32
    return %c0_i32, %c0_i32_0 : i32, i32
  }
  func.func @transform_4(%arg0: i32) -> (i32, i32) {
    %c0_i32 = arith.constant 0 : i32
    %c0_i32_0 = arith.constant 0 : i32
    %c0_i32_1 = arith.constant 0 : i32
    return %c0_i32, %c0_i32_0 : i32, i32
  }
  func.func @transform_5(%arg0: i32) -> (i32, i32) {
    %c0_i32 = arith.constant 0 : i32
    %c0_i32_0 = arith.constant 0 : i32
    return %arg0, %c0_i32 : i32, i32
  }
  func.func @transform_6(%arg0: i32) -> (i32, i32) {
    %c0_i32 = arith.constant 0 : i32
    %c0_i32_0 = arith.constant 0 : i32
    %c0_i32_1 = arith.constant 0 : i32
    return %c0_i32, %c0_i32_0 : i32, i32
  }
}

module attributes {stable_mosaic.version = 14 : i64} {
  func.func @_finalize_body(%arg0: i32, %arg1: memref<2048x128xf32, #tpu.memory_space<vmem>>, %arg2: memref<1x128xf32, #tpu.memory_space<vmem>>, %arg3: memref<1x128xf32, #tpu.memory_space<vmem>>, %arg4: memref<128x2048xf32, #tpu.memory_space<vmem>>, %arg5: memref<128x128xf32, #tpu.memory_space<vmem>>) attributes {dimension_semantics = [#tpu.dimension_semantics<arbitrary>], iteration_bounds = array<i64: 64>, scalar_prefetch = 0 : i64, scratch_operands = 0 : i64, tpu.core_type = #tpu.core_type<tc>, window_params = [{transform_indices = @transform_0, window_bounds = array<i64: 2048, 128>}, {pipeline_mode = #tpu.pipeline_mode<synchronous>, transform_indices = @transform_1, window_bounds = array<i64: 1, 128>}, {pipeline_mode = #tpu.pipeline_mode<synchronous>, transform_indices = @transform_2, window_bounds = array<i64: 1, 128>}, {pipeline_mode = #tpu.pipeline_mode<synchronous>, transform_indices = @transform_3, window_bounds = array<i64: 128, 2048>}, {transform_indices = @transform_4, window_bounds = array<i64: 128, 128>}]} {
    %get3A = arith.constant 0 : index
    %get3A_0 = arith.constant 0 : index
    %get3A_1 = vector.load %arg1[%get3A, %get3A_0] : memref<2048x128xf32, #tpu.memory_space<vmem>>, vector<2048x128xf32>
    %get3A_2 = arith.constant 0 : index
    %get3A_3 = arith.constant 0 : index
    %get3A_4 = vector.load %arg2[%get3A_2, %get3A_3] : memref<1x128xf32, #tpu.memory_space<vmem>>, vector<1x128xf32>
    %mul3A = vector.broadcast %get3A_4 : vector<1x128xf32> to vector<2048x128xf32>
    %mul3A_5 = arith.mulf %get3A_1, %mul3A : vector<2048x128xf32>
    %get3A_6 = arith.constant 0 : index
    %get3A_7 = arith.constant 0 : index
    %get3A_8 = vector.load %arg3[%get3A_6, %get3A_7] : memref<1x128xf32, #tpu.memory_space<vmem>>, vector<1x128xf32>
    %add3A = vector.broadcast %get3A_8 : vector<1x128xf32> to vector<2048x128xf32>
    %add3A_9 = arith.addf %mul3A_5, %add3A : vector<2048x128xf32>
    %max3A = arith.constant 0.000000e+00 : f32
    %max3A_10 = vector.broadcast %max3A : f32 to vector<2048x128xf32>
    %max3A_11 = arith.maximumf %add3A_9, %max3A_10 : vector<2048x128xf32>
    %get3A_12 = arith.constant 0 : index
    %get3A_13 = arith.constant 0 : index
    %get3A_14 = vector.load %arg4[%get3A_12, %get3A_13] : memref<128x2048xf32, #tpu.memory_space<vmem>>, vector<128x2048xf32>
    %dot_general3A = arith.constant dense<0.000000e+00> : vector<128x128xf32>
    %dot_general3A_15 = tpu.matmul %get3A_14, %max3A_11, %dot_general3A {dimension_numbers = #tpu.dot_dimension_numbers<[1], [0], [0], [1], [0, 0, 1, 1], [], []>, precision = #tpu.contract_precision<fp32>, transpose_lhs_hint = false} : vector<128x2048xf32>, vector<2048x128xf32>, vector<128x128xf32> -> vector<128x128xf32>
    %swap3A = arith.constant 0 : index
    %swap3A_16 = arith.constant 0 : index
    %swap3A_17 = vector.load %arg5[%swap3A, %swap3A_16] : memref<128x128xf32, #tpu.memory_space<vmem>>, vector<128x128xf32>
    tpu.vector_store %arg5[%swap3A, %swap3A_16], %dot_general3A_15 {strides = array<i32>} : memref<128x128xf32, #tpu.memory_space<vmem>>, vector<128x128xf32>,
    return
  }
  func.func @transform_0(%arg0: i32) -> (i32, i32) {
    %c0_i32 = arith.constant 0 : i32
    %c0_i32_0 = arith.constant 0 : i32
    return %arg0, %c0_i32 : i32, i32
  }
  func.func @transform_1(%arg0: i32) -> (i32, i32) {
    %c0_i32 = arith.constant 0 : i32
    %c0_i32_0 = arith.constant 0 : i32
    %c0_i32_1 = arith.constant 0 : i32
    return %c0_i32, %c0_i32_0 : i32, i32
  }
  func.func @transform_2(%arg0: i32) -> (i32, i32) {
    %c0_i32 = arith.constant 0 : i32
    %c0_i32_0 = arith.constant 0 : i32
    %c0_i32_1 = arith.constant 0 : i32
    return %c0_i32, %c0_i32_0 : i32, i32
  }
  func.func @transform_3(%arg0: i32) -> (i32, i32) {
    %c0_i32 = arith.constant 0 : i32
    %c0_i32_0 = arith.constant 0 : i32
    %c0_i32_1 = arith.constant 0 : i32
    return %c0_i32, %c0_i32_0 : i32, i32
  }
  func.func @transform_4(%arg0: i32) -> (i32, i32) {
    %c0_i32 = arith.constant 0 : i32
    %c0_i32_0 = arith.constant 0 : i32
    return %arg0, %c0_i32 : i32, i32
  }
}

module attributes {stable_mosaic.version = 14 : i64} {
  func.func @_linear2_body(%arg0: i32, %arg1: memref<1024x131xf32, #tpu.memory_space<vmem>>, %arg2: memref<131x256xf32, #tpu.memory_space<vmem>>, %arg3: memref<131x256xf32, #tpu.memory_space<vmem>>, %arg4: memref<1x256xf32, #tpu.memory_space<vmem>>, %arg5: memref<1024x256xf32, #tpu.memory_space<vmem>>, %arg6: memref<1024x256xf32, #tpu.memory_space<vmem>>) attributes {dimension_semantics = [#tpu.dimension_semantics<arbitrary>], iteration_bounds = array<i64: 8>, scalar_prefetch = 0 : i64, scratch_operands = 0 : i64, tpu.core_type = #tpu.core_type<tc>, window_params = [{transform_indices = @transform_0, window_bounds = array<i64: 1024, 131>}, {pipeline_mode = #tpu.pipeline_mode<synchronous>, transform_indices = @transform_1, window_bounds = array<i64: 131, 256>}, {pipeline_mode = #tpu.pipeline_mode<synchronous>, transform_indices = @transform_2, window_bounds = array<i64: 131, 256>}, {pipeline_mode = #tpu.pipeline_mode<synchronous>, transform_indices = @transform_3, window_bounds = array<i64: 1, 256>}, {transform_indices = @transform_4, window_bounds = array<i64: 1024, 256>}, {transform_indices = @transform_5, window_bounds = array<i64: 1024, 256>}]} {
    %get3A = arith.constant 0 : index
    %get3A_0 = arith.constant 0 : index
    %get3A_1 = vector.load %arg1[%get3A, %get3A_0] : memref<1024x131xf32, #tpu.memory_space<vmem>>, vector<1024x131xf32>
    %get3A_2 = arith.constant 0 : index
    %get3A_3 = arith.constant 0 : index
    %get3A_4 = vector.load %arg2[%get3A_2, %get3A_3] : memref<131x256xf32, #tpu.memory_space<vmem>>, vector<131x256xf32>
    %dot_general3A = arith.constant dense<0.000000e+00> : vector<1024x256xf32>
    %dot_general3A_5 = tpu.matmul %get3A_1, %get3A_4, %dot_general3A {dimension_numbers = #tpu.dot_dimension_numbers<[1], [0], [0], [1], [0, 0, 1, 1], [], []>, transpose_lhs_hint = false} : vector<1024x131xf32>, vector<131x256xf32>, vector<1024x256xf32> -> vector<1024x256xf32>
    %get3A_6 = arith.constant 0 : index
    %get3A_7 = arith.constant 0 : index
    %get3A_8 = vector.load %arg4[%get3A_6, %get3A_7] : memref<1x256xf32, #tpu.memory_space<vmem>>, vector<1x256xf32>
    %add3A = vector.broadcast %get3A_8 : vector<1x256xf32> to vector<1024x256xf32>
    %add3A_9 = arith.addf %dot_general3A_5, %add3A : vector<1024x256xf32>
    %swap3A = arith.constant 0 : index
    %swap3A_10 = arith.constant 0 : index
    %swap3A_11 = vector.load %arg5[%swap3A, %swap3A_10] : memref<1024x256xf32, #tpu.memory_space<vmem>>, vector<1024x256xf32>
    tpu.vector_store %arg5[%swap3A, %swap3A_10], %add3A_9 {strides = array<i32>} : memref<1024x256xf32, #tpu.memory_space<vmem>>, vector<1024x256xf32>,
    %get3A_12 = arith.constant 0 : index
    %get3A_13 = arith.constant 0 : index
    %get3A_14 = vector.load %arg3[%get3A_12, %get3A_13] : memref<131x256xf32, #tpu.memory_space<vmem>>, vector<131x256xf32>
    %dot_general3A_15 = arith.constant dense<0.000000e+00> : vector<1024x256xf32>
    %dot_general3A_16 = tpu.matmul %get3A_1, %get3A_14, %dot_general3A_15 {dimension_numbers = #tpu.dot_dimension_numbers<[1], [0], [0], [1], [0, 0, 1, 1], [], []>, transpose_lhs_hint = false} : vector<1024x131xf32>, vector<131x256xf32>, vector<1024x256xf32> -> vector<1024x256xf32>
    %swap3A_17 = arith.constant 0 : index
    %swap3A_18 = arith.constant 0 : index
    %swap3A_19 = vector.load %arg6[%swap3A_17, %swap3A_18] : memref<1024x256xf32, #tpu.memory_space<vmem>>, vector<1024x256xf32>
    tpu.vector_store %arg6[%swap3A_17, %swap3A_18], %dot_general3A_16 {strides = array<i32>} : memref<1024x256xf32, #tpu.memory_space<vmem>>, vector<1024x256xf32>,
    return
  }
  func.func @transform_0(%arg0: i32) -> (i32, i32) {
    %c0_i32 = arith.constant 0 : i32
    %c0_i32_0 = arith.constant 0 : i32
    return %arg0, %c0_i32 : i32, i32
  }
  func.func @transform_1(%arg0: i32) -> (i32, i32) {
    %c0_i32 = arith.constant 0 : i32
    %c0_i32_0 = arith.constant 0 : i32
    %c0_i32_1 = arith.constant 0 : i32
    return %c0_i32, %c0_i32_0 : i32, i32
  }
  func.func @transform_2(%arg0: i32) -> (i32, i32) {
    %c0_i32 = arith.constant 0 : i32
    %c0_i32_0 = arith.constant 0 : i32
    %c0_i32_1 = arith.constant 0 : i32
    return %c0_i32, %c0_i32_0 : i32, i32
  }
  func.func @transform_3(%arg0: i32) -> (i32, i32) {
    %c0_i32 = arith.constant 0 : i32
    %c0_i32_0 = arith.constant 0 : i32
    %c0_i32_1 = arith.constant 0 : i32
    return %c0_i32, %c0_i32_0 : i32, i32
  }
  func.func @transform_4(%arg0: i32) -> (i32, i32) {
    %c0_i32 = arith.constant 0 : i32
    %c0_i32_0 = arith.constant 0 : i32
    return %arg0, %c0_i32 : i32, i32
  }
  func.func @transform_5(%arg0: i32) -> (i32, i32) {
    %c0_i32 = arith.constant 0 : i32
    %c0_i32_0 = arith.constant 0 : i32
    return %arg0, %c0_i32 : i32, i32
  }
}

module attributes {stable_mosaic.version = 14 : i64} {
  func.func @_h1_pair_body(%arg0: i32, %arg1: memref<2048x256xf32, #tpu.memory_space<vmem>>, %arg2: memref<2048x256xf32, #tpu.memory_space<vmem>>, %arg3: memref<2048x256xf32, #tpu.memory_space<vmem>>, %arg4: memref<2x256xf32, #tpu.memory_space<vmem>>) attributes {dimension_semantics = [#tpu.dimension_semantics<arbitrary>], iteration_bounds = array<i64: 64>, scalar_prefetch = 0 : i64, scratch_operands = 0 : i64, tpu.core_type = #tpu.core_type<tc>, window_params = [{transform_indices = @transform_0, window_bounds = array<i64: 2048, 256>}, {transform_indices = @transform_1, window_bounds = array<i64: 2048, 256>}, {transform_indices = @transform_2, window_bounds = array<i64: 2048, 256>}, {pipeline_mode = #tpu.pipeline_mode<synchronous>, transform_indices = @transform_3, window_bounds = array<i64: 2, 256>}]} {
    %get3A = arith.constant 0 : index
    %get3A_0 = arith.constant 0 : index
    %get3A_1 = vector.load %arg1[%get3A, %get3A_0] : memref<2048x256xf32, #tpu.memory_space<vmem>>, vector<2048x256xf32>
    %get3A_2 = arith.constant 0 : index
    %get3A_3 = arith.constant 0 : index
    %get3A_4 = vector.load %arg2[%get3A_2, %get3A_3] : memref<2048x256xf32, #tpu.memory_space<vmem>>, vector<2048x256xf32>
    %add3A = arith.addf %get3A_1, %get3A_4 : vector<2048x256xf32>
    %swap3A = arith.constant 0 : index
    %swap3A_5 = arith.constant 0 : index
    %swap3A_6 = vector.load %arg3[%swap3A, %swap3A_5] : memref<2048x256xf32, #tpu.memory_space<vmem>>, vector<2048x256xf32>
    tpu.vector_store %arg3[%swap3A, %swap3A_5], %add3A {strides = array<i32>} : memref<2048x256xf32, #tpu.memory_space<vmem>>, vector<2048x256xf32>,
    %reduce_sum3A = arith.constant dense<0.000000e+00> : vector<256xf32>
    %reduce_sum3A_7 = vector.multi_reduction <add>, %add3A, %reduce_sum3A [0] : vector<2048x256xf32> to vector<256xf32>
    %broadcast_in_dim3A = vector.shape_cast %reduce_sum3A_7 : vector<256xf32> to vector<1x256xf32>
    %mul3A = arith.mulf %add3A, %add3A : vector<2048x256xf32>
    %reduce_sum3A_8 = arith.constant dense<0.000000e+00> : vector<256xf32>
    %reduce_sum3A_9 = vector.multi_reduction <add>, %mul3A, %reduce_sum3A_8 [0] : vector<2048x256xf32> to vector<256xf32>
    %broadcast_in_dim3A_10 = vector.shape_cast %reduce_sum3A_9 : vector<256xf32> to vector<1x256xf32>
    %concatenate3A = tpu.concatenate %broadcast_in_dim3A, %broadcast_in_dim3A_10 in 0 : vector<1x256xf32>, vector<1x256xf32> -> vector<2x256xf32>
    %eq3A = arith.constant 0 : i32
    %eq3A_11 = arith.cmpi eq, %arg0, %eq3A : i32
    %convert_element_type3A = arith.extui %eq3A_11 : i1 to i32
    %cond3A = arith.constant 0 : i32
    %cond3A_12 = arith.cmpi ne, %convert_element_type3A, %cond3A : i32
    scf.if %cond3A_12 {
      %swap3A_17 = arith.constant 0 : index
      %swap3A_18 = arith.constant 0 : index
      %swap3A_19 = vector.load %arg4[%swap3A_17, %swap3A_18] : memref<2x256xf32, #tpu.memory_space<vmem>>, vector<2x256xf32>
      tpu.vector_store %arg4[%swap3A_17, %swap3A_18], %concatenate3A {strides = array<i32>} : memref<2x256xf32, #tpu.memory_space<vmem>>, vector<2x256xf32>,
    } else {
    }
    %gt3A = arith.constant 0 : i32
    %gt3A_13 = arith.cmpi sgt, %arg0, %gt3A : i32
    %convert_element_type3A_14 = arith.extui %gt3A_13 : i1 to i32
    %cond3A_15 = arith.constant 0 : i32
    %cond3A_16 = arith.cmpi ne, %convert_element_type3A_14, %cond3A_15 : i32
    scf.if %cond3A_16 {
      %get3A_17 = arith.constant 0 : index
      %get3A_18 = arith.constant 0 : index
      %get3A_19 = vector.load %arg4[%get3A_17, %get3A_18] : memref<2x256xf32, #tpu.memory_space<vmem>>, vector<2x256xf32>
      %add3A_20 = arith.addf %get3A_19, %concatenate3A : vector<2x256xf32>
      %swap3A_21 = arith.constant 0 : index
      %swap3A_22 = arith.constant 0 : index
      %swap3A_23 = vector.load %arg4[%swap3A_21, %swap3A_22] : memref<2x256xf32, #tpu.memory_space<vmem>>, vector<2x256xf32>
      tpu.vector_store %arg4[%swap3A_21, %swap3A_22], %add3A_20 {strides = array<i32>} : memref<2x256xf32, #tpu.memory_space<vmem>>, vector<2x256xf32>,
    } else {
    }
    return
  }
  func.func @transform_0(%arg0: i32) -> (i32, i32) {
    %c0_i32 = arith.constant 0 : i32
    %c0_i32_0 = arith.constant 0 : i32
    return %arg0, %c0_i32 : i32, i32
  }
  func.func @transform_1(%arg0: i32) -> (i32, i32) {
    %c0_i32 = arith.constant 0 : i32
    %c0_i32_0 = arith.constant 0 : i32
    return %arg0, %c0_i32 : i32, i32
  }
  func.func @transform_2(%arg0: i32) -> (i32, i32) {
    %c0_i32 = arith.constant 0 : i32
    %c0_i32_0 = arith.constant 0 : i32
    return %arg0, %c0_i32 : i32, i32
  }
  func.func @transform_3(%arg0: i32) -> (i32, i32) {
    %c0_i32 = arith.constant 0 : i32
    %c0_i32_0 = arith.constant 0 : i32
    %c0_i32_1 = arith.constant 0 : i32
    return %c0_i32, %c0_i32_0 : i32, i32
  }
}

module attributes {stable_mosaic.version = 14 : i64} {
  func.func @_flin_body(%arg0: i32, %arg1: memref<2048x256xf32, #tpu.memory_space<vmem>>, %arg2: memref<1x256xf32, #tpu.memory_space<vmem>>, %arg3: memref<1x256xf32, #tpu.memory_space<vmem>>, %arg4: memref<256x256xf32, #tpu.memory_space<vmem>>, %arg5: memref<1x256xf32, #tpu.memory_space<vmem>>, %arg6: memref<2048x256xf32, #tpu.memory_space<vmem>>, %arg7: memref<2x256xf32, #tpu.memory_space<vmem>>) attributes {dimension_semantics = [#tpu.dimension_semantics<arbitrary>], iteration_bounds = array<i64: 64>, scalar_prefetch = 0 : i64, scratch_operands = 0 : i64, tpu.core_type = #tpu.core_type<tc>, window_params = [{transform_indices = @transform_0, window_bounds = array<i64: 2048, 256>}, {pipeline_mode = #tpu.pipeline_mode<synchronous>, transform_indices = @transform_1, window_bounds = array<i64: 1, 256>}, {pipeline_mode = #tpu.pipeline_mode<synchronous>, transform_indices = @transform_2, window_bounds = array<i64: 1, 256>}, {pipeline_mode = #tpu.pipeline_mode<synchronous>, transform_indices = @transform_3, window_bounds = array<i64: 256, 256>}, {pipeline_mode = #tpu.pipeline_mode<synchronous>, transform_indices = @transform_4, window_bounds = array<i64: 1, 256>}, {transform_indices = @transform_5, window_bounds = array<i64: 2048, 256>}, {pipeline_mode = #tpu.pipeline_mode<synchronous>, transform_indices = @transform_6, window_bounds = array<i64: 2, 256>}]} {
    %get3A = arith.constant 0 : index
    %get3A_0 = arith.constant 0 : index
    %get3A_1 = vector.load %arg1[%get3A, %get3A_0] : memref<2048x256xf32, #tpu.memory_space<vmem>>, vector<2048x256xf32>
    %get3A_2 = arith.constant 0 : index
    %get3A_3 = arith.constant 0 : index
    %get3A_4 = vector.load %arg2[%get3A_2, %get3A_3] : memref<1x256xf32, #tpu.memory_space<vmem>>, vector<1x256xf32>
    %mul3A = vector.broadcast %get3A_4 : vector<1x256xf32> to vector<2048x256xf32>
    %mul3A_5 = arith.mulf %get3A_1, %mul3A : vector<2048x256xf32>
    %get3A_6 = arith.constant 0 : index
    %get3A_7 = arith.constant 0 : index
    %get3A_8 = vector.load %arg3[%get3A_6, %get3A_7] : memref<1x256xf32, #tpu.memory_space<vmem>>, vector<1x256xf32>
    %add3A = vector.broadcast %get3A_8 : vector<1x256xf32> to vector<2048x256xf32>
    %add3A_9 = arith.addf %mul3A_5, %add3A : vector<2048x256xf32>
    %max3A = arith.constant 0.000000e+00 : f32
    %max3A_10 = vector.broadcast %max3A : f32 to vector<2048x256xf32>
    %max3A_11 = arith.maximumf %add3A_9, %max3A_10 : vector<2048x256xf32>
    %get3A_12 = arith.constant 0 : index
    %get3A_13 = arith.constant 0 : index
    %get3A_14 = vector.load %arg4[%get3A_12, %get3A_13] : memref<256x256xf32, #tpu.memory_space<vmem>>, vector<256x256xf32>
    %dot_general3A = arith.constant dense<0.000000e+00> : vector<2048x256xf32>
    %dot_general3A_15 = tpu.matmul %max3A_11, %get3A_14, %dot_general3A {dimension_numbers = #tpu.dot_dimension_numbers<[1], [0], [0], [1], [0, 0, 1, 1], [], []>, transpose_lhs_hint = false} : vector<2048x256xf32>, vector<256x256xf32>, vector<2048x256xf32> -> vector<2048x256xf32>
    %get3A_16 = arith.constant 0 : index
    %get3A_17 = arith.constant 0 : index
    %get3A_18 = vector.load %arg5[%get3A_16, %get3A_17] : memref<1x256xf32, #tpu.memory_space<vmem>>, vector<1x256xf32>
    %add3A_19 = vector.broadcast %get3A_18 : vector<1x256xf32> to vector<2048x256xf32>
    %add3A_20 = arith.addf %dot_general3A_15, %add3A_19 : vector<2048x256xf32>
    %swap3A = arith.constant 0 : index
    %swap3A_21 = arith.constant 0 : index
    %swap3A_22 = vector.load %arg6[%swap3A, %swap3A_21] : memref<2048x256xf32, #tpu.memory_space<vmem>>, vector<2048x256xf32>
    tpu.vector_store %arg6[%swap3A, %swap3A_21], %add3A_20 {strides = array<i32>} : memref<2048x256xf32, #tpu.memory_space<vmem>>, vector<2048x256xf32>,
    %reduce_sum3A = arith.constant dense<0.000000e+00> : vector<256xf32>
    %reduce_sum3A_23 = vector.multi_reduction <add>, %add3A_20, %reduce_sum3A [0] : vector<2048x256xf32> to vector<256xf32>
    %broadcast_in_dim3A = vector.shape_cast %reduce_sum3A_23 : vector<256xf32> to vector<1x256xf32>
    %mul3A_24 = arith.mulf %add3A_20, %add3A_20 : vector<2048x256xf32>
    %reduce_sum3A_25 = arith.constant dense<0.000000e+00> : vector<256xf32>
    %reduce_sum3A_26 = vector.multi_reduction <add>, %mul3A_24, %reduce_sum3A_25 [0] : vector<2048x256xf32> to vector<256xf32>
    %broadcast_in_dim3A_27 = vector.shape_cast %reduce_sum3A_26 : vector<256xf32> to vector<1x256xf32>
    %concatenate3A = tpu.concatenate %broadcast_in_dim3A, %broadcast_in_dim3A_27 in 0 : vector<1x256xf32>, vector<1x256xf32> -> vector<2x256xf32>
    %eq3A = arith.constant 0 : i32
    %eq3A_28 = arith.cmpi eq, %arg0, %eq3A : i32
    %convert_element_type3A = arith.extui %eq3A_28 : i1 to i32
    %cond3A = arith.constant 0 : i32
    %cond3A_29 = arith.cmpi ne, %convert_element_type3A, %cond3A : i32
    scf.if %cond3A_29 {
      %swap3A_34 = arith.constant 0 : index
      %swap3A_35 = arith.constant 0 : index
      %swap3A_36 = vector.load %arg7[%swap3A_34, %swap3A_35] : memref<2x256xf32, #tpu.memory_space<vmem>>, vector<2x256xf32>
      tpu.vector_store %arg7[%swap3A_34, %swap3A_35], %concatenate3A {strides = array<i32>} : memref<2x256xf32, #tpu.memory_space<vmem>>, vector<2x256xf32>,
    } else {
    }
    %gt3A = arith.constant 0 : i32
    %gt3A_30 = arith.cmpi sgt, %arg0, %gt3A : i32
    %convert_element_type3A_31 = arith.extui %gt3A_30 : i1 to i32
    %cond3A_32 = arith.constant 0 : i32
    %cond3A_33 = arith.cmpi ne, %convert_element_type3A_31, %cond3A_32 : i32
    scf.if %cond3A_33 {
      %get3A_34 = arith.constant 0 : index
      %get3A_35 = arith.constant 0 : index
      %get3A_36 = vector.load %arg7[%get3A_34, %get3A_35] : memref<2x256xf32, #tpu.memory_space<vmem>>, vector<2x256xf32>
      %add3A_37 = arith.addf %get3A_36, %concatenate3A : vector<2x256xf32>
      %swap3A_38 = arith.constant 0 : index
      %swap3A_39 = arith.constant 0 : index
      %swap3A_40 = vector.load %arg7[%swap3A_38, %swap3A_39] : memref<2x256xf32, #tpu.memory_space<vmem>>, vector<2x256xf32>
      tpu.vector_store %arg7[%swap3A_38, %swap3A_39], %add3A_37 {strides = array<i32>} : memref<2x256xf32, #tpu.memory_space<vmem>>, vector<2x256xf32>,
    } else {
    }
    return
  }
  func.func @transform_0(%arg0: i32) -> (i32, i32) {
    %c0_i32 = arith.constant 0 : i32
    %c0_i32_0 = arith.constant 0 : i32
    return %arg0, %c0_i32 : i32, i32
  }
  func.func @transform_1(%arg0: i32) -> (i32, i32) {
    %c0_i32 = arith.constant 0 : i32
    %c0_i32_0 = arith.constant 0 : i32
    %c0_i32_1 = arith.constant 0 : i32
    return %c0_i32, %c0_i32_0 : i32, i32
  }
  func.func @transform_2(%arg0: i32) -> (i32, i32) {
    %c0_i32 = arith.constant 0 : i32
    %c0_i32_0 = arith.constant 0 : i32
    %c0_i32_1 = arith.constant 0 : i32
    return %c0_i32, %c0_i32_0 : i32, i32
  }
  func.func @transform_3(%arg0: i32) -> (i32, i32) {
    %c0_i32 = arith.constant 0 : i32
    %c0_i32_0 = arith.constant 0 : i32
    %c0_i32_1 = arith.constant 0 : i32
    return %c0_i32, %c0_i32_0 : i32, i32
  }
  func.func @transform_4(%arg0: i32) -> (i32, i32) {
    %c0_i32 = arith.constant 0 : i32
    %c0_i32_0 = arith.constant 0 : i32
    %c0_i32_1 = arith.constant 0 : i32
    return %c0_i32, %c0_i32_0 : i32, i32
  }
  func.func @transform_5(%arg0: i32) -> (i32, i32) {
    %c0_i32 = arith.constant 0 : i32
    %c0_i32_0 = arith.constant 0 : i32
    return %arg0, %c0_i32 : i32, i32
  }
  func.func @transform_6(%arg0: i32) -> (i32, i32) {
    %c0_i32 = arith.constant 0 : i32
    %c0_i32_0 = arith.constant 0 : i32
    %c0_i32_1 = arith.constant 0 : i32
    return %c0_i32, %c0_i32_0 : i32, i32
  }
}

module attributes {stable_mosaic.version = 14 : i64} {
  func.func @_final_body(%arg0: i32, %arg1: memref<2048x256xf32, #tpu.memory_space<vmem>>, %arg2: memref<1x256xf32, #tpu.memory_space<vmem>>, %arg3: memref<1x256xf32, #tpu.memory_space<vmem>>, %arg4: memref<256x1xf32, #tpu.memory_space<vmem>>, %arg5: memref<1x1xf32, #tpu.memory_space<vmem>>, %arg6: memref<2048x16xf32, #tpu.memory_space<vmem>>, %arg7: memref<2048x16xf32, #tpu.memory_space<vmem>>, %arg8: memref<1x64xf32, #tpu.memory_space<vmem>>) attributes {dimension_semantics = [#tpu.dimension_semantics<arbitrary>], iteration_bounds = array<i64: 64>, scalar_prefetch = 0 : i64, scratch_operands = 0 : i64, tpu.core_type = #tpu.core_type<tc>, window_params = [{transform_indices = @transform_0, window_bounds = array<i64: 2048, 256>}, {pipeline_mode = #tpu.pipeline_mode<synchronous>, transform_indices = @transform_1, window_bounds = array<i64: 1, 256>}, {pipeline_mode = #tpu.pipeline_mode<synchronous>, transform_indices = @transform_2, window_bounds = array<i64: 1, 256>}, {pipeline_mode = #tpu.pipeline_mode<synchronous>, transform_indices = @transform_3, window_bounds = array<i64: 256, 1>}, {pipeline_mode = #tpu.pipeline_mode<synchronous>, transform_indices = @transform_4, window_bounds = array<i64: 1, 1>}, {transform_indices = @transform_5, window_bounds = array<i64: 2048, 16>}, {transform_indices = @transform_6, window_bounds = array<i64: 2048, 16>}, {pipeline_mode = #tpu.pipeline_mode<synchronous>, transform_indices = @transform_7, window_bounds = array<i64: 1, 64>}]} {
    %get3A = arith.constant 0 : index
    %get3A_0 = arith.constant 0 : index
    %get3A_1 = vector.load %arg1[%get3A, %get3A_0] : memref<2048x256xf32, #tpu.memory_space<vmem>>, vector<2048x256xf32>
    %get3A_2 = arith.constant 0 : index
    %get3A_3 = arith.constant 0 : index
    %get3A_4 = vector.load %arg2[%get3A_2, %get3A_3] : memref<1x256xf32, #tpu.memory_space<vmem>>, vector<1x256xf32>
    %mul3A = vector.broadcast %get3A_4 : vector<1x256xf32> to vector<2048x256xf32>
    %mul3A_5 = arith.mulf %get3A_1, %mul3A : vector<2048x256xf32>
    %get3A_6 = arith.constant 0 : index
    %get3A_7 = arith.constant 0 : index
    %get3A_8 = vector.load %arg3[%get3A_6, %get3A_7] : memref<1x256xf32, #tpu.memory_space<vmem>>, vector<1x256xf32>
    %add3A = vector.broadcast %get3A_8 : vector<1x256xf32> to vector<2048x256xf32>
    %add3A_9 = arith.addf %mul3A_5, %add3A : vector<2048x256xf32>
    %max3A = arith.constant 0.000000e+00 : f32
    %max3A_10 = vector.broadcast %max3A : f32 to vector<2048x256xf32>
    %max3A_11 = arith.maximumf %add3A_9, %max3A_10 : vector<2048x256xf32>
    %get3A_12 = arith.constant 0 : index
    %get3A_13 = arith.constant 0 : index
    %get3A_14 = vector.load %arg4[%get3A_12, %get3A_13] : memref<256x1xf32, #tpu.memory_space<vmem>>, vector<256x1xf32>
    %dot_general3A = arith.constant dense<0.000000e+00> : vector<2048x1xf32>
    %dot_general3A_15 = tpu.matmul %max3A_11, %get3A_14, %dot_general3A {dimension_numbers = #tpu.dot_dimension_numbers<[1], [0], [0], [1], [0, 0, 1, 1], [], []>, transpose_lhs_hint = false} : vector<2048x256xf32>, vector<256x1xf32>, vector<2048x1xf32> -> vector<2048x1xf32>
    %get3A_16 = arith.constant 0 : index
    %get3A_17 = arith.constant 0 : index
    %get3A_18 = vector.load %arg5[%get3A_16, %get3A_17] : memref<1x1xf32, #tpu.memory_space<vmem>>, vector<1x1xf32>
    %add3A_19 = vector.broadcast %get3A_18 : vector<1x1xf32> to vector<2048x1xf32>
    %add3A_20 = arith.addf %dot_general3A_15, %add3A_19 : vector<2048x1xf32>
    %get3A_21 = arith.constant 0 : index
    %get3A_22 = arith.constant 0 : index
    %get3A_23 = vector.load %arg6[%get3A_21, %get3A_22] : memref<2048x16xf32, #tpu.memory_space<vmem>>, vector<2048x16xf32>
    %get3A_24 = arith.constant 0 : index
    %get3A_25 = arith.constant 0 : index
    %get3A_26 = vector.load %arg7[%get3A_24, %get3A_25] : memref<2048x16xf32, #tpu.memory_space<vmem>>, vector<2048x16xf32>
    %slice3A = vector.extract_strided_slice %get3A_23 {offsets = [0, 1], sizes = [2048, 1], strides = [1, 1]} : vector<2048x16xf32> to vector<2048x1xf32>
    %slice3A_27 = vector.extract_strided_slice %get3A_26 {offsets = [0, 1], sizes = [2048, 1], strides = [1, 1]} : vector<2048x16xf32> to vector<2048x1xf32>
    %sub3A = arith.subf %slice3A, %slice3A_27 : vector<2048x1xf32>
    %slice3A_28 = vector.extract_strided_slice %get3A_23 {offsets = [0, 2], sizes = [2048, 1], strides = [1, 1]} : vector<2048x16xf32> to vector<2048x1xf32>
    %slice3A_29 = vector.extract_strided_slice %get3A_26 {offsets = [0, 2], sizes = [2048, 1], strides = [1, 1]} : vector<2048x16xf32> to vector<2048x1xf32>
    %sub3A_30 = arith.subf %slice3A_28, %slice3A_29 : vector<2048x1xf32>
    %add3A_31 = arith.constant 3.14159274 : f32
    %add3A_32 = vector.broadcast %add3A_31 : f32 to vector<2048x1xf32>
    %add3A_33 = arith.addf %sub3A_30, %add3A_32 : vector<2048x1xf32>
    %rem3A = arith.constant 6.28318548 : f32
    %rem3A_34 = vector.broadcast %rem3A : f32 to vector<2048x1xf32>
    %rem3A_35 = arith.remf %add3A_33, %rem3A_34 : vector<2048x1xf32>
    %sub3A_36 = arith.constant 3.14159274 : f32
    %sub3A_37 = vector.broadcast %sub3A_36 : f32 to vector<2048x1xf32>
    %sub3A_38 = arith.subf %rem3A_35, %sub3A_37 : vector<2048x1xf32>
    %mul3A_39 = arith.mulf %sub3A, %sub3A : vector<2048x1xf32>
    %mul3A_40 = arith.mulf %sub3A_38, %sub3A_38 : vector<2048x1xf32>
    %add3A_41 = arith.addf %mul3A_39, %mul3A_40 : vector<2048x1xf32>
    %sqrt3A = math.sqrt %add3A_41 : vector<2048x1xf32>
    %mul3A_42 = arith.mulf %sqrt3A, %add3A_20 : vector<2048x1xf32>
    %slice3A_43 = vector.extract_strided_slice %get3A_23 {offsets = [0, 3], sizes = [2048, 1], strides = [1, 1]} : vector<2048x16xf32> to vector<2048x1xf32>
    %bitcast_convert_type3A = tpu.bitcast %slice3A_43 : vector<2048x1xf32> -> vector<2048x1xi32>
    %iota3A = tpu.iota {dimensions = array<i32: 1>} : vector<1x64xi32>
    %eq3A = vector.broadcast %bitcast_convert_type3A : vector<2048x1xi32> to vector<2048x64xi32>
    %eq3A_44 = vector.broadcast %iota3A : vector<1x64xi32> to vector<2048x64xi32>
    %eq3A_45 = arith.cmpi eq, %eq3A, %eq3A_44 : vector<2048x64xi32>
    %jit3A = arith.constant 0.000000e+00 : f32
    %broadcast_in_dim3A = vector.shape_cast %mul3A_42 : vector<2048x1xf32> to vector<2048x1xf32>
    %broadcast_in_dim3A_46 = vector.broadcast %broadcast_in_dim3A : vector<2048x1xf32> to vector<2048x64xf32>
    %broadcast_in_dim3A_47 = vector.broadcast %jit3A : f32 to vector<2048x64xf32>
    %select_n3A = arith.select %eq3A_45, %broadcast_in_dim3A_46, %broadcast_in_dim3A_47 : vector<2048x64xi1>, vector<2048x64xf32>
    %reduce_sum3A = arith.constant dense<0.000000e+00> : vector<64xf32>
    %reduce_sum3A_48 = vector.multi_reduction <add>, %select_n3A, %reduce_sum3A [0] : vector<2048x64xf32> to vector<64xf32>
    %broadcast_in_dim3A_49 = vector.shape_cast %reduce_sum3A_48 : vector<64xf32> to vector<1x64xf32>
    %eq3A_50 = arith.constant 0 : i32
    %eq3A_51 = arith.cmpi eq, %arg0, %eq3A_50 : i32
    %convert_element_type3A = arith.extui %eq3A_51 : i1 to i32
    %cond3A = arith.constant 0 : i32
    %cond3A_52 = arith.cmpi ne, %convert_element_type3A, %cond3A : i32
    scf.if %cond3A_52 {
      %swap3A = arith.constant 0 : index
      %swap3A_57 = arith.constant 0 : index
      %swap3A_58 = vector.load %arg8[%swap3A, %swap3A_57] : memref<1x64xf32, #tpu.memory_space<vmem>>, vector<1x64xf32>
      tpu.vector_store %arg8[%swap3A, %swap3A_57], %broadcast_in_dim3A_49 {strides = array<i32>} : memref<1x64xf32, #tpu.memory_space<vmem>>, vector<1x64xf32>,
    } else {
    }
    %gt3A = arith.constant 0 : i32
    %gt3A_53 = arith.cmpi sgt, %arg0, %gt3A : i32
    %convert_element_type3A_54 = arith.extui %gt3A_53 : i1 to i32
    %cond3A_55 = arith.constant 0 : i32
    %cond3A_56 = arith.cmpi ne, %convert_element_type3A_54, %cond3A_55 : i32
    scf.if %cond3A_56 {
      %get3A_57 = arith.constant 0 : index
      %get3A_58 = arith.constant 0 : index
      %get3A_59 = vector.load %arg8[%get3A_57, %get3A_58] : memref<1x64xf32, #tpu.memory_space<vmem>>, vector<1x64xf32>
      %add3A_60 = arith.addf %get3A_59, %broadcast_in_dim3A_49 : vector<1x64xf32>
      %swap3A = arith.constant 0 : index
      %swap3A_61 = arith.constant 0 : index
      %swap3A_62 = vector.load %arg8[%swap3A, %swap3A_61] : memref<1x64xf32, #tpu.memory_space<vmem>>, vector<1x64xf32>
      tpu.vector_store %arg8[%swap3A, %swap3A_61], %add3A_60 {strides = array<i32>} : memref<1x64xf32, #tpu.memory_space<vmem>>, vector<1x64xf32>,
    } else {
    }
    return
  }
  func.func @transform_0(%arg0: i32) -> (i32, i32) {
    %c0_i32 = arith.constant 0 : i32
    %c0_i32_0 = arith.constant 0 : i32
    return %arg0, %c0_i32 : i32, i32
  }
  func.func @transform_1(%arg0: i32) -> (i32, i32) {
    %c0_i32 = arith.constant 0 : i32
    %c0_i32_0 = arith.constant 0 : i32
    %c0_i32_1 = arith.constant 0 : i32
    return %c0_i32, %c0_i32_0 : i32, i32
  }
  func.func @transform_2(%arg0: i32) -> (i32, i32) {
    %c0_i32 = arith.constant 0 : i32
    %c0_i32_0 = arith.constant 0 : i32
    %c0_i32_1 = arith.constant 0 : i32
    return %c0_i32, %c0_i32_0 : i32, i32
  }
  func.func @transform_3(%arg0: i32) -> (i32, i32) {
    %c0_i32 = arith.constant 0 : i32
    %c0_i32_0 = arith.constant 0 : i32
    %c0_i32_1 = arith.constant 0 : i32
    return %c0_i32, %c0_i32_0 : i32, i32
  }
  func.func @transform_4(%arg0: i32) -> (i32, i32) {
    %c0_i32 = arith.constant 0 : i32
    %c0_i32_0 = arith.constant 0 : i32
    %c0_i32_1 = arith.constant 0 : i32
    return %c0_i32, %c0_i32_0 : i32, i32
  }
  func.func @transform_5(%arg0: i32) -> (i32, i32) {
    %c0_i32 = arith.constant 0 : i32
    %c0_i32_0 = arith.constant 0 : i32
    return %arg0, %c0_i32 : i32, i32
  }
  func.func @transform_6(%arg0: i32) -> (i32, i32) {
    %c0_i32 = arith.constant 0 : i32
    %c0_i32_0 = arith.constant 0 : i32
    return %arg0, %c0_i32 : i32, i32
  }
  func.func @transform_7(%arg0: i32) -> (i32, i32) {
    %c0_i32 = arith.constant 0 : i32
    %c0_i32_0 = arith.constant 0 : i32
    %c0_i32_1 = arith.constant 0 : i32
    return %c0_i32, %c0_i32_0 : i32, i32
  }
}

</mosaic_0001>

<sc_bundles>
// kernel: kernel.32.cloned.1.call-start
scs
__scs_entry_jumppad:
0x0: {  	(pc) =	sbr.rel $0x88, $3  }
0x1: {  	(tag) =	ssettag $0x0;
	lr =	simm.s32 $0x1  }
0x2: {  	[smem:$0x3F6D] =	sst lr;
	_ =	strace $0xD0000000  }
0x3: {  	_ = 	snop  }
0x4: {  	_ = 	snop  }
0x5: {  	_ = 	snop  }
0x6: {  	_ = 	snop  }
0x7: {  	_ = 	snop  }
__scs_overlays_trampoline_lowered:
0x8: {  	[smem:$0x3F7C] =	sst s0  }
0x9: {  	[smem:$0x3F7D] =	sst s1  }
0xa: {  	[smem:$0x3F7E] =	sst s2  }
0xb: {  	[smem:$0x3F7F] =	sst s3  }
0xc: {  	[smem:$0x3F80] =	sst s4  }
0xd: {  	[smem:$0x3F81] =	sst s5  }
0xe: {  	[smem:$0x3F82] =	sst s6  }
0xf: {  	[smem:$0x3F83] =	sst s7  }
0x10: {  	[smem:$0x3F84] =	sst s8  }
0x11: {  	[smem:$0x3F85] =	sst s9;
	s0 =	simm.s32 @!p0 $0x0  }
0x12: {  	s1 =	sld [smem:$0x3F6B];
	s0 =	simm.s32 @p0 $0x1  }
0x13: {  	[smem:$0x3F86] =	sst s0;
	s0 =	simm.s32 @!p1 $0x0  }
0x14: {  	s2 =	sld [smem:$0x3F6A];
	s0 =	simm.s32 @p1 $0x1  }
0x15: {  	[smem:$0x3F87] =	sst s0;
	s0 =	simm.s32 @!p2 $0x0  }
0x16: {  	s3 =	sld [smem:$0x3FDB];
	s0 =	simm.s32 @p2 $0x1  }
0x17: {  	s4 =	simm.s32 $0x1BF5;
	[smem:$0x3F89] =	sst s0  }
0x18: {  	s0 =	sld [smem:$0x3F6C];
	_ =	swait.ge [sflag:s4], $0x0  }
0x19: {  	s7 =	sld [smem:$0x3F6D]  }
0x1a: {  	s8 =	sadd.s32 $0xFFFFE003, lr  }
0x1b: {  	s9 =	sadd.s32 $0xFFFFFEF7, lr;
	s5 =	simm.s32 $0xFFFFFFFF;
	p2 =	slt.u32 s8, $0xFFFFF086  }
0x1c: {  	p1 =	slt.u32 s9, $0xF7A;
	s5 =	simm.s32 @!p2 $0x0  }
0x1d: {  	s5 =	simm.s32 @p1 $0x1;
	p0 =	seq.s32 s7, s2  }
0x1e: {  	s7 =	smul.u32 @!p0 $0xF7A, s2;
	p2 =	seq.s32 @!p0 s5, $0x0  }
0x1f: {  	s9 =	smul.u32 $0xF7A, s1;
	s8 =	simm.s32 @!p0 $0x1BF5;
	p2 =	por !p2, p0  }
0x20: {  	[sflag:s8] =	ssyncset.s32 @!p0 $0xFFFFF086;
	s6 =	sadd.s32 @!p0 s3, s7;
	s7 =	simm.s32 @!p0 $0x108  }
0x21: {  	s3 =	sadd.s32 s3, s9;
	s6 =	sadd.s32 @!p0 $0x88, s6;
	s7 =	simm.s32 @p2 $0x1082  }
0x22: {  	[simem:s7], [sflag:s8] =	dma.local @!p0 [hbm:s6], $0xF7A  }
0x23: {  	s9 =	sor.u32 $0xD0000000, s2;
	s6 =	simm.s32 $0x108;
	_ =	swait.ge @!p0 [sflag:s8], $0x0  }
0x24: {  	s3 =	sadd.s32 $0x88, s3;
	s6 =	simm.s32 @!p1 $0x1082;
	[sflag:s4] =	ssyncset.s32 $0xFFFFF086  }
0x25: {  	[simem:s6], [sflag:s4] =	dma.local [hbm:s3], $0xF7A  }
0x26: {  	[smem:$0x3F6D] =	sst s1;
	(tag) =	ssettag s2;
	_ =	strace s9  }
0x27: {  	s1 =	sld [smem:$0x3F7D]  }
0x28: {  	s2 =	sld [smem:$0x3F7E]  }
0x29: {  	s4 =	sld [smem:$0x3F80]  }
0x2a: {  	p0 =	seq.s32 s5, $0x0;
	s5 =	sld [smem:$0x3F81]  }
0x2b: {  	s6 =	sld [smem:$0x3F82]  }
0x2c: {  	s7 =	sld [smem:$0x3F83]  }
0x2d: {  	s3 =	simm.s32 $0x108;
	s8 =	sld [smem:$0x3F84]  }
0x2e: {  	s3 =	simm.s32 @!p0 $0x1082;
	s9 =	sld [smem:$0x3F85]  }
0x2f: {  	lr =	sadd.s32 s0, s3;
	s0 =	sld [smem:$0x3F7C]  }
0x30: {  	s3 =	sld [smem:$0x3F7F]  }
0x31: {  	[smem:$0x3F88] =	sst s10  }
0x32: {  	s10 =	sld [smem:$0x3F86];
	_ =	sdelay $0x3  }
0x33: {  	p0 =	seq.s32 s10, $0x1;
	s10 =	sld [smem:$0x3F88];
	_ =	sdelay $0x3  }
0x34: {  	[smem:$0x3F88] =	sst s10  }
0x35: {  	s10 =	sld [smem:$0x3F87];
	_ =	sdelay $0x3  }
0x36: {  	p1 =	seq.s32 s10, $0x1;
	s10 =	sld [smem:$0x3F88];
	_ =	sdelay $0x3  }
0x37: {  	[smem:$0x3F88] =	sst s10  }
0x38: {  	s10 =	sld [smem:$0x3F89]  }
0x39: {  	_ = 	snop;
	(pc) =	sbr.ind lr, $3  }
0x3a: {  	_ = 	snop  }
0x3b: {  	_ = 	snop  }
0x3c: {  	p2 =	seq.s32 s10, $0x1;
	s10 =	sld [smem:$0x3F88]  }
0x3d: {  	_ =	shalt  }
0x3e: {  	_ =	shalt  }
0x3f: {  	_ =	shalt  }
0x40: {  	_ =	shalt  }
0x41: {  	_ =	shalt  }
0x42: {  	_ =	shalt  }
0x43: {  	_ =	shalt  }
0x44: {  	_ =	shalt  }
0x45: {  	_ =	shalt  }
0x46: {  	_ =	shalt  }
0x47: {  	_ =	shalt  }
0x48: {  	_ =	shalt  }
0x49: {  	_ =	shalt  }
0x4a: {  	_ =	shalt  }
0x4b: {  	_ =	shalt  }
0x4c: {  	_ =	shalt  }
0x4d: {  	_ =	shalt  }
0x4e: {  	_ =	shalt  }
0x4f: {  	_ =	shalt  }
0x50: {  	_ =	shalt  }
0x51: {  	_ =	shalt  }
0x52: {  	_ =	shalt  }
0x53: {  	_ =	shalt  }
0x54: {  	_ =	shalt  }
0x55: {  	_ =	shalt  }
0x56: {  	_ =	shalt  }
0x57: {  	_ =	shalt  }
0x58: {  	_ =	shalt  }
0x59: {  	_ =	shalt  }
0x5a: {  	_ =	shalt  }
0x5b: {  	_ =	shalt  }
0x5c: {  	_ =	shalt  }
0x5d: {  	_ =	shalt  }
0x5e: {  	_ =	shalt  }
0x5f: {  	_ =	shalt  }
0x60: {  	_ =	shalt  }
0x61: {  	_ =	shalt  }
0x62: {  	_ =	shalt  }
0x63: {  	_ =	shalt  }
0x64: {  	_ =	shalt  }
0x65: {  	_ =	shalt  }
0x66: {  	_ =	shalt  }
0x67: {  	_ =	shalt  }
0x68: {  	_ =	shalt  }
0x69: {  	_ =	shalt  }
0x6a: {  	_ =	shalt  }
0x6b: {  	_ =	shalt  }
0x6c: {  	_ =	shalt  }
0x6d: {  	_ =	shalt  }
0x6e: {  	_ =	shalt  }
0x6f: {  	_ =	shalt  }
0x70: {  	_ =	shalt  }
0x71: {  	_ =	shalt  }
0x72: {  	_ =	shalt  }
0x73: {  	_ =	shalt  }
0x74: {  	_ =	shalt  }
0x75: {  	_ =	shalt  }
0x76: {  	_ =	shalt  }
0x77: {  	_ =	shalt  }
0x78: {  	_ =	shalt  }
0x79: {  	_ =	shalt  }
0x7a: {  	_ =	shalt  }
0x7b: {  	_ =	shalt  }
0x7c: {  	_ =	shalt  }
0x7d: {  	_ =	shalt  }
0x7e: {  	_ =	shalt  }
0x7f: {  	_ =	shalt  }
0x80: {  	_ =	shalt  }
0x81: {  	_ =	shalt  }
0x82: {  	_ =	shalt  }
0x83: {  	_ =	shalt  }
0x84: {  	_ =	shalt  }
0x85: {  	_ =	shalt  }
0x86: {  	_ =	shalt  }
0x87: {  	_ =	shalt  }
.Lfunc_end0:
.L_simem_size_0:
called_computation_lowered:
.L_overlay_start_0:
0x88: {  	s2 =	sld [smem:$0x3FD9]  }
0x89: {  	s3 =	sld [smem:$0x3FFE];
	_ =	sdelay $0x1  }
0x8a: {  	s1 =	srdreg.scid  }
0x8b: {  	s0 =	sand.u32 $0x1, s1  }
0x8c: {  	s16 =	sshll.u32 s0, $0xA;
	s2 =	sadd.s32 s3, s2  }
0x8d: {  	s2 =	sadd.s32 s2, s16  }
0x8e: {  	[smem:$0x3F94] =	sst s2  }
0x8f: {  	_ = 	snop  }
0x90: {  	(tm) =	ssettm $0x1  }
0x91: {  	s17 =	sld [smem:$0x3FFB];
	_ =	sdelay $0x3  }
0x92: {  	_ =	strace s17  }
0x93: {  	s2 =	sld [smem:$0x3FFC];
	_ =	sdelay $0x3  }
0x94: {  	_ =	strace s2  }
0x95: {  	s2 =	sld [smem:$0x3FFD];
	_ =	sdelay $0x3  }
0x96: {  	_ =	strace s2  }
0x97: {  	_ =	strace $0x8FFFFFFF  }
0x98: {  	s18 =	sld [smem:$0x3FDB];
	_ =	sdelay $0x1  }
0x99: {  	s19 =	simm.s32 $_scs_section_size  }
0x9a: {  	s4 =	simm.s32 $_size__tile_overlayer_lowered;
	s5 =	simm.s32 $_tile_overlayer_lowered  }
0x9b: {  	s22 =	simm.s32 $0x1BFF;
	s21 =	sshll.u32 s5, $0x1;
	s2 =	sadd.s32 s19, s18  }
0x9c: {  	s6 =	simm.s32 $0x0;
	s20 =	sshll.u32 s4, $0x1;
	s4 =	sadd.s32 s21, s2  }
0x9d: {  	[timem:s6], [sflag:s22] =	dma.local [hbm:s4], s20  }
0x9e: {  	_ =	swait.ge [sflag:s22], s20  }
0x9f: {  	s3 =	ssub.s32 $0x0, s20;
	[sflag:s22] =	ssyncset.done $0x0  }
0xa0: {  	[sflag:s22] =	ssyncadd.s32 s3;
	_ =	sdelay $0x1  }
0xa1: {  	s23 =	simm.s32 $0x1B8B  }
0xa2: {  	_ =	swait.ge [sflag:s23], $0x1  }
0xa3: {  	[sflag:s23] =	ssyncset.done $0x0  }
0xa4: {  	s25 =	simm.s32 $0x1B8E;
	s24 =	sld [smem:$0x3FFE];
	[sflag:s23] =	ssyncadd.s32 $0xFFFFFFFF  }
0xa5: {  	s26 =	simm.s32 $execute0_lowered;
	[smem:$0x3FD2] =	sst s25  }
0xa6: {  	s4 =	sshll.u32 s26, $0x1;
	_ =	strace $0x80000046;
	[dreg:$0x1] =	wrdreg $0xFFFFFFFF  }
0xa7: {  	s28 =	simm.s32 $_size_execute0_lowered;
	s2 =	sadd.s32 s2, s4;
	[dreg:$0x0] =	wrdreg $0x0  }
0xa8: {  	s4 =	sshll.u32 s28, $0x1;
	[dreg:$0x2] =	wrdreg s2  }
0xa9: {  	[dreg:$0x3] =	wrdreg s4  }
0xaa: {  	[dreg:$0x4] =	wrdreg $0xC0  }
0xab: {  	_ =	task [dreg:s6], $0x5FFFF  }
0xac: {  	[dreg:$0x1] =	wrdreg $0xFFFFFFFF  }
0xad: {  	[dreg:$0x0] =	wrdreg $0x60  }
0xae: {  	[dreg:$0x2] =	wrdreg s24  }
0xaf: {  	[dreg:$0x3] =	wrdreg $0x9  }
0xb0: {  	_ =	task.clear_ibuf [dreg:s6], $0x4FFFF;
	_ =	strace $0x90000046  }
0xb1: {  	s29 =	simm.s32 $0x9;
	_ =	strace $0x80000048  }
0xb2: {  	_ =	swait.ge [sflag:s29], $0x1  }
0xb3: {  	[sflag:s29] =	ssyncadd.s32 $0xFFFFFFFF  }
0xb4: {  	_ =	strace $0x90000048  }
0xb5: {  	_ =	sfence  }
0xb6: {  	s30 =	sld [smem:$0x0];
	_ =	sdelay $0x2  }
0xb7: {  	s31 =	sshll.u32 s1, $0xD;
	s1 =	sshrl.u32 s1, $0x2  }
0xb8: {  	s3 =	sand.u32 $0x4000, s31;
	s1 =	sadd.s32 s1, s30  }
0xb9: {  	s0 =	sor.u32 s3, s0;
	s1 =	sshll.u32 s1, $0x11  }
0xba: {  	s0 =	sor.u32 s1, s0  }
0xbb: {  	s0 =	sadd.s32 $0x8F2B, s0  }
0xbc: {  	[sflag:s0] =	ssyncadd.remote.s32 $0x1  }
0xbd: {  	_ =	sfence.sel $0xFFFF  }
0xbe: {  	[dreg:$0x0] =	wrdreg $0xFFFFFFFF;
	(pc) =	sbr.abs _section_cstart, $3  }
0xbf: {  	[dreg:$0x1] =	wrdreg $0xFFFFFFFF  }
0xc0: {  	_ =	task.clear_ibuf [dreg:s6], $0x2FFFF;
	_ =	strace $0x9FFFFFFF  }
0xc1: {  	(tm) =	ssettm $0x7FFFFFFF  }
tec
execute0_lowered:
.L_overlay_start_1:
0x0: {  	(tag) =	ssettag $0x1  }
0x1: {  	s4 =	rddreg [dreg:$0x0]  }
0x2: {  	s0 =	rddreg [dreg:$0x1];
	s2 =	simm.s32 $0x0;
	s3 =	srdreg.scid  }
0x3: {  	s1 =	stileid.u32;
	s10 =	simm.s32 $0x0;
	[smem:$0x7FF] =	sst s2  }
0x4: {  	s5 =	sand.u32 $0x1, s3;
	s6 =	sshll.u32 s1, $0xD;
	s3 =	sadd.s32 $0x51400, s4  }
0x5: {  	s8 =	sshll.u32 s1, $0xE;
	_ =	strace $0x80000047;
	s7 =	sshll.u32 s5, $0xC  }
0x6: {  	s31 =	ssub.s32 $0x2, s5;
	s8 =	sadd.s32 s8, s4;
	s5 =	sshll.u32 s5, $0xD  }
0x7: {  	s6 =	sor.u32 s7, s6;
	s9 =	sshrl.u32 s31, $0x1;
	s5 =	sadd.s32 s5, s8  }
0x8: {  	s8 =	simm.s32 $0x80;
	s6 =	sshrl.u32 s6, $0x3;
	s7 =	ssub.s32 s31, s9  }
0x9: {  	s5 =	sadd.s32 $0x55400, s5;
	s9 =	simm.s32 $0x1;
	s6 =	sadd.s32 s6, s4  }
0xa: {  	s4 =	smax.u32 s7, $0x1;
	s7 =	simm.s32 $0x2;
	s6 =	sadd.s32 $0x4D400, s6  }
.LBB2_1:
0xb: {  	s11 =	sadd.s32 $0x0, s6  }
0xc: {  	[tilespmem:s2], [sflag:$0x2] =	stream.linear.gather [hbm4b:s11+s2], $0x80, $0x38;
	[tilespmem:$0x880] =	vst v63  }
0xd: {  	_ =	swait.ge [sflag:s7], $0x80  }
0xe: {  	[sflag:s7] =	ssyncset.done $0x0  }
0xf: {  	[sflag:s7] =	ssyncadd.s32 $0xFFFFFF80  }
0x10: {  	[tilespmem:s8], [sflag:$0x1] =	stream.indirect.gather [hbm4b:s3+s8], $0x10, s2, s8, $0xb8;
	[tilespmem:$0x880] =	vst v63  }
0x11: {  	_ =	swait.ge [sflag:s9], $0x800  }
0x12: {  	[sflag:s9] =	ssyncset.done $0x0  }
0x13: {  	[sflag:s9] =	ssyncadd.s32 $0xFFFFF800  }
0x14: {  	[hbm4b:s5+s2] =	stream.linear.scatter [tilespmem:s8], [sflag:$0x2], $0x800, $0x38;
	[tilespmem:$0x880] =	vst v63  }
0x15: {  	s12 =	simm.s32 $0x10;
	_ =	swait.ge [sflag:s7], $0x800  }
0x16: {  	s13 =	simm.s32 $0x20;
	s11 =	sadd.s32 $0x100, s5;
	[sflag:s7] =	ssyncset.done $0x0  }
.LBB2_2:
0x17: {  	s14 =	sadd.s32 s12, s6  }
0x18: {  	[sflag:s7] =	ssyncadd.s32 $0xFFFFF800;
	s12 =	smov.u32 s13;
	s15 =	sadd.s32 $0x10, s13  }
0x19: {  	[tilespmem:s2], [sflag:$0x2] =	stream.linear.gather [hbm4b:s14+s2], $0x80, $0x38;
	[tilespmem:$0x880] =	vst v63  }
0x1a: {  	p0 =	sne.s32 s13, $0x1F0;
	_ =	swait.ge [sflag:s7], $0x80  }
0x1b: {  	[sflag:s7] =	ssyncset.done $0x0  }
0x1c: {  	[sflag:s7] =	ssyncadd.s32 $0xFFFFFF80  }
0x1d: {  	[tilespmem:s8], [sflag:$0x1] =	stream.indirect.gather [hbm4b:s3+s8], $0x10, s2, s8, $0xb8;
	[tilespmem:$0x880] =	vst v63  }
0x1e: {  	_ =	swait.ge [sflag:s9], $0x800  }
.Ltmp0:
0x1f: {  	[sflag:s9] =	ssyncset.done $0x0;
	(pc) =	sbr.rel @p0 .LBB2_2-.Ltmp0, $4  }
0x20: {  	[sflag:s9] =	ssyncadd.s32 $0xFFFFF800  }
0x21: {  	[hbm4b:s11+s2] =	stream.linear.scatter [tilespmem:s8], [sflag:$0x2], $0x800, $0x38;
	[tilespmem:$0x880] =	vst v63  }
0x22: {  	_ =	swait.ge [sflag:s7], $0x800  }
0x23: {  	s13 =	smov.u32 s15;
	s11 =	sadd.s32 $0x100, s11;
	[sflag:s7] =	ssyncset.done $0x0  }
0x24: {  	s12 =	sadd.s32 s12, s6;
	[sflag:s7] =	ssyncadd.s32 $0xFFFFF800  }
0x25: {  	[tilespmem:s2], [sflag:$0x2] =	stream.linear.gather [hbm4b:s12+s2], $0x80, $0x38;
	[tilespmem:$0x880] =	vst v63  }
0x26: {  	_ =	swait.ge [sflag:s7], $0x80  }
0x27: {  	[sflag:s7] =	ssyncset.done $0x0  }
0x28: {  	[sflag:s7] =	ssyncadd.s32 $0xFFFFFF80  }
0x29: {  	[tilespmem:s8], [sflag:$0x1] =	stream.indirect.gather [hbm4b:s3+s8], $0x10, s2, s8, $0xb8;
	[tilespmem:$0x880] =	vst v63  }
0x2a: {  	s10 =	sadd.s32 $0x1, s10;
	_ =	swait.ge [sflag:s9], $0x800  }
0x2b: {  	p0 =	sne.s32 s10, s4;
	[sflag:s9] =	ssyncset.done $0x0  }
.Ltmp1:
0x2c: {  	[sflag:s9] =	ssyncadd.s32 $0xFFFFF800;
	(pc) =	sbr.rel @p0 .LBB2_1-.Ltmp1, $4  }
0x2d: {  	[hbm4b:s11+s2] =	stream.linear.scatter [tilespmem:s8], [sflag:$0x2], $0x800, $0x38;
	[tilespmem:$0x880] =	vst v63  }
0x2e: {  	_ =	swait.ge [sflag:s7], $0x800  }
0x2f: {  	[sflag:s7] =	ssyncset.done $0x0  }
0x30: {  	[sflag:s7] =	ssyncadd.s32 $0xFFFFF800  }
0x31: {  	_ =	sfence.sel $0x180000  }
0x32: {  	[bflag:$0x0] =	sbarrier.arrive $0xFFFF  }
0x33: {  	p0 =	sne.s32 s1, $0x0;
	_ =	strace $0x90000047  }
0x34: {  	s0 =	sadd.s32 @!p0 $0x100000, s0;
	[bflag:$0x2] =	sbarrier.arrive $0xFFFF  }
0x35: {  	[sflag:s0] =	ssyncadd.tile.s32 @!p0 $0x1;
	_ =	shalt  }
.Lfunc_end2:
_tile_overlayer_lowered:
.L_overlay_start_2:
0x36: {  	(tag) =	ssettag $0x2  }
0x37: {  	s0 =	rddreg [dreg:$0x0];
	s2 =	stileid.u32  }
0x38: {  	s1 =	rddreg [dreg:$0x1];
	p0 =	sne.s32 s2, $0x0  }
0x39: {  	s3 =	rddreg [dreg:$0x2];
	[bflag:$0x3] =	sbarrier.arrive $0xFFFF;
	s2 =	simm.s32 @!p0 $0x1C02  }
0x3a: {  	[timem:s3], [sflag:s2] =	dma.local @!p0 [hbm:s0], s1  }
0x3b: {  	s0 =	simm.s32 @!p0 $0x2  }
0x3c: {  	_ =	swait.ge @!p0 [sflag:s0], s1  }
0x3d: {  	s1 =	ssub.s32 @!p0 $0x0, s1;
	[sflag:s0] =	ssyncset.done @!p0 $0x0  }
0x3e: {  	[sflag:s0] =	ssyncadd.s32 @!p0 s1  }
0x3f: {  	[bflag:$0x3] =	sbarrier.arrive $0xFFFF  }
0x40: {  	_ =	shalt  }

// kernel: kernel.35.cloned.1.call-start
scs
__scs_entry_jumppad:
0x0: {  	(pc) =	sbr.rel $0x88, $3  }
0x1: {  	(tag) =	ssettag $0x0;
	lr =	simm.s32 $0x1  }
0x2: {  	[smem:$0x3F6D] =	sst lr;
	_ =	strace $0xD0000000  }
0x3: {  	_ = 	snop  }
0x4: {  	_ = 	snop  }
0x5: {  	_ = 	snop  }
0x6: {  	_ = 	snop  }
0x7: {  	_ = 	snop  }
__scs_overlays_trampoline_lowered:
0x8: {  	[smem:$0x3F7C] =	sst s0  }
0x9: {  	[smem:$0x3F7D] =	sst s1  }
0xa: {  	[smem:$0x3F7E] =	sst s2  }
0xb: {  	[smem:$0x3F7F] =	sst s3  }
0xc: {  	[smem:$0x3F80] =	sst s4  }
0xd: {  	[smem:$0x3F81] =	sst s5  }
0xe: {  	[smem:$0x3F82] =	sst s6  }
0xf: {  	[smem:$0x3F83] =	sst s7  }
0x10: {  	[smem:$0x3F84] =	sst s8  }
0x11: {  	[smem:$0x3F85] =	sst s9;
	s0 =	simm.s32 @!p0 $0x0  }
0x12: {  	s1 =	sld [smem:$0x3F6B];
	s0 =	simm.s32 @p0 $0x1  }
0x13: {  	[smem:$0x3F86] =	sst s0;
	s0 =	simm.s32 @!p1 $0x0  }
0x14: {  	s2 =	sld [smem:$0x3F6A];
	s0 =	simm.s32 @p1 $0x1  }
0x15: {  	[smem:$0x3F87] =	sst s0;
	s0 =	simm.s32 @!p2 $0x0  }
0x16: {  	s3 =	sld [smem:$0x3FDB];
	s0 =	simm.s32 @p2 $0x1  }
0x17: {  	s4 =	simm.s32 $0x1BF5;
	[smem:$0x3F89] =	sst s0  }
0x18: {  	s0 =	sld [smem:$0x3F6C];
	_ =	swait.ge [sflag:s4], $0x0  }
0x19: {  	s7 =	sld [smem:$0x3F6D]  }
0x1a: {  	s8 =	sadd.s32 $0xFFFFE003, lr  }
0x1b: {  	s9 =	sadd.s32 $0xFFFFFEF7, lr;
	s5 =	simm.s32 $0xFFFFFFFF;
	p2 =	slt.u32 s8, $0xFFFFF086  }
0x1c: {  	p1 =	slt.u32 s9, $0xF7A;
	s5 =	simm.s32 @!p2 $0x0  }
0x1d: {  	s5 =	simm.s32 @p1 $0x1;
	p0 =	seq.s32 s7, s2  }
0x1e: {  	s7 =	smul.u32 @!p0 $0xF7A, s2;
	p2 =	seq.s32 @!p0 s5, $0x0  }
0x1f: {  	s9 =	smul.u32 $0xF7A, s1;
	s8 =	simm.s32 @!p0 $0x1BF5;
	p2 =	por !p2, p0  }
0x20: {  	[sflag:s8] =	ssyncset.s32 @!p0 $0xFFFFF086;
	s6 =	sadd.s32 @!p0 s3, s7;
	s7 =	simm.s32 @!p0 $0x108  }
0x21: {  	s3 =	sadd.s32 s3, s9;
	s6 =	sadd.s32 @!p0 $0x88, s6;
	s7 =	simm.s32 @p2 $0x1082  }
0x22: {  	[simem:s7], [sflag:s8] =	dma.local @!p0 [hbm:s6], $0xF7A  }
0x23: {  	s9 =	sor.u32 $0xD0000000, s2;
	s6 =	simm.s32 $0x108;
	_ =	swait.ge @!p0 [sflag:s8], $0x0  }
0x24: {  	s3 =	sadd.s32 $0x88, s3;
	s6 =	simm.s32 @!p1 $0x1082;
	[sflag:s4] =	ssyncset.s32 $0xFFFFF086  }
0x25: {  	[simem:s6], [sflag:s4] =	dma.local [hbm:s3], $0xF7A  }
0x26: {  	[smem:$0x3F6D] =	sst s1;
	(tag) =	ssettag s2;
	_ =	strace s9  }
0x27: {  	s1 =	sld [smem:$0x3F7D]  }
0x28: {  	s2 =	sld [smem:$0x3F7E]  }
0x29: {  	s4 =	sld [smem:$0x3F80]  }
0x2a: {  	p0 =	seq.s32 s5, $0x0;
	s5 =	sld [smem:$0x3F81]  }
0x2b: {  	s6 =	sld [smem:$0x3F82]  }
0x2c: {  	s7 =	sld [smem:$0x3F83]  }
0x2d: {  	s3 =	simm.s32 $0x108;
	s8 =	sld [smem:$0x3F84]  }
0x2e: {  	s3 =	simm.s32 @!p0 $0x1082;
	s9 =	sld [smem:$0x3F85]  }
0x2f: {  	lr =	sadd.s32 s0, s3;
	s0 =	sld [smem:$0x3F7C]  }
0x30: {  	s3 =	sld [smem:$0x3F7F]  }
0x31: {  	[smem:$0x3F88] =	sst s10  }
0x32: {  	s10 =	sld [smem:$0x3F86];
	_ =	sdelay $0x3  }
0x33: {  	p0 =	seq.s32 s10, $0x1;
	s10 =	sld [smem:$0x3F88];
	_ =	sdelay $0x3  }
0x34: {  	[smem:$0x3F88] =	sst s10  }
0x35: {  	s10 =	sld [smem:$0x3F87];
	_ =	sdelay $0x3  }
0x36: {  	p1 =	seq.s32 s10, $0x1;
	s10 =	sld [smem:$0x3F88];
	_ =	sdelay $0x3  }
0x37: {  	[smem:$0x3F88] =	sst s10  }
0x38: {  	s10 =	sld [smem:$0x3F89]  }
0x39: {  	_ = 	snop;
	(pc) =	sbr.ind lr, $3  }
0x3a: {  	_ = 	snop  }
0x3b: {  	_ = 	snop  }
0x3c: {  	p2 =	seq.s32 s10, $0x1;
	s10 =	sld [smem:$0x3F88]  }
0x3d: {  	_ =	shalt  }
0x3e: {  	_ =	shalt  }
0x3f: {  	_ =	shalt  }
0x40: {  	_ =	shalt  }
0x41: {  	_ =	shalt  }
0x42: {  	_ =	shalt  }
0x43: {  	_ =	shalt  }
0x44: {  	_ =	shalt  }
0x45: {  	_ =	shalt  }
0x46: {  	_ =	shalt  }
0x47: {  	_ =	shalt  }
0x48: {  	_ =	shalt  }
0x49: {  	_ =	shalt  }
0x4a: {  	_ =	shalt  }
0x4b: {  	_ =	shalt  }
0x4c: {  	_ =	shalt  }
0x4d: {  	_ =	shalt  }
0x4e: {  	_ =	shalt  }
0x4f: {  	_ =	shalt  }
0x50: {  	_ =	shalt  }
0x51: {  	_ =	shalt  }
0x52: {  	_ =	shalt  }
0x53: {  	_ =	shalt  }
0x54: {  	_ =	shalt  }
0x55: {  	_ =	shalt  }
0x56: {  	_ =	shalt  }
0x57: {  	_ =	shalt  }
0x58: {  	_ =	shalt  }
0x59: {  	_ =	shalt  }
0x5a: {  	_ =	shalt  }
0x5b: {  	_ =	shalt  }
0x5c: {  	_ =	shalt  }
0x5d: {  	_ =	shalt  }
0x5e: {  	_ =	shalt  }
0x5f: {  	_ =	shalt  }
0x60: {  	_ =	shalt  }
0x61: {  	_ =	shalt  }
0x62: {  	_ =	shalt  }
0x63: {  	_ =	shalt  }
0x64: {  	_ =	shalt  }
0x65: {  	_ =	shalt  }
0x66: {  	_ =	shalt  }
0x67: {  	_ =	shalt  }
0x68: {  	_ =	shalt  }
0x69: {  	_ =	shalt  }
0x6a: {  	_ =	shalt  }
0x6b: {  	_ =	shalt  }
0x6c: {  	_ =	shalt  }
0x6d: {  	_ =	shalt  }
0x6e: {  	_ =	shalt  }
0x6f: {  	_ =	shalt  }
0x70: {  	_ =	shalt  }
0x71: {  	_ =	shalt  }
0x72: {  	_ =	shalt  }
0x73: {  	_ =	shalt  }
0x74: {  	_ =	shalt  }
0x75: {  	_ =	shalt  }
0x76: {  	_ =	shalt  }
0x77: {  	_ =	shalt  }
0x78: {  	_ =	shalt  }
0x79: {  	_ =	shalt  }
0x7a: {  	_ =	shalt  }
0x7b: {  	_ =	shalt  }
0x7c: {  	_ =	shalt  }
0x7d: {  	_ =	shalt  }
0x7e: {  	_ =	shalt  }
0x7f: {  	_ =	shalt  }
0x80: {  	_ =	shalt  }
0x81: {  	_ =	shalt  }
0x82: {  	_ =	shalt  }
0x83: {  	_ =	shalt  }
0x84: {  	_ =	shalt  }
0x85: {  	_ =	shalt  }
0x86: {  	_ =	shalt  }
0x87: {  	_ =	shalt  }
.Lfunc_end0:
.L_simem_size_0:
called_computation.1_lowered:
.L_overlay_start_0:
0x88: {  	s2 =	sld [smem:$0x3FD9]  }
0x89: {  	s3 =	sld [smem:$0x3FFE];
	_ =	sdelay $0x1  }
0x8a: {  	s1 =	srdreg.scid  }
0x8b: {  	s0 =	sand.u32 $0x1, s1  }
0x8c: {  	s16 =	sshll.u32 s0, $0xA;
	s2 =	sadd.s32 s3, s2  }
0x8d: {  	s2 =	sadd.s32 s2, s16  }
0x8e: {  	[smem:$0x3F94] =	sst s2  }
0x8f: {  	_ = 	snop  }
0x90: {  	(tm) =	ssettm $0x1  }
0x91: {  	s17 =	sld [smem:$0x3FFB];
	_ =	sdelay $0x3  }
0x92: {  	_ =	strace s17  }
0x93: {  	s2 =	sld [smem:$0x3FFC];
	_ =	sdelay $0x3  }
0x94: {  	_ =	strace s2  }
0x95: {  	s2 =	sld [smem:$0x3FFD];
	_ =	sdelay $0x3  }
0x96: {  	_ =	strace s2  }
0x97: {  	_ =	strace $0x8FFFFFFF  }
0x98: {  	s18 =	sld [smem:$0x3FDB];
	_ =	sdelay $0x1  }
0x99: {  	s19 =	simm.s32 $_scs_section_size  }
0x9a: {  	s4 =	simm.s32 $_size__tile_overlayer_lowered;
	s5 =	simm.s32 $_tile_overlayer_lowered  }
0x9b: {  	s22 =	simm.s32 $0x1BFF;
	s21 =	sshll.u32 s5, $0x1;
	s2 =	sadd.s32 s19, s18  }
0x9c: {  	s6 =	simm.s32 $0x0;
	s20 =	sshll.u32 s4, $0x1;
	s4 =	sadd.s32 s21, s2  }
0x9d: {  	[timem:s6], [sflag:s22] =	dma.local [hbm:s4], s20  }
0x9e: {  	_ =	swait.ge [sflag:s22], s20  }
0x9f: {  	s3 =	ssub.s32 $0x0, s20;
	[sflag:s22] =	ssyncset.done $0x0  }
0xa0: {  	[sflag:s22] =	ssyncadd.s32 s3;
	_ =	sdelay $0x1  }
0xa1: {  	s23 =	simm.s32 $0x1B8B  }
0xa2: {  	_ =	swait.ge [sflag:s23], $0x1  }
0xa3: {  	[sflag:s23] =	ssyncset.done $0x0  }
0xa4: {  	s25 =	simm.s32 $0x1B8E;
	s24 =	sld [smem:$0x3FFE];
	[sflag:s23] =	ssyncadd.s32 $0xFFFFFFFF  }
0xa5: {  	s26 =	simm.s32 $execute0_lowered;
	[smem:$0x3FD2] =	sst s25  }
0xa6: {  	s4 =	sshll.u32 s26, $0x1;
	_ =	strace $0x80000049;
	[dreg:$0x1] =	wrdreg $0xFFFFFFFF  }
0xa7: {  	s28 =	simm.s32 $_size_execute0_lowered;
	s2 =	sadd.s32 s2, s4;
	[dreg:$0x0] =	wrdreg $0x0  }
0xa8: {  	s4 =	sshll.u32 s28, $0x1;
	[dreg:$0x2] =	wrdreg s2  }
0xa9: {  	[dreg:$0x3] =	wrdreg s4  }
0xaa: {  	[dreg:$0x4] =	wrdreg $0xC0  }
0xab: {  	_ =	task [dreg:s6], $0x5FFFF  }
0xac: {  	[dreg:$0x1] =	wrdreg $0xFFFFFFFF  }
0xad: {  	[dreg:$0x0] =	wrdreg $0x60  }
0xae: {  	[dreg:$0x2] =	wrdreg s24  }
0xaf: {  	[dreg:$0x3] =	wrdreg $0x9  }
0xb0: {  	_ =	task.clear_ibuf [dreg:s6], $0x4FFFF;
	_ =	strace $0x90000049  }
0xb1: {  	s29 =	simm.s32 $0x9;
	_ =	strace $0x8000004B  }
0xb2: {  	_ =	swait.ge [sflag:s29], $0x1  }
0xb3: {  	[sflag:s29] =	ssyncadd.s32 $0xFFFFFFFF  }
0xb4: {  	_ =	strace $0x9000004B  }
0xb5: {  	_ =	sfence  }
0xb6: {  	s30 =	sld [smem:$0x0];
	_ =	sdelay $0x2  }
0xb7: {  	s31 =	sshll.u32 s1, $0xD;
	s1 =	sshrl.u32 s1, $0x2  }
0xb8: {  	s3 =	sand.u32 $0x4000, s31;
	s1 =	sadd.s32 s1, s30  }
0xb9: {  	s0 =	sor.u32 s3, s0;
	s1 =	sshll.u32 s1, $0x11  }
0xba: {  	s0 =	sor.u32 s1, s0  }
0xbb: {  	s0 =	sadd.s32 $0x8F2B, s0  }
0xbc: {  	[sflag:s0] =	ssyncadd.remote.s32 $0x1  }
0xbd: {  	_ =	sfence.sel $0xFFFF  }
0xbe: {  	[dreg:$0x0] =	wrdreg $0xFFFFFFFF;
	(pc) =	sbr.abs _section_cstart, $3  }
0xbf: {  	[dreg:$0x1] =	wrdreg $0xFFFFFFFF  }
0xc0: {  	_ =	task.clear_ibuf [dreg:s6], $0x2FFFF;
	_ =	strace $0x9FFFFFFF  }
0xc1: {  	(tm) =	ssettm $0x7FFFFFFF  }
tec
execute0_lowered:
.L_overlay_start_1:
0x0: {  	(tag) =	ssettag $0x1  }
0x1: {  	s4 =	rddreg [dreg:$0x0]  }
0x2: {  	s0 =	rddreg [dreg:$0x1];
	s2 =	simm.s32 $0x0;
	s5 =	srdreg.scid  }
0x3: {  	s1 =	stileid.u32;
	s10 =	simm.s32 $0x0;
	[smem:$0x7FF] =	sst s2  }
0x4: {  	s3 =	sadd.s32 $0x51400, s4;
	s5 =	sand.u32 $0x1, s5;
	s6 =	sshll.u32 s1, $0xD  }
0x5: {  	s8 =	smul.u32 $0xC000, s1;
	_ =	strace $0x8000004A;
	s7 =	sshll.u32 s5, $0xC  }
0x6: {  	s9 =	ssub.s32 $0x2, s5;
	s5 =	smul.u32 $0x6000, s5;
	s6 =	sor.u32 s7, s6  }
0x7: {  	s30 =	sshrl.u32 s9, $0x1;
	s8 =	sadd.s32 s8, s4;
	s6 =	sshrl.u32 s6, $0x3  }
0x8: {  	s7 =	ssub.s32 s9, s30;
	s31 =	sadd.s32 s5, s8;
	s8 =	simm.s32 $0x80  }
0x9: {  	s9 =	simm.s32 $0x1;
	s6 =	sadd.s32 s6, s4;
	s4 =	smax.u32 s7, $0x1  }
0xa: {  	s7 =	simm.s32 $0x2;
	s5 =	sadd.s32 $0x4D400, s6;
	s6 =	sadd.s32 $0xC5400, s31  }
.LBB2_1:
0xb: {  	s11 =	sadd.s32 $0x0, s5  }
0xc: {  	[tilespmem:s2], [sflag:$0x2] =	stream.linear.gather [hbm4b:s11+s2], $0x80, $0x38;
	[tilespmem:$0x1880] =	vst v63  }
0xd: {  	_ =	swait.ge [sflag:s7], $0x80  }
0xe: {  	[sflag:s7] =	ssyncset.done $0x0  }
0xf: {  	[sflag:s7] =	ssyncadd.s32 $0xFFFFFF80  }
0x10: {  	[tilespmem:s8], [sflag:$0x1] =	stream.indirect.gather [hbm4b:s3+s8], $0x30, s2, s8, $0xb8;
	[tilespmem:$0x1880] =	vst v63  }
0x11: {  	_ =	swait.ge [sflag:s9], $0x1800  }
0x12: {  	[sflag:s9] =	ssyncset.done $0x0  }
0x13: {  	[sflag:s9] =	ssyncadd.s32 $0xFFFFE800  }
0x14: {  	[hbm4b:s6+s2] =	stream.linear.scatter [tilespmem:s8], [sflag:$0x2], $0x1800, $0x38;
	[tilespmem:$0x1880] =	vst v63  }
0x15: {  	s12 =	simm.s32 $0x10;
	_ =	swait.ge [sflag:s7], $0x1800  }
0x16: {  	s13 =	simm.s32 $0x20;
	s11 =	sadd.s32 $0x300, s6;
	[sflag:s7] =	ssyncset.done $0x0  }
.LBB2_2:
0x17: {  	s14 =	sadd.s32 s12, s5  }
0x18: {  	[sflag:s7] =	ssyncadd.s32 $0xFFFFE800;
	s12 =	smov.u32 s13;
	s15 =	sadd.s32 $0x10, s13  }
0x19: {  	[tilespmem:s2], [sflag:$0x2] =	stream.linear.gather [hbm4b:s14+s2], $0x80, $0x38;
	[tilespmem:$0x1880] =	vst v63  }
0x1a: {  	p0 =	sne.s32 s13, $0x1F0;
	_ =	swait.ge [sflag:s7], $0x80  }
0x1b: {  	[sflag:s7] =	ssyncset.done $0x0  }
0x1c: {  	[sflag:s7] =	ssyncadd.s32 $0xFFFFFF80  }
0x1d: {  	[tilespmem:s8], [sflag:$0x1] =	stream.indirect.gather [hbm4b:s3+s8], $0x30, s2, s8, $0xb8;
	[tilespmem:$0x1880] =	vst v63  }
0x1e: {  	_ =	swait.ge [sflag:s9], $0x1800  }
.Ltmp0:
0x1f: {  	[sflag:s9] =	ssyncset.done $0x0;
	(pc) =	sbr.rel @p0 .LBB2_2-.Ltmp0, $4  }
0x20: {  	[sflag:s9] =	ssyncadd.s32 $0xFFFFE800  }
0x21: {  	[hbm4b:s11+s2] =	stream.linear.scatter [tilespmem:s8], [sflag:$0x2], $0x1800, $0x38;
	[tilespmem:$0x1880] =	vst v63  }
0x22: {  	_ =	swait.ge [sflag:s7], $0x1800  }
0x23: {  	s13 =	smov.u32 s15;
	s11 =	sadd.s32 $0x300, s11;
	[sflag:s7] =	ssyncset.done $0x0  }
0x24: {  	s12 =	sadd.s32 s12, s5;
	[sflag:s7] =	ssyncadd.s32 $0xFFFFE800  }
0x25: {  	[tilespmem:s2], [sflag:$0x2] =	stream.linear.gather [hbm4b:s12+s2], $0x80, $0x38;
	[tilespmem:$0x1880] =	vst v63  }
0x26: {  	_ =	swait.ge [sflag:s7], $0x80  }
0x27: {  	[sflag:s7] =	ssyncset.done $0x0  }
0x28: {  	[sflag:s7] =	ssyncadd.s32 $0xFFFFFF80  }
0x29: {  	[tilespmem:s8], [sflag:$0x1] =	stream.indirect.gather [hbm4b:s3+s8], $0x30, s2, s8, $0xb8;
	[tilespmem:$0x1880] =	vst v63  }
0x2a: {  	s10 =	sadd.s32 $0x1, s10;
	_ =	swait.ge [sflag:s9], $0x1800  }
0x2b: {  	p0 =	sne.s32 s10, s4;
	[sflag:s9] =	ssyncset.done $0x0  }
.Ltmp1:
0x2c: {  	[sflag:s9] =	ssyncadd.s32 $0xFFFFE800;
	(pc) =	sbr.rel @p0 .LBB2_1-.Ltmp1, $4  }
0x2d: {  	[hbm4b:s11+s2] =	stream.linear.scatter [tilespmem:s8], [sflag:$0x2], $0x1800, $0x38;
	[tilespmem:$0x1880] =	vst v63  }
0x2e: {  	_ =	swait.ge [sflag:s7], $0x1800  }
0x2f: {  	[sflag:s7] =	ssyncset.done $0x0  }
0x30: {  	[sflag:s7] =	ssyncadd.s32 $0xFFFFE800  }
0x31: {  	_ =	sfence.sel $0x180000  }
0x32: {  	[bflag:$0x0] =	sbarrier.arrive $0xFFFF  }
0x33: {  	p0 =	sne.s32 s1, $0x0;
	_ =	strace $0x9000004A  }
0x34: {  	s0 =	sadd.s32 @!p0 $0x100000, s0;
	[bflag:$0x2] =	sbarrier.arrive $0xFFFF  }
0x35: {  	[sflag:s0] =	ssyncadd.tile.s32 @!p0 $0x1;
	_ =	shalt  }
.Lfunc_end2:
_tile_overlayer_lowered:
.L_overlay_start_2:
0x36: {  	(tag) =	ssettag $0x2  }
0x37: {  	s0 =	rddreg [dreg:$0x0];
	s2 =	stileid.u32  }
0x38: {  	s1 =	rddreg [dreg:$0x1];
	p0 =	sne.s32 s2, $0x0  }
0x39: {  	s3 =	rddreg [dreg:$0x2];
	[bflag:$0x3] =	sbarrier.arrive $0xFFFF;
	s2 =	simm.s32 @!p0 $0x1C02  }
0x3a: {  	[timem:s3], [sflag:s2] =	dma.local @!p0 [hbm:s0], s1  }
0x3b: {  	s0 =	simm.s32 @!p0 $0x2  }
0x3c: {  	_ =	swait.ge @!p0 [sflag:s0], s1  }
0x3d: {  	s1 =	ssub.s32 @!p0 $0x0, s1;
	[sflag:s0] =	ssyncset.done @!p0 $0x0  }
0x3e: {  	[sflag:s0] =	ssyncadd.s32 @!p0 s1  }
0x3f: {  	[bflag:$0x3] =	sbarrier.arrive $0xFFFF  }
0x40: {  	_ =	shalt  }

// kernel: kernel.38.cloned.1.call-start
scs
__scs_entry_jumppad:
0x0: {  	(pc) =	sbr.rel $0x88, $3  }
0x1: {  	(tag) =	ssettag $0x0;
	lr =	simm.s32 $0x1  }
0x2: {  	[smem:$0x3F6D] =	sst lr;
	_ =	strace $0xD0000000  }
0x3: {  	_ = 	snop  }
0x4: {  	_ = 	snop  }
0x5: {  	_ = 	snop  }
0x6: {  	_ = 	snop  }
0x7: {  	_ = 	snop  }
__scs_overlays_trampoline_lowered:
0x8: {  	[smem:$0x3F7C] =	sst s0  }
0x9: {  	[smem:$0x3F7D] =	sst s1  }
0xa: {  	[smem:$0x3F7E] =	sst s2  }
0xb: {  	[smem:$0x3F7F] =	sst s3  }
0xc: {  	[smem:$0x3F80] =	sst s4  }
0xd: {  	[smem:$0x3F81] =	sst s5  }
0xe: {  	[smem:$0x3F82] =	sst s6  }
0xf: {  	[smem:$0x3F83] =	sst s7  }
0x10: {  	[smem:$0x3F84] =	sst s8  }
0x11: {  	[smem:$0x3F85] =	sst s9;
	s0 =	simm.s32 @!p0 $0x0  }
0x12: {  	s1 =	sld [smem:$0x3F6B];
	s0 =	simm.s32 @p0 $0x1  }
0x13: {  	[smem:$0x3F86] =	sst s0;
	s0 =	simm.s32 @!p1 $0x0  }
0x14: {  	s2 =	sld [smem:$0x3F6A];
	s0 =	simm.s32 @p1 $0x1  }
0x15: {  	[smem:$0x3F87] =	sst s0;
	s0 =	simm.s32 @!p2 $0x0  }
0x16: {  	s3 =	sld [smem:$0x3FDB];
	s0 =	simm.s32 @p2 $0x1  }
0x17: {  	s4 =	simm.s32 $0x1BF5;
	[smem:$0x3F89] =	sst s0  }
0x18: {  	s0 =	sld [smem:$0x3F6C];
	_ =	swait.ge [sflag:s4], $0x0  }
0x19: {  	s7 =	sld [smem:$0x3F6D]  }
0x1a: {  	s8 =	sadd.s32 $0xFFFFE003, lr  }
0x1b: {  	s9 =	sadd.s32 $0xFFFFFEF7, lr;
	s5 =	simm.s32 $0xFFFFFFFF;
	p2 =	slt.u32 s8, $0xFFFFF086  }
0x1c: {  	p1 =	slt.u32 s9, $0xF7A;
	s5 =	simm.s32 @!p2 $0x0  }
0x1d: {  	s5 =	simm.s32 @p1 $0x1;
	p0 =	seq.s32 s7, s2  }
0x1e: {  	s7 =	smul.u32 @!p0 $0xF7A, s2;
	p2 =	seq.s32 @!p0 s5, $0x0  }
0x1f: {  	s9 =	smul.u32 $0xF7A, s1;
	s8 =	simm.s32 @!p0 $0x1BF5;
	p2 =	por !p2, p0  }
0x20: {  	[sflag:s8] =	ssyncset.s32 @!p0 $0xFFFFF086;
	s6 =	sadd.s32 @!p0 s3, s7;
	s7 =	simm.s32 @!p0 $0x108  }
0x21: {  	s3 =	sadd.s32 s3, s9;
	s6 =	sadd.s32 @!p0 $0x88, s6;
	s7 =	simm.s32 @p2 $0x1082  }
0x22: {  	[simem:s7], [sflag:s8] =	dma.local @!p0 [hbm:s6], $0xF7A  }
0x23: {  	s9 =	sor.u32 $0xD0000000, s2;
	s6 =	simm.s32 $0x108;
	_ =	swait.ge @!p0 [sflag:s8], $0x0  }
0x24: {  	s3 =	sadd.s32 $0x88, s3;
	s6 =	simm.s32 @!p1 $0x1082;
	[sflag:s4] =	ssyncset.s32 $0xFFFFF086  }
0x25: {  	[simem:s6], [sflag:s4] =	dma.local [hbm:s3], $0xF7A  }
0x26: {  	[smem:$0x3F6D] =	sst s1;
	(tag) =	ssettag s2;
	_ =	strace s9  }
0x27: {  	s1 =	sld [smem:$0x3F7D]  }
0x28: {  	s2 =	sld [smem:$0x3F7E]  }
0x29: {  	s4 =	sld [smem:$0x3F80]  }
0x2a: {  	p0 =	seq.s32 s5, $0x0;
	s5 =	sld [smem:$0x3F81]  }
0x2b: {  	s6 =	sld [smem:$0x3F82]  }
0x2c: {  	s7 =	sld [smem:$0x3F83]  }
0x2d: {  	s3 =	simm.s32 $0x108;
	s8 =	sld [smem:$0x3F84]  }
0x2e: {  	s3 =	simm.s32 @!p0 $0x1082;
	s9 =	sld [smem:$0x3F85]  }
0x2f: {  	lr =	sadd.s32 s0, s3;
	s0 =	sld [smem:$0x3F7C]  }
0x30: {  	s3 =	sld [smem:$0x3F7F]  }
0x31: {  	[smem:$0x3F88] =	sst s10  }
0x32: {  	s10 =	sld [smem:$0x3F86];
	_ =	sdelay $0x3  }
0x33: {  	p0 =	seq.s32 s10, $0x1;
	s10 =	sld [smem:$0x3F88];
	_ =	sdelay $0x3  }
0x34: {  	[smem:$0x3F88] =	sst s10  }
0x35: {  	s10 =	sld [smem:$0x3F87];
	_ =	sdelay $0x3  }
0x36: {  	p1 =	seq.s32 s10, $0x1;
	s10 =	sld [smem:$0x3F88];
	_ =	sdelay $0x3  }
0x37: {  	[smem:$0x3F88] =	sst s10  }
0x38: {  	s10 =	sld [smem:$0x3F89]  }
0x39: {  	_ = 	snop;
	(pc) =	sbr.ind lr, $3  }
0x3a: {  	_ = 	snop  }
0x3b: {  	_ = 	snop  }
0x3c: {  	p2 =	seq.s32 s10, $0x1;
	s10 =	sld [smem:$0x3F88]  }
0x3d: {  	_ =	shalt  }
0x3e: {  	_ =	shalt  }
0x3f: {  	_ =	shalt  }
0x40: {  	_ =	shalt  }
0x41: {  	_ =	shalt  }
0x42: {  	_ =	shalt  }
0x43: {  	_ =	shalt  }
0x44: {  	_ =	shalt  }
0x45: {  	_ =	shalt  }
0x46: {  	_ =	shalt  }
0x47: {  	_ =	shalt  }
0x48: {  	_ =	shalt  }
0x49: {  	_ =	shalt  }
0x4a: {  	_ =	shalt  }
0x4b: {  	_ =	shalt  }
0x4c: {  	_ =	shalt  }
0x4d: {  	_ =	shalt  }
0x4e: {  	_ =	shalt  }
0x4f: {  	_ =	shalt  }
0x50: {  	_ =	shalt  }
0x51: {  	_ =	shalt  }
0x52: {  	_ =	shalt  }
0x53: {  	_ =	shalt  }
0x54: {  	_ =	shalt  }
0x55: {  	_ =	shalt  }
0x56: {  	_ =	shalt  }
0x57: {  	_ =	shalt  }
0x58: {  	_ =	shalt  }
0x59: {  	_ =	shalt  }
0x5a: {  	_ =	shalt  }
0x5b: {  	_ =	shalt  }
0x5c: {  	_ =	shalt  }
0x5d: {  	_ =	shalt  }
0x5e: {  	_ =	shalt  }
0x5f: {  	_ =	shalt  }
0x60: {  	_ =	shalt  }
0x61: {  	_ =	shalt  }
0x62: {  	_ =	shalt  }
0x63: {  	_ =	shalt  }
0x64: {  	_ =	shalt  }
0x65: {  	_ =	shalt  }
0x66: {  	_ =	shalt  }
0x67: {  	_ =	shalt  }
0x68: {  	_ =	shalt  }
0x69: {  	_ =	shalt  }
0x6a: {  	_ =	shalt  }
0x6b: {  	_ =	shalt  }
0x6c: {  	_ =	shalt  }
0x6d: {  	_ =	shalt  }
0x6e: {  	_ =	shalt  }
0x6f: {  	_ =	shalt  }
0x70: {  	_ =	shalt  }
0x71: {  	_ =	shalt  }
0x72: {  	_ =	shalt  }
0x73: {  	_ =	shalt  }
0x74: {  	_ =	shalt  }
0x75: {  	_ =	shalt  }
0x76: {  	_ =	shalt  }
0x77: {  	_ =	shalt  }
0x78: {  	_ =	shalt  }
0x79: {  	_ =	shalt  }
0x7a: {  	_ =	shalt  }
0x7b: {  	_ =	shalt  }
0x7c: {  	_ =	shalt  }
0x7d: {  	_ =	shalt  }
0x7e: {  	_ =	shalt  }
0x7f: {  	_ =	shalt  }
0x80: {  	_ =	shalt  }
0x81: {  	_ =	shalt  }
0x82: {  	_ =	shalt  }
0x83: {  	_ =	shalt  }
0x84: {  	_ =	shalt  }
0x85: {  	_ =	shalt  }
0x86: {  	_ =	shalt  }
0x87: {  	_ =	shalt  }
.Lfunc_end0:
.L_simem_size_0:
called_computation.2_lowered:
.L_overlay_start_0:
0x88: {  	s2 =	sld [smem:$0x3FD9]  }
0x89: {  	s3 =	sld [smem:$0x3FFE];
	_ =	sdelay $0x1  }
0x8a: {  	s1 =	srdreg.scid  }
0x8b: {  	s0 =	sand.u32 $0x1, s1  }
0x8c: {  	s16 =	sshll.u32 s0, $0xA;
	s2 =	sadd.s32 s3, s2  }
0x8d: {  	s2 =	sadd.s32 s2, s16  }
0x8e: {  	[smem:$0x3F94] =	sst s2  }
0x8f: {  	_ = 	snop  }
0x90: {  	(tm) =	ssettm $0x1  }
0x91: {  	s17 =	sld [smem:$0x3FFB];
	_ =	sdelay $0x3  }
0x92: {  	_ =	strace s17  }
0x93: {  	s2 =	sld [smem:$0x3FFC];
	_ =	sdelay $0x3  }
0x94: {  	_ =	strace s2  }
0x95: {  	s2 =	sld [smem:$0x3FFD];
	_ =	sdelay $0x3  }
0x96: {  	_ =	strace s2  }
0x97: {  	_ =	strace $0x8FFFFFFF  }
0x98: {  	s18 =	sld [smem:$0x3FDB];
	_ =	sdelay $0x1  }
0x99: {  	s19 =	simm.s32 $_scs_section_size  }
0x9a: {  	s4 =	simm.s32 $_size__tile_overlayer_lowered;
	s5 =	simm.s32 $_tile_overlayer_lowered  }
0x9b: {  	s22 =	simm.s32 $0x1BFF;
	s21 =	sshll.u32 s5, $0x1;
	s2 =	sadd.s32 s19, s18  }
0x9c: {  	s6 =	simm.s32 $0x0;
	s20 =	sshll.u32 s4, $0x1;
	s4 =	sadd.s32 s21, s2  }
0x9d: {  	[timem:s6], [sflag:s22] =	dma.local [hbm:s4], s20  }
0x9e: {  	_ =	swait.ge [sflag:s22], s20  }
0x9f: {  	s3 =	ssub.s32 $0x0, s20;
	[sflag:s22] =	ssyncset.done $0x0  }
0xa0: {  	[sflag:s22] =	ssyncadd.s32 s3;
	_ =	sdelay $0x1  }
0xa1: {  	s23 =	simm.s32 $0x1B8B  }
0xa2: {  	_ =	swait.ge [sflag:s23], $0x1  }
0xa3: {  	[sflag:s23] =	ssyncset.done $0x0  }
0xa4: {  	s25 =	simm.s32 $0x1B8E;
	s24 =	sld [smem:$0x3FFE];
	[sflag:s23] =	ssyncadd.s32 $0xFFFFFFFF  }
0xa5: {  	s26 =	simm.s32 $execute0_lowered;
	[smem:$0x3FD2] =	sst s25  }
0xa6: {  	s4 =	sshll.u32 s26, $0x1;
	_ =	strace $0x8000004C;
	[dreg:$0x1] =	wrdreg $0xFFFFFFFF  }
0xa7: {  	s28 =	simm.s32 $_size_execute0_lowered;
	s2 =	sadd.s32 s2, s4;
	[dreg:$0x0] =	wrdreg $0x0  }
0xa8: {  	s4 =	sshll.u32 s28, $0x1;
	[dreg:$0x2] =	wrdreg s2  }
0xa9: {  	[dreg:$0x3] =	wrdreg s4  }
0xaa: {  	[dreg:$0x4] =	wrdreg $0xC0  }
0xab: {  	_ =	task [dreg:s6], $0x5FFFF  }
0xac: {  	[dreg:$0x1] =	wrdreg $0xFFFFFFFF  }
0xad: {  	[dreg:$0x0] =	wrdreg $0x60  }
0xae: {  	[dreg:$0x2] =	wrdreg s24  }
0xaf: {  	[dreg:$0x3] =	wrdreg $0xB  }
0xb0: {  	_ =	task.clear_ibuf [dreg:s6], $0x4FFFF;
	_ =	strace $0x9000004C  }
0xb1: {  	s29 =	simm.s32 $0xB;
	_ =	strace $0x8000004E  }
0xb2: {  	_ =	swait.ge [sflag:s29], $0x1  }
0xb3: {  	[sflag:s29] =	ssyncadd.s32 $0xFFFFFFFF  }
0xb4: {  	_ =	strace $0x9000004E  }
0xb5: {  	_ =	sfence  }
0xb6: {  	s30 =	sld [smem:$0x0];
	_ =	sdelay $0x2  }
0xb7: {  	s31 =	sshll.u32 s1, $0xD;
	s1 =	sshrl.u32 s1, $0x2  }
0xb8: {  	s3 =	sand.u32 $0x4000, s31;
	s1 =	sadd.s32 s1, s30  }
0xb9: {  	s0 =	sor.u32 s3, s0;
	s1 =	sshll.u32 s1, $0x11  }
0xba: {  	s0 =	sor.u32 s1, s0  }
0xbb: {  	s0 =	sadd.s32 $0x8F2B, s0  }
0xbc: {  	[sflag:s0] =	ssyncadd.remote.s32 $0x1  }
0xbd: {  	_ =	sfence.sel $0xFFFF  }
0xbe: {  	[dreg:$0x0] =	wrdreg $0xFFFFFFFF;
	(pc) =	sbr.abs _section_cstart, $3  }
0xbf: {  	[dreg:$0x1] =	wrdreg $0xFFFFFFFF  }
0xc0: {  	_ =	task.clear_ibuf [dreg:s6], $0x2FFFF;
	_ =	strace $0x9FFFFFFF  }
0xc1: {  	(tm) =	ssettm $0x7FFFFFFF  }
tec
execute0_lowered:
.L_overlay_start_1:
0x0: {  	(tag) =	ssettag $0x1  }
0x1: {  	s4 =	rddreg [dreg:$0x0]  }
0x2: {  	s0 =	rddreg [dreg:$0x1];
	s2 =	simm.s32 $0x0;
	s5 =	srdreg.scid  }
0x3: {  	s1 =	stileid.u32;
	s10 =	simm.s32 $0x0;
	[smem:$0x7FF] =	sst s2  }
0x4: {  	s3 =	sadd.s32 $0x31400, s4;
	s5 =	sand.u32 $0x1, s5;
	s6 =	sshll.u32 s1, $0xD  }
0x5: {  	s8 =	smul.u32 $0x14000, s1;
	_ =	strace $0x8000004D;
	s7 =	sshll.u32 s5, $0xC  }
0x6: {  	s9 =	ssub.s32 $0x2, s5;
	s5 =	smul.u32 $0xA000, s5;
	s6 =	sor.u32 s7, s6  }
0x7: {  	s30 =	sshrl.u32 s9, $0x1;
	s8 =	sadd.s32 s8, s4;
	s6 =	sshrl.u32 s6, $0x3  }
0x8: {  	s7 =	ssub.s32 s9, s30;
	s31 =	sadd.s32 s5, s8;
	s8 =	simm.s32 $0x80  }
0x9: {  	s9 =	simm.s32 $0x1;
	s6 =	sadd.s32 s6, s4;
	s4 =	smax.u32 s7, $0x1  }
0xa: {  	s7 =	simm.s32 $0x2;
	s5 =	sadd.s32 $0x2D400, s6;
	s6 =	sadd.s32 $0xC5400, s31  }
.LBB2_1:
0xb: {  	s11 =	sadd.s32 $0x0, s5  }
0xc: {  	[tilespmem:s2], [sflag:$0x2] =	stream.linear.gather [hbm4b:s11+s2], $0x80, $0x38;
	[tilespmem:$0x2880] =	vst v63  }
0xd: {  	_ =	swait.ge [sflag:s7], $0x80  }
0xe: {  	[sflag:s7] =	ssyncset.done $0x0  }
0xf: {  	[sflag:s7] =	ssyncadd.s32 $0xFFFFFF80  }
0x10: {  	[tilespmem:s8], [sflag:$0x1] =	stream.indirect.gather [hbm4b:s3+s8], $0x50, s2, s8, $0xb8;
	[tilespmem:$0x2880] =	vst v63  }
0x11: {  	_ =	swait.ge [sflag:s9], $0x2800  }
0x12: {  	[sflag:s9] =	ssyncset.done $0x0  }
0x13: {  	[sflag:s9] =	ssyncadd.s32 $0xFFFFD800  }
0x14: {  	[hbm4b:s6+s2] =	stream.linear.scatter [tilespmem:s8], [sflag:$0x2], $0x2800, $0x38;
	[tilespmem:$0x2880] =	vst v63  }
0x15: {  	s12 =	simm.s32 $0x10;
	_ =	swait.ge [sflag:s7], $0x2800  }
0x16: {  	s13 =	simm.s32 $0x20;
	s11 =	sadd.s32 $0x500, s6;
	[sflag:s7] =	ssyncset.done $0x0  }
.LBB2_2:
0x17: {  	s14 =	sadd.s32 s12, s5  }
0x18: {  	[sflag:s7] =	ssyncadd.s32 $0xFFFFD800;
	s12 =	smov.u32 s13;
	s15 =	sadd.s32 $0x10, s13  }
0x19: {  	[tilespmem:s2], [sflag:$0x2] =	stream.linear.gather [hbm4b:s14+s2], $0x80, $0x38;
	[tilespmem:$0x2880] =	vst v63  }
0x1a: {  	p0 =	sne.s32 s13, $0x1F0;
	_ =	swait.ge [sflag:s7], $0x80  }
0x1b: {  	[sflag:s7] =	ssyncset.done $0x0  }
0x1c: {  	[sflag:s7] =	ssyncadd.s32 $0xFFFFFF80  }
0x1d: {  	[tilespmem:s8], [sflag:$0x1] =	stream.indirect.gather [hbm4b:s3+s8], $0x50, s2, s8, $0xb8;
	[tilespmem:$0x2880] =	vst v63  }
0x1e: {  	_ =	swait.ge [sflag:s9], $0x2800  }
.Ltmp0:
0x1f: {  	[sflag:s9] =	ssyncset.done $0x0;
	(pc) =	sbr.rel @p0 .LBB2_2-.Ltmp0, $4  }
0x20: {  	[sflag:s9] =	ssyncadd.s32 $0xFFFFD800  }
0x21: {  	[hbm4b:s11+s2] =	stream.linear.scatter [tilespmem:s8], [sflag:$0x2], $0x2800, $0x38;
	[tilespmem:$0x2880] =	vst v63  }
0x22: {  	_ =	swait.ge [sflag:s7], $0x2800  }
0x23: {  	s13 =	smov.u32 s15;
	s11 =	sadd.s32 $0x500, s11;
	[sflag:s7] =	ssyncset.done $0x0  }
0x24: {  	s12 =	sadd.s32 s12, s5;
	[sflag:s7] =	ssyncadd.s32 $0xFFFFD800  }
0x25: {  	[tilespmem:s2], [sflag:$0x2] =	stream.linear.gather [hbm4b:s12+s2], $0x80, $0x38;
	[tilespmem:$0x2880] =	vst v63  }
0x26: {  	_ =	swait.ge [sflag:s7], $0x80  }
0x27: {  	[sflag:s7] =	ssyncset.done $0x0  }
0x28: {  	[sflag:s7] =	ssyncadd.s32 $0xFFFFFF80  }
0x29: {  	[tilespmem:s8], [sflag:$0x1] =	stream.indirect.gather [hbm4b:s3+s8], $0x50, s2, s8, $0xb8;
	[tilespmem:$0x2880] =	vst v63  }
0x2a: {  	s10 =	sadd.s32 $0x1, s10;
	_ =	swait.ge [sflag:s9], $0x2800  }
0x2b: {  	p0 =	sne.s32 s10, s4;
	[sflag:s9] =	ssyncset.done $0x0  }
.Ltmp1:
0x2c: {  	[sflag:s9] =	ssyncadd.s32 $0xFFFFD800;
	(pc) =	sbr.rel @p0 .LBB2_1-.Ltmp1, $4  }
0x2d: {  	[hbm4b:s11+s2] =	stream.linear.scatter [tilespmem:s8], [sflag:$0x2], $0x2800, $0x38;
	[tilespmem:$0x2880] =	vst v63  }
0x2e: {  	_ =	swait.ge [sflag:s7], $0x2800  }
0x2f: {  	[sflag:s7] =	ssyncset.done $0x0  }
0x30: {  	[sflag:s7] =	ssyncadd.s32 $0xFFFFD800  }
0x31: {  	_ =	sfence.sel $0x180000  }
0x32: {  	[bflag:$0x0] =	sbarrier.arrive $0xFFFF  }
0x33: {  	p0 =	sne.s32 s1, $0x0;
	_ =	strace $0x9000004D  }
0x34: {  	s0 =	sadd.s32 @!p0 $0x100000, s0;
	[bflag:$0x2] =	sbarrier.arrive $0xFFFF  }
0x35: {  	[sflag:s0] =	ssyncadd.tile.s32 @!p0 $0x1;
	_ =	shalt  }
.Lfunc_end2:
_tile_overlayer_lowered:
.L_overlay_start_2:
0x36: {  	(tag) =	ssettag $0x2  }
0x37: {  	s0 =	rddreg [dreg:$0x0];
	s2 =	stileid.u32  }
0x38: {  	s1 =	rddreg [dreg:$0x1];
	p0 =	sne.s32 s2, $0x0  }
0x39: {  	s3 =	rddreg [dreg:$0x2];
	[bflag:$0x3] =	sbarrier.arrive $0xFFFF;
	s2 =	simm.s32 @!p0 $0x1C02  }
0x3a: {  	[timem:s3], [sflag:s2] =	dma.local @!p0 [hbm:s0], s1  }
0x3b: {  	s0 =	simm.s32 @!p0 $0x2  }
0x3c: {  	_ =	swait.ge @!p0 [sflag:s0], s1  }
0x3d: {  	s1 =	ssub.s32 @!p0 $0x0, s1;
	[sflag:s0] =	ssyncset.done @!p0 $0x0  }
0x3e: {  	[sflag:s0] =	ssyncadd.s32 @!p0 s1  }
0x3f: {  	[bflag:$0x3] =	sbarrier.arrive $0xFFFF  }
0x40: {  	_ =	shalt  }

// kernel: kernel.41.cloned.1.call-start
scs
__scs_entry_jumppad:
0x0: {  	(pc) =	sbr.rel $0x88, $3  }
0x1: {  	(tag) =	ssettag $0x0;
	lr =	simm.s32 $0x1  }
0x2: {  	[smem:$0x3F6D] =	sst lr;
	_ =	strace $0xD0000000  }
0x3: {  	_ = 	snop  }
0x4: {  	_ = 	snop  }
0x5: {  	_ = 	snop  }
0x6: {  	_ = 	snop  }
0x7: {  	_ = 	snop  }
__scs_overlays_trampoline_lowered:
0x8: {  	[smem:$0x3F7C] =	sst s0  }
0x9: {  	[smem:$0x3F7D] =	sst s1  }
0xa: {  	[smem:$0x3F7E] =	sst s2  }
0xb: {  	[smem:$0x3F7F] =	sst s3  }
0xc: {  	[smem:$0x3F80] =	sst s4  }
0xd: {  	[smem:$0x3F81] =	sst s5  }
0xe: {  	[smem:$0x3F82] =	sst s6  }
0xf: {  	[smem:$0x3F83] =	sst s7  }
0x10: {  	[smem:$0x3F84] =	sst s8  }
0x11: {  	[smem:$0x3F85] =	sst s9;
	s0 =	simm.s32 @!p0 $0x0  }
0x12: {  	s1 =	sld [smem:$0x3F6B];
	s0 =	simm.s32 @p0 $0x1  }
0x13: {  	[smem:$0x3F86] =	sst s0;
	s0 =	simm.s32 @!p1 $0x0  }
0x14: {  	s2 =	sld [smem:$0x3F6A];
	s0 =	simm.s32 @p1 $0x1  }
0x15: {  	[smem:$0x3F87] =	sst s0;
	s0 =	simm.s32 @!p2 $0x0  }
0x16: {  	s3 =	sld [smem:$0x3FDB];
	s0 =	simm.s32 @p2 $0x1  }
0x17: {  	s4 =	simm.s32 $0x1BF5;
	[smem:$0x3F89] =	sst s0  }
0x18: {  	s0 =	sld [smem:$0x3F6C];
	_ =	swait.ge [sflag:s4], $0x0  }
0x19: {  	s7 =	sld [smem:$0x3F6D]  }
0x1a: {  	s8 =	sadd.s32 $0xFFFFE003, lr  }
0x1b: {  	s9 =	sadd.s32 $0xFFFFFEF7, lr;
	s5 =	simm.s32 $0xFFFFFFFF;
	p2 =	slt.u32 s8, $0xFFFFF086  }
0x1c: {  	p1 =	slt.u32 s9, $0xF7A;
	s5 =	simm.s32 @!p2 $0x0  }
0x1d: {  	s5 =	simm.s32 @p1 $0x1;
	p0 =	seq.s32 s7, s2  }
0x1e: {  	s7 =	smul.u32 @!p0 $0xF7A, s2;
	p2 =	seq.s32 @!p0 s5, $0x0  }
0x1f: {  	s9 =	smul.u32 $0xF7A, s1;
	s8 =	simm.s32 @!p0 $0x1BF5;
	p2 =	por !p2, p0  }
0x20: {  	[sflag:s8] =	ssyncset.s32 @!p0 $0xFFFFF086;
	s6 =	sadd.s32 @!p0 s3, s7;
	s7 =	simm.s32 @!p0 $0x108  }
0x21: {  	s3 =	sadd.s32 s3, s9;
	s6 =	sadd.s32 @!p0 $0x88, s6;
	s7 =	simm.s32 @p2 $0x1082  }
0x22: {  	[simem:s7], [sflag:s8] =	dma.local @!p0 [hbm:s6], $0xF7A  }
0x23: {  	s9 =	sor.u32 $0xD0000000, s2;
	s6 =	simm.s32 $0x108;
	_ =	swait.ge @!p0 [sflag:s8], $0x0  }
0x24: {  	s3 =	sadd.s32 $0x88, s3;
	s6 =	simm.s32 @!p1 $0x1082;
	[sflag:s4] =	ssyncset.s32 $0xFFFFF086  }
0x25: {  	[simem:s6], [sflag:s4] =	dma.local [hbm:s3], $0xF7A  }
0x26: {  	[smem:$0x3F6D] =	sst s1;
	(tag) =	ssettag s2;
	_ =	strace s9  }
0x27: {  	s1 =	sld [smem:$0x3F7D]  }
0x28: {  	s2 =	sld [smem:$0x3F7E]  }
0x29: {  	s4 =	sld [smem:$0x3F80]  }
0x2a: {  	p0 =	seq.s32 s5, $0x0;
	s5 =	sld [smem:$0x3F81]  }
0x2b: {  	s6 =	sld [smem:$0x3F82]  }
0x2c: {  	s7 =	sld [smem:$0x3F83]  }
0x2d: {  	s3 =	simm.s32 $0x108;
	s8 =	sld [smem:$0x3F84]  }
0x2e: {  	s3 =	simm.s32 @!p0 $0x1082;
	s9 =	sld [smem:$0x3F85]  }
0x2f: {  	lr =	sadd.s32 s0, s3;
	s0 =	sld [smem:$0x3F7C]  }
0x30: {  	s3 =	sld [smem:$0x3F7F]  }
0x31: {  	[smem:$0x3F88] =	sst s10  }
0x32: {  	s10 =	sld [smem:$0x3F86];
	_ =	sdelay $0x3  }
0x33: {  	p0 =	seq.s32 s10, $0x1;
	s10 =	sld [smem:$0x3F88];
	_ =	sdelay $0x3  }
0x34: {  	[smem:$0x3F88] =	sst s10  }
0x35: {  	s10 =	sld [smem:$0x3F87];
	_ =	sdelay $0x3  }
0x36: {  	p1 =	seq.s32 s10, $0x1;
	s10 =	sld [smem:$0x3F88];
	_ =	sdelay $0x3  }
0x37: {  	[smem:$0x3F88] =	sst s10  }
0x38: {  	s10 =	sld [smem:$0x3F89]  }
0x39: {  	_ = 	snop;
	(pc) =	sbr.ind lr, $3  }
0x3a: {  	_ = 	snop  }
0x3b: {  	_ = 	snop  }
0x3c: {  	p2 =	seq.s32 s10, $0x1;
	s10 =	sld [smem:$0x3F88]  }
0x3d: {  	_ =	shalt  }
0x3e: {  	_ =	shalt  }
0x3f: {  	_ =	shalt  }
0x40: {  	_ =	shalt  }
0x41: {  	_ =	shalt  }
0x42: {  	_ =	shalt  }
0x43: {  	_ =	shalt  }
0x44: {  	_ =	shalt  }
0x45: {  	_ =	shalt  }
0x46: {  	_ =	shalt  }
0x47: {  	_ =	shalt  }
0x48: {  	_ =	shalt  }
0x49: {  	_ =	shalt  }
0x4a: {  	_ =	shalt  }
0x4b: {  	_ =	shalt  }
0x4c: {  	_ =	shalt  }
0x4d: {  	_ =	shalt  }
0x4e: {  	_ =	shalt  }
0x4f: {  	_ =	shalt  }
0x50: {  	_ =	shalt  }
0x51: {  	_ =	shalt  }
0x52: {  	_ =	shalt  }
0x53: {  	_ =	shalt  }
0x54: {  	_ =	shalt  }
0x55: {  	_ =	shalt  }
0x56: {  	_ =	shalt  }
0x57: {  	_ =	shalt  }
0x58: {  	_ =	shalt  }
0x59: {  	_ =	shalt  }
0x5a: {  	_ =	shalt  }
0x5b: {  	_ =	shalt  }
0x5c: {  	_ =	shalt  }
0x5d: {  	_ =	shalt  }
0x5e: {  	_ =	shalt  }
0x5f: {  	_ =	shalt  }
0x60: {  	_ =	shalt  }
0x61: {  	_ =	shalt  }
0x62: {  	_ =	shalt  }
0x63: {  	_ =	shalt  }
0x64: {  	_ =	shalt  }
0x65: {  	_ =	shalt  }
0x66: {  	_ =	shalt  }
0x67: {  	_ =	shalt  }
0x68: {  	_ =	shalt  }
0x69: {  	_ =	shalt  }
0x6a: {  	_ =	shalt  }
0x6b: {  	_ =	shalt  }
0x6c: {  	_ =	shalt  }
0x6d: {  	_ =	shalt  }
0x6e: {  	_ =	shalt  }
0x6f: {  	_ =	shalt  }
0x70: {  	_ =	shalt  }
0x71: {  	_ =	shalt  }
0x72: {  	_ =	shalt  }
0x73: {  	_ =	shalt  }
0x74: {  	_ =	shalt  }
0x75: {  	_ =	shalt  }
0x76: {  	_ =	shalt  }
0x77: {  	_ =	shalt  }
0x78: {  	_ =	shalt  }
0x79: {  	_ =	shalt  }
0x7a: {  	_ =	shalt  }
0x7b: {  	_ =	shalt  }
0x7c: {  	_ =	shalt  }
0x7d: {  	_ =	shalt  }
0x7e: {  	_ =	shalt  }
0x7f: {  	_ =	shalt  }
0x80: {  	_ =	shalt  }
0x81: {  	_ =	shalt  }
0x82: {  	_ =	shalt  }
0x83: {  	_ =	shalt  }
0x84: {  	_ =	shalt  }
0x85: {  	_ =	shalt  }
0x86: {  	_ =	shalt  }
0x87: {  	_ =	shalt  }
.Lfunc_end0:
.L_simem_size_0:
called_computation.3_lowered:
.L_overlay_start_0:
0x88: {  	s2 =	sld [smem:$0x3FD9]  }
0x89: {  	s3 =	sld [smem:$0x3FFE];
	_ =	sdelay $0x1  }
0x8a: {  	s1 =	srdreg.scid  }
0x8b: {  	s0 =	sand.u32 $0x1, s1  }
0x8c: {  	s17 =	sshll.u32 s0, $0xA;
	s2 =	sadd.s32 s3, s2  }
0x8d: {  	s2 =	sadd.s32 s2, s17  }
0x8e: {  	[smem:$0x3F94] =	sst s2  }
0x8f: {  	_ = 	snop  }
0x90: {  	(tm) =	ssettm $0x1  }
0x91: {  	s18 =	sld [smem:$0x3FFB];
	_ =	sdelay $0x3  }
0x92: {  	_ =	strace s18  }
0x93: {  	s2 =	sld [smem:$0x3FFC];
	_ =	sdelay $0x3  }
0x94: {  	_ =	strace s2  }
0x95: {  	s2 =	sld [smem:$0x3FFD];
	_ =	sdelay $0x3  }
0x96: {  	_ =	strace s2  }
0x97: {  	_ =	strace $0x8FFFFFFF  }
0x98: {  	s19 =	sld [smem:$0x3FDB];
	_ =	sdelay $0x1  }
0x99: {  	s20 =	simm.s32 $_scs_section_size  }
0x9a: {  	s4 =	simm.s32 $_size__tile_overlayer_lowered;
	s5 =	simm.s32 $_tile_overlayer_lowered  }
0x9b: {  	s6 =	simm.s32 $0x1BFF;
	s21 =	sshll.u32 s5, $0x1;
	s3 =	sadd.s32 s20, s19  }
0x9c: {  	s22 =	simm.s32 $0x0;
	s4 =	sshll.u32 s4, $0x1;
	s5 =	sadd.s32 s21, s3  }
0x9d: {  	[timem:s22], [sflag:s6] =	dma.local [hbm:s5], s4  }
0x9e: {  	_ =	swait.ge [sflag:s6], s4  }
0x9f: {  	s4 =	ssub.s32 $0x0, s4;
	[sflag:s6] =	ssyncset.done $0x0  }
0xa0: {  	[sflag:s6] =	ssyncadd.s32 s4;
	_ =	sdelay $0x1  }
0xa1: {  	s23 =	simm.s32 $0x1B8B  }
0xa2: {  	_ =	swait.ge [sflag:s23], $0x1  }
0xa3: {  	[sflag:s23] =	ssyncset.done $0x0  }
0xa4: {  	[sflag:s23] =	ssyncadd.s32 $0xFFFFFFFF  }
0xa5: {  	s4 =	sld [smem:$0x0]  }
0xa6: {  	s5 =	sand.u32 $0xFFFFFFFE, s1  }
0xa7: {  	p0 =	sne.s32 s1, s5  }
0xa8: {  	s5 =	sshll.u32 @p0 s5, $0xE  }
0xa9: {  	s5 =	sadd.s32 @p0 $0x11B8D, s5;
	s6 =	sshll.u32 @p0 s4, $0x11  }
0xaa: {  	s5 =	sor.u32 @p0 s6, s5  }
0xab: {  	[sflag:s5] =	ssyncadd.remote.s32 @p0 $0x1;
	_ =	sdelay $0x1  }
0xac: {  	s5 =	simm.s32 @p0 $0x1B8D  }
0xad: {  	_ =	swait.eq @p0 [sflag:s5], $0x1  }
0xae: {  	[sflag:s5] =	ssyncadd.s32 @p0 $0xFFFFFFFF  }
0xaf: {  	s6 =	sshll.u32 @!p0 s1, $0xE  }
0xb0: {  	s6 =	sor.u32 @!p0 $0x4000, s6;
	s5 =	simm.s32 @!p0 $0x1B8D  }
0xb1: {  	s4 =	sshll.u32 @!p0 s4, $0x11;
	s6 =	sadd.s32 @!p0 $0x11B8D, s6;
	_ =	swait.eq @!p0 [sflag:s5], $0x1  }
0xb2: {  	s4 =	sor.u32 @!p0 s4, s6;
	[sflag:s5] =	ssyncadd.s32 @!p0 $0xFFFFFFFF  }
0xb3: {  	s25 =	simm.s32 $0x1B8E;
	s24 =	sld [smem:$0x3FFE];
	[sflag:s4] =	ssyncadd.remote.s32 @!p0 $0x1  }
0xb4: {  	s26 =	simm.s32 $execute0_lowered;
	[smem:$0x3FD2] =	sst s25  }
0xb5: {  	s5 =	sshll.u32 s26, $0x1;
	_ =	strace $0x80000058;
	[dreg:$0x1] =	wrdreg $0xFFFFFFFF  }
0xb6: {  	s28 =	simm.s32 $_size_execute0_lowered;
	s3 =	sadd.s32 s3, s5;
	[dreg:$0x0] =	wrdreg $0x0  }
0xb7: {  	s5 =	sshll.u32 s28, $0x1;
	[dreg:$0x2] =	wrdreg s3  }
0xb8: {  	[dreg:$0x3] =	wrdreg s5  }
0xb9: {  	[dreg:$0x4] =	wrdreg $0xC0  }
0xba: {  	_ =	task [dreg:s22], $0x5FFFF  }
0xbb: {  	[dreg:$0x1] =	wrdreg $0xFFFFFFFF  }
0xbc: {  	[dreg:$0x0] =	wrdreg $0x60  }
0xbd: {  	[dreg:$0x2] =	wrdreg s24  }
0xbe: {  	[dreg:$0x3] =	wrdreg $0xB  }
0xbf: {  	_ =	task.clear_ibuf [dreg:s22], $0x4FFFF;
	_ =	strace $0x90000058  }
0xc0: {  	s29 =	simm.s32 $0xB;
	_ =	strace $0x8000005A  }
0xc1: {  	_ =	swait.ge [sflag:s29], $0x1  }
0xc2: {  	[sflag:s29] =	ssyncadd.s32 $0xFFFFFFFF  }
0xc3: {  	_ =	strace $0x9000005A  }
0xc4: {  	_ =	sfence  }
0xc5: {  	s30 =	sld [smem:$0x0];
	_ =	sdelay $0x2  }
0xc6: {  	s31 =	sshll.u32 s1, $0xD;
	s1 =	sshrl.u32 s1, $0x2  }
0xc7: {  	s4 =	sand.u32 $0x4000, s31;
	s1 =	sadd.s32 s1, s30  }
0xc8: {  	s0 =	sor.u32 s4, s0;
	s1 =	sshll.u32 s1, $0x11  }
0xc9: {  	s0 =	sor.u32 s1, s0  }
0xca: {  	s0 =	sadd.s32 $0x8F2B, s0  }
0xcb: {  	[sflag:s0] =	ssyncadd.remote.s32 $0x1  }
0xcc: {  	_ =	sfence.sel $0xFFFF  }
0xcd: {  	[dreg:$0x0] =	wrdreg $0xFFFFFFFF;
	(pc) =	sbr.abs _section_cstart, $3  }
0xce: {  	[dreg:$0x1] =	wrdreg $0xFFFFFFFF  }
0xcf: {  	_ =	task.clear_ibuf [dreg:s22], $0x2FFFF;
	_ =	strace $0x9FFFFFFF  }
0xd0: {  	(tm) =	ssettm $0x7FFFFFFF  }
0xd1: {  	_ =	shalt  }
tec
execute0_lowered:
.L_overlay_start_1:
0x0: {  	(tag) =	ssettag $0x1  }
0x1: {  	s4 =	rddreg [dreg:$0x0]  }
0x2: {  	s0 =	rddreg [dreg:$0x1];
	s2 =	simm.s32 $0x0;
	s3 =	srdreg.scid  }
0x3: {  	s1 =	stileid.u32;
	s10 =	simm.s32 $0x0;
	[smem:$0x7FF] =	sst s2  }
0x4: {  	s5 =	sand.u32 $0x1, s3;
	s6 =	sshll.u32 s1, $0xD;
	s3 =	sadd.s32 $0x105400, s4  }
0x5: {  	s8 =	sshll.u32 s1, $0x12;
	_ =	strace $0x80000059;
	s7 =	sshll.u32 s5, $0xC  }
0x6: {  	s31 =	ssub.s32 $0x2, s5;
	s8 =	sadd.s32 s8, s4;
	s5 =	sshll.u32 s5, $0x11  }
0x7: {  	s6 =	sor.u32 s7, s6;
	s9 =	sshrl.u32 s31, $0x1;
	s5 =	sadd.s32 s5, s8  }
0x8: {  	s8 =	simm.s32 $0x80;
	s6 =	sshrl.u32 s6, $0x3;
	s7 =	ssub.s32 s31, s9  }
0x9: {  	s5 =	sadd.s32 $0x645400, s5;
	s9 =	simm.s32 $0x1;
	s6 =	sadd.s32 s6, s4  }
0xa: {  	s4 =	smax.u32 s7, $0x1;
	s7 =	simm.s32 $0x2;
	s6 =	sadd.s32 $0x15400, s6  }
.LBB2_1:
0xb: {  	s11 =	sadd.s32 $0x0, s6  }
0xc: {  	[tilespmem:s2], [sflag:$0x2] =	stream.linear.gather [hbm4b:s11+s2], $0x80, $0x38;
	[tilespmem:$0x8080] =	vst v63  }
0xd: {  	_ =	swait.ge [sflag:s7], $0x80  }
0xe: {  	[sflag:s7] =	ssyncset.done $0x0  }
0xf: {  	[sflag:s7] =	ssyncadd.s32 $0xFFFFFF80  }
0x10: {  	[tilespmem:s8], [sflag:$0x1] =	stream.indirect.gather [hbm4b:s3+s8], $0x100, s2, s8, $0xb8;
	[tilespmem:$0x8080] =	vst v63  }
0x11: {  	_ =	swait.ge [sflag:s9], $0x8000  }
0x12: {  	[sflag:s9] =	ssyncset.done $0x0  }
0x13: {  	[sflag:s9] =	ssyncadd.s32 $0xFFFF8000  }
0x14: {  	[hbm4b:s5+s2] =	stream.linear.scatter [tilespmem:s8], [sflag:$0x2], $0x8000, $0x38;
	[tilespmem:$0x8080] =	vst v63  }
0x15: {  	s12 =	simm.s32 $0x10;
	_ =	swait.ge [sflag:s7], $0x8000  }
0x16: {  	s13 =	simm.s32 $0x20;
	s11 =	sadd.s32 $0x1000, s5;
	[sflag:s7] =	ssyncset.done $0x0  }
.LBB2_2:
0x17: {  	s14 =	sadd.s32 s12, s6  }
0x18: {  	[sflag:s7] =	ssyncadd.s32 $0xFFFF8000;
	s12 =	smov.u32 s13;
	s15 =	sadd.s32 $0x10, s13  }
0x19: {  	[tilespmem:s2], [sflag:$0x2] =	stream.linear.gather [hbm4b:s14+s2], $0x80, $0x38;
	[tilespmem:$0x8080] =	vst v63  }
0x1a: {  	p0 =	sne.s32 s13, $0x1F0;
	_ =	swait.ge [sflag:s7], $0x80  }
0x1b: {  	[sflag:s7] =	ssyncset.done $0x0  }
0x1c: {  	[sflag:s7] =	ssyncadd.s32 $0xFFFFFF80  }
0x1d: {  	[tilespmem:s8], [sflag:$0x1] =	stream.indirect.gather [hbm4b:s3+s8], $0x100, s2, s8, $0xb8;
	[tilespmem:$0x8080] =	vst v63  }
0x1e: {  	_ =	swait.ge [sflag:s9], $0x8000  }
.Ltmp0:
0x1f: {  	[sflag:s9] =	ssyncset.done $0x0;
	(pc) =	sbr.rel @p0 .LBB2_2-.Ltmp0, $4  }
0x20: {  	[sflag:s9] =	ssyncadd.s32 $0xFFFF8000  }
0x21: {  	[hbm4b:s11+s2] =	stream.linear.scatter [tilespmem:s8], [sflag:$0x2], $0x8000, $0x38;
	[tilespmem:$0x8080] =	vst v63  }
0x22: {  	_ =	swait.ge [sflag:s7], $0x8000  }
0x23: {  	s13 =	smov.u32 s15;
	s11 =	sadd.s32 $0x1000, s11;
	[sflag:s7] =	ssyncset.done $0x0  }
0x24: {  	s12 =	sadd.s32 s12, s6;
	[sflag:s7] =	ssyncadd.s32 $0xFFFF8000  }
0x25: {  	[tilespmem:s2], [sflag:$0x2] =	stream.linear.gather [hbm4b:s12+s2], $0x80, $0x38;
	[tilespmem:$0x8080] =	vst v63  }
0x26: {  	_ =	swait.ge [sflag:s7], $0x80  }
0x27: {  	[sflag:s7] =	ssyncset.done $0x0  }
0x28: {  	[sflag:s7] =	ssyncadd.s32 $0xFFFFFF80  }
0x29: {  	[tilespmem:s8], [sflag:$0x1] =	stream.indirect.gather [hbm4b:s3+s8], $0x100, s2, s8, $0xb8;
	[tilespmem:$0x8080] =	vst v63  }
0x2a: {  	s10 =	sadd.s32 $0x1, s10;
	_ =	swait.ge [sflag:s9], $0x8000  }
0x2b: {  	p0 =	sne.s32 s10, s4;
	[sflag:s9] =	ssyncset.done $0x0  }
.Ltmp1:
0x2c: {  	[sflag:s9] =	ssyncadd.s32 $0xFFFF8000;
	(pc) =	sbr.rel @p0 .LBB2_1-.Ltmp1, $4  }
0x2d: {  	[hbm4b:s11+s2] =	stream.linear.scatter [tilespmem:s8], [sflag:$0x2], $0x8000, $0x38;
	[tilespmem:$0x8080] =	vst v63  }
0x2e: {  	_ =	swait.ge [sflag:s7], $0x8000  }
0x2f: {  	[sflag:s7] =	ssyncset.done $0x0  }
0x30: {  	[sflag:s7] =	ssyncadd.s32 $0xFFFF8000  }
0x31: {  	_ =	sfence.sel $0x180000  }
0x32: {  	[bflag:$0x0] =	sbarrier.arrive $0xFFFF  }
0x33: {  	p0 =	sne.s32 s1, $0x0;
	_ =	strace $0x90000059  }
0x34: {  	s0 =	sadd.s32 @!p0 $0x100000, s0;
	[bflag:$0x2] =	sbarrier.arrive $0xFFFF  }
0x35: {  	[sflag:s0] =	ssyncadd.tile.s32 @!p0 $0x1;
	_ =	shalt  }
.Lfunc_end2:
_tile_overlayer_lowered:
.L_overlay_start_2:
0x36: {  	(tag) =	ssettag $0x2  }
0x37: {  	s0 =	rddreg [dreg:$0x0];
	s2 =	stileid.u32  }
0x38: {  	s1 =	rddreg [dreg:$0x1];
	p0 =	sne.s32 s2, $0x0  }
0x39: {  	s3 =	rddreg [dreg:$0x2];
	[bflag:$0x3] =	sbarrier.arrive $0xFFFF;
	s2 =	simm.s32 @!p0 $0x1C02  }
0x3a: {  	[timem:s3], [sflag:s2] =	dma.local @!p0 [hbm:s0], s1  }
0x3b: {  	s0 =	simm.s32 @!p0 $0x2  }
0x3c: {  	_ =	swait.ge @!p0 [sflag:s0], s1  }
0x3d: {  	s1 =	ssub.s32 @!p0 $0x0, s1;
	[sflag:s0] =	ssyncset.done @!p0 $0x0  }
0x3e: {  	[sflag:s0] =	ssyncadd.s32 @!p0 s1  }
0x3f: {  	[bflag:$0x3] =	sbarrier.arrive $0xFFFF  }
0x40: {  	_ =	shalt  }

// kernel: kernel.44.cloned.1.call-start
scs
__scs_entry_jumppad:
0x0: {  	(pc) =	sbr.rel $0x88, $3  }
0x1: {  	(tag) =	ssettag $0x0;
	lr =	simm.s32 $0x1  }
0x2: {  	[smem:$0x3F6D] =	sst lr;
	_ =	strace $0xD0000000  }
0x3: {  	_ = 	snop  }
0x4: {  	_ = 	snop  }
0x5: {  	_ = 	snop  }
0x6: {  	_ = 	snop  }
0x7: {  	_ = 	snop  }
__scs_overlays_trampoline_lowered:
0x8: {  	[smem:$0x3F7C] =	sst s0  }
0x9: {  	[smem:$0x3F7D] =	sst s1  }
0xa: {  	[smem:$0x3F7E] =	sst s2  }
0xb: {  	[smem:$0x3F7F] =	sst s3  }
0xc: {  	[smem:$0x3F80] =	sst s4  }
0xd: {  	[smem:$0x3F81] =	sst s5  }
0xe: {  	[smem:$0x3F82] =	sst s6  }
0xf: {  	[smem:$0x3F83] =	sst s7  }
0x10: {  	[smem:$0x3F84] =	sst s8  }
0x11: {  	[smem:$0x3F85] =	sst s9;
	s0 =	simm.s32 @!p0 $0x0  }
0x12: {  	s1 =	sld [smem:$0x3F6B];
	s0 =	simm.s32 @p0 $0x1  }
0x13: {  	[smem:$0x3F86] =	sst s0;
	s0 =	simm.s32 @!p1 $0x0  }
0x14: {  	s2 =	sld [smem:$0x3F6A];
	s0 =	simm.s32 @p1 $0x1  }
0x15: {  	[smem:$0x3F87] =	sst s0;
	s0 =	simm.s32 @!p2 $0x0  }
0x16: {  	s3 =	sld [smem:$0x3FDB];
	s0 =	simm.s32 @p2 $0x1  }
0x17: {  	s4 =	simm.s32 $0x1BF5;
	[smem:$0x3F89] =	sst s0  }
0x18: {  	s0 =	sld [smem:$0x3F6C];
	_ =	swait.ge [sflag:s4], $0x0  }
0x19: {  	s7 =	sld [smem:$0x3F6D]  }
0x1a: {  	s8 =	sadd.s32 $0xFFFFE003, lr  }
0x1b: {  	s9 =	sadd.s32 $0xFFFFFEF7, lr;
	s5 =	simm.s32 $0xFFFFFFFF;
	p2 =	slt.u32 s8, $0xFFFFF086  }
0x1c: {  	p1 =	slt.u32 s9, $0xF7A;
	s5 =	simm.s32 @!p2 $0x0  }
0x1d: {  	s5 =	simm.s32 @p1 $0x1;
	p0 =	seq.s32 s7, s2  }
0x1e: {  	s7 =	smul.u32 @!p0 $0xF7A, s2;
	p2 =	seq.s32 @!p0 s5, $0x0  }
0x1f: {  	s9 =	smul.u32 $0xF7A, s1;
	s8 =	simm.s32 @!p0 $0x1BF5;
	p2 =	por !p2, p0  }
0x20: {  	[sflag:s8] =	ssyncset.s32 @!p0 $0xFFFFF086;
	s6 =	sadd.s32 @!p0 s3, s7;
	s7 =	simm.s32 @!p0 $0x108  }
0x21: {  	s3 =	sadd.s32 s3, s9;
	s6 =	sadd.s32 @!p0 $0x88, s6;
	s7 =	simm.s32 @p2 $0x1082  }
0x22: {  	[simem:s7], [sflag:s8] =	dma.local @!p0 [hbm:s6], $0xF7A  }
0x23: {  	s9 =	sor.u32 $0xD0000000, s2;
	s6 =	simm.s32 $0x108;
	_ =	swait.ge @!p0 [sflag:s8], $0x0  }
0x24: {  	s3 =	sadd.s32 $0x88, s3;
	s6 =	simm.s32 @!p1 $0x1082;
	[sflag:s4] =	ssyncset.s32 $0xFFFFF086  }
0x25: {  	[simem:s6], [sflag:s4] =	dma.local [hbm:s3], $0xF7A  }
0x26: {  	[smem:$0x3F6D] =	sst s1;
	(tag) =	ssettag s2;
	_ =	strace s9  }
0x27: {  	s1 =	sld [smem:$0x3F7D]  }
0x28: {  	s2 =	sld [smem:$0x3F7E]  }
0x29: {  	s4 =	sld [smem:$0x3F80]  }
0x2a: {  	p0 =	seq.s32 s5, $0x0;
	s5 =	sld [smem:$0x3F81]  }
0x2b: {  	s6 =	sld [smem:$0x3F82]  }
0x2c: {  	s7 =	sld [smem:$0x3F83]  }
0x2d: {  	s3 =	simm.s32 $0x108;
	s8 =	sld [smem:$0x3F84]  }
0x2e: {  	s3 =	simm.s32 @!p0 $0x1082;
	s9 =	sld [smem:$0x3F85]  }
0x2f: {  	lr =	sadd.s32 s0, s3;
	s0 =	sld [smem:$0x3F7C]  }
0x30: {  	s3 =	sld [smem:$0x3F7F]  }
0x31: {  	[smem:$0x3F88] =	sst s10  }
0x32: {  	s10 =	sld [smem:$0x3F86];
	_ =	sdelay $0x3  }
0x33: {  	p0 =	seq.s32 s10, $0x1;
	s10 =	sld [smem:$0x3F88];
	_ =	sdelay $0x3  }
0x34: {  	[smem:$0x3F88] =	sst s10  }
0x35: {  	s10 =	sld [smem:$0x3F87];
	_ =	sdelay $0x3  }
0x36: {  	p1 =	seq.s32 s10, $0x1;
	s10 =	sld [smem:$0x3F88];
	_ =	sdelay $0x3  }
0x37: {  	[smem:$0x3F88] =	sst s10  }
0x38: {  	s10 =	sld [smem:$0x3F89]  }
0x39: {  	_ = 	snop;
	(pc) =	sbr.ind lr, $3  }
0x3a: {  	_ = 	snop  }
0x3b: {  	_ = 	snop  }
0x3c: {  	p2 =	seq.s32 s10, $0x1;
	s10 =	sld [smem:$0x3F88]  }
0x3d: {  	_ =	shalt  }
0x3e: {  	_ =	shalt  }
0x3f: {  	_ =	shalt  }
0x40: {  	_ =	shalt  }
0x41: {  	_ =	shalt  }
0x42: {  	_ =	shalt  }
0x43: {  	_ =	shalt  }
0x44: {  	_ =	shalt  }
0x45: {  	_ =	shalt  }
0x46: {  	_ =	shalt  }
0x47: {  	_ =	shalt  }
0x48: {  	_ =	shalt  }
0x49: {  	_ =	shalt  }
0x4a: {  	_ =	shalt  }
0x4b: {  	_ =	shalt  }
0x4c: {  	_ =	shalt  }
0x4d: {  	_ =	shalt  }
0x4e: {  	_ =	shalt  }
0x4f: {  	_ =	shalt  }
0x50: {  	_ =	shalt  }
0x51: {  	_ =	shalt  }
0x52: {  	_ =	shalt  }
0x53: {  	_ =	shalt  }
0x54: {  	_ =	shalt  }
0x55: {  	_ =	shalt  }
0x56: {  	_ =	shalt  }
0x57: {  	_ =	shalt  }
0x58: {  	_ =	shalt  }
0x59: {  	_ =	shalt  }
0x5a: {  	_ =	shalt  }
0x5b: {  	_ =	shalt  }
0x5c: {  	_ =	shalt  }
0x5d: {  	_ =	shalt  }
0x5e: {  	_ =	shalt  }
0x5f: {  	_ =	shalt  }
0x60: {  	_ =	shalt  }
0x61: {  	_ =	shalt  }
0x62: {  	_ =	shalt  }
0x63: {  	_ =	shalt  }
0x64: {  	_ =	shalt  }
0x65: {  	_ =	shalt  }
0x66: {  	_ =	shalt  }
0x67: {  	_ =	shalt  }
0x68: {  	_ =	shalt  }
0x69: {  	_ =	shalt  }
0x6a: {  	_ =	shalt  }
0x6b: {  	_ =	shalt  }
0x6c: {  	_ =	shalt  }
0x6d: {  	_ =	shalt  }
0x6e: {  	_ =	shalt  }
0x6f: {  	_ =	shalt  }
0x70: {  	_ =	shalt  }
0x71: {  	_ =	shalt  }
0x72: {  	_ =	shalt  }
0x73: {  	_ =	shalt  }
0x74: {  	_ =	shalt  }
0x75: {  	_ =	shalt  }
0x76: {  	_ =	shalt  }
0x77: {  	_ =	shalt  }
0x78: {  	_ =	shalt  }
0x79: {  	_ =	shalt  }
0x7a: {  	_ =	shalt  }
0x7b: {  	_ =	shalt  }
0x7c: {  	_ =	shalt  }
0x7d: {  	_ =	shalt  }
0x7e: {  	_ =	shalt  }
0x7f: {  	_ =	shalt  }
0x80: {  	_ =	shalt  }
0x81: {  	_ =	shalt  }
0x82: {  	_ =	shalt  }
0x83: {  	_ =	shalt  }
0x84: {  	_ =	shalt  }
0x85: {  	_ =	shalt  }
0x86: {  	_ =	shalt  }
0x87: {  	_ =	shalt  }
.Lfunc_end0:
.L_simem_size_0:
called_computation.4_lowered:
.L_overlay_start_0:
0x88: {  	s2 =	sld [smem:$0x3FD9]  }
0x89: {  	s3 =	sld [smem:$0x3FFE];
	_ =	sdelay $0x1  }
0x8a: {  	s1 =	srdreg.scid  }
0x8b: {  	s0 =	sand.u32 $0x1, s1  }
0x8c: {  	s17 =	sshll.u32 s0, $0xA;
	s2 =	sadd.s32 s3, s2  }
0x8d: {  	s2 =	sadd.s32 s2, s17  }
0x8e: {  	[smem:$0x3F94] =	sst s2  }
0x8f: {  	_ = 	snop  }
0x90: {  	(tm) =	ssettm $0x1  }
0x91: {  	s18 =	sld [smem:$0x3FFB];
	_ =	sdelay $0x3  }
0x92: {  	_ =	strace s18  }
0x93: {  	s2 =	sld [smem:$0x3FFC];
	_ =	sdelay $0x3  }
0x94: {  	_ =	strace s2  }
0x95: {  	s2 =	sld [smem:$0x3FFD];
	_ =	sdelay $0x3  }
0x96: {  	_ =	strace s2  }
0x97: {  	_ =	strace $0x8FFFFFFF  }
0x98: {  	s19 =	sld [smem:$0x3FDB];
	_ =	sdelay $0x1  }
0x99: {  	s20 =	simm.s32 $_scs_section_size  }
0x9a: {  	s4 =	simm.s32 $_size__tile_overlayer_lowered;
	s5 =	simm.s32 $_tile_overlayer_lowered  }
0x9b: {  	s6 =	simm.s32 $0x1BFF;
	s21 =	sshll.u32 s5, $0x1;
	s3 =	sadd.s32 s20, s19  }
0x9c: {  	s22 =	simm.s32 $0x0;
	s4 =	sshll.u32 s4, $0x1;
	s5 =	sadd.s32 s21, s3  }
0x9d: {  	[timem:s22], [sflag:s6] =	dma.local [hbm:s5], s4  }
0x9e: {  	_ =	swait.ge [sflag:s6], s4  }
0x9f: {  	s4 =	ssub.s32 $0x0, s4;
	[sflag:s6] =	ssyncset.done $0x0  }
0xa0: {  	[sflag:s6] =	ssyncadd.s32 s4;
	_ =	sdelay $0x1  }
0xa1: {  	s23 =	simm.s32 $0x1B8B  }
0xa2: {  	_ =	swait.ge [sflag:s23], $0x1  }
0xa3: {  	[sflag:s23] =	ssyncset.done $0x0  }
0xa4: {  	[sflag:s23] =	ssyncadd.s32 $0xFFFFFFFF  }
0xa5: {  	s4 =	sld [smem:$0x0]  }
0xa6: {  	s5 =	sand.u32 $0xFFFFFFFE, s1  }
0xa7: {  	p0 =	sne.s32 s1, s5  }
0xa8: {  	s5 =	sshll.u32 @p0 s5, $0xE  }
0xa9: {  	s5 =	sadd.s32 @p0 $0x11B8D, s5;
	s6 =	sshll.u32 @p0 s4, $0x11  }
0xaa: {  	s5 =	sor.u32 @p0 s6, s5  }
0xab: {  	[sflag:s5] =	ssyncadd.remote.s32 @p0 $0x1;
	_ =	sdelay $0x1  }
0xac: {  	s5 =	simm.s32 @p0 $0x1B8D  }
0xad: {  	_ =	swait.eq @p0 [sflag:s5], $0x1  }
0xae: {  	[sflag:s5] =	ssyncadd.s32 @p0 $0xFFFFFFFF  }
0xaf: {  	s6 =	sshll.u32 @!p0 s1, $0xE  }
0xb0: {  	s6 =	sor.u32 @!p0 $0x4000, s6;
	s5 =	simm.s32 @!p0 $0x1B8D  }
0xb1: {  	s4 =	sshll.u32 @!p0 s4, $0x11;
	s6 =	sadd.s32 @!p0 $0x11B8D, s6;
	_ =	swait.eq @!p0 [sflag:s5], $0x1  }
0xb2: {  	s4 =	sor.u32 @!p0 s4, s6;
	[sflag:s5] =	ssyncadd.s32 @!p0 $0xFFFFFFFF  }
0xb3: {  	s25 =	simm.s32 $0x1B8E;
	s24 =	sld [smem:$0x3FFE];
	[sflag:s4] =	ssyncadd.remote.s32 @!p0 $0x1  }
0xb4: {  	s26 =	simm.s32 $execute0_lowered;
	[smem:$0x3FD2] =	sst s25  }
0xb5: {  	s5 =	sshll.u32 s26, $0x1;
	_ =	strace $0x80000055;
	[dreg:$0x1] =	wrdreg $0xFFFFFFFF  }
0xb6: {  	s28 =	simm.s32 $_size_execute0_lowered;
	s3 =	sadd.s32 s3, s5;
	[dreg:$0x0] =	wrdreg $0x0  }
0xb7: {  	s5 =	sshll.u32 s28, $0x1;
	[dreg:$0x2] =	wrdreg s3  }
0xb8: {  	[dreg:$0x3] =	wrdreg s5  }
0xb9: {  	[dreg:$0x4] =	wrdreg $0xC0  }
0xba: {  	_ =	task [dreg:s22], $0x5FFFF  }
0xbb: {  	[dreg:$0x1] =	wrdreg $0xFFFFFFFF  }
0xbc: {  	[dreg:$0x0] =	wrdreg $0x60  }
0xbd: {  	[dreg:$0x2] =	wrdreg s24  }
0xbe: {  	[dreg:$0x3] =	wrdreg $0xC  }
0xbf: {  	_ =	task.clear_ibuf [dreg:s22], $0x4FFFF;
	_ =	strace $0x90000055  }
0xc0: {  	s29 =	simm.s32 $0xC;
	_ =	strace $0x80000057  }
0xc1: {  	_ =	swait.ge [sflag:s29], $0x1  }
0xc2: {  	[sflag:s29] =	ssyncadd.s32 $0xFFFFFFFF  }
0xc3: {  	_ =	strace $0x90000057  }
0xc4: {  	_ =	sfence  }
0xc5: {  	s30 =	sld [smem:$0x0];
	_ =	sdelay $0x2  }
0xc6: {  	s31 =	sshll.u32 s1, $0xD;
	s1 =	sshrl.u32 s1, $0x2  }
0xc7: {  	s4 =	sand.u32 $0x4000, s31;
	s1 =	sadd.s32 s1, s30  }
0xc8: {  	s0 =	sor.u32 s4, s0;
	s1 =	sshll.u32 s1, $0x11  }
0xc9: {  	s0 =	sor.u32 s1, s0  }
0xca: {  	s0 =	sadd.s32 $0x8F2B, s0  }
0xcb: {  	[sflag:s0] =	ssyncadd.remote.s32 $0x1  }
0xcc: {  	_ =	sfence.sel $0xFFFF  }
0xcd: {  	[dreg:$0x0] =	wrdreg $0xFFFFFFFF;
	(pc) =	sbr.abs _section_cstart, $3  }
0xce: {  	[dreg:$0x1] =	wrdreg $0xFFFFFFFF  }
0xcf: {  	_ =	task.clear_ibuf [dreg:s22], $0x2FFFF;
	_ =	strace $0x9FFFFFFF  }
0xd0: {  	(tm) =	ssettm $0x7FFFFFFF  }
0xd1: {  	_ =	shalt  }
tec
execute0_lowered:
.L_overlay_start_1:
0x0: {  	(tag) =	ssettag $0x1  }
0x1: {  	s4 =	rddreg [dreg:$0x0]  }
0x2: {  	s0 =	rddreg [dreg:$0x1];
	s2 =	simm.s32 $0x0;
	s3 =	srdreg.scid  }
0x3: {  	s1 =	stileid.u32;
	s10 =	simm.s32 $0x0;
	[smem:$0x7FF] =	sst s2  }
0x4: {  	s5 =	sand.u32 $0x1, s3;
	s6 =	sshll.u32 s1, $0xD;
	s3 =	sadd.s32 $0xC5400, s4  }
0x5: {  	s8 =	sshll.u32 s1, $0x12;
	_ =	strace $0x80000056;
	s7 =	sshll.u32 s5, $0xC  }
0x6: {  	s31 =	ssub.s32 $0x2, s5;
	s8 =	sadd.s32 s8, s4;
	s5 =	sshll.u32 s5, $0x11  }
0x7: {  	s6 =	sor.u32 s7, s6;
	s9 =	sshrl.u32 s31, $0x1;
	s5 =	sadd.s32 s5, s8  }
0x8: {  	s8 =	simm.s32 $0x80;
	s6 =	sshrl.u32 s6, $0x3;
	s7 =	ssub.s32 s31, s9  }
0x9: {  	s5 =	sadd.s32 $0x245400, s5;
	s9 =	simm.s32 $0x1;
	s6 =	sadd.s32 s6, s4  }
0xa: {  	s4 =	smax.u32 s7, $0x1;
	s7 =	simm.s32 $0x2;
	s6 =	sadd.s32 $0x11400, s6  }
.LBB2_1:
0xb: {  	s11 =	sadd.s32 $0x0, s6  }
0xc: {  	[tilespmem:s2], [sflag:$0x2] =	stream.linear.gather [hbm4b:s11+s2], $0x80, $0x38;
	[tilespmem:$0x8080] =	vst v63  }
0xd: {  	_ =	swait.ge [sflag:s7], $0x80  }
0xe: {  	[sflag:s7] =	ssyncset.done $0x0  }
0xf: {  	[sflag:s7] =	ssyncadd.s32 $0xFFFFFF80  }
0x10: {  	[tilespmem:s8], [sflag:$0x1] =	stream.indirect.gather [hbm4b:s3+s8], $0x100, s2, s8, $0xb8;
	[tilespmem:$0x8080] =	vst v63  }
0x11: {  	_ =	swait.ge [sflag:s9], $0x8000  }
0x12: {  	[sflag:s9] =	ssyncset.done $0x0  }
0x13: {  	[sflag:s9] =	ssyncadd.s32 $0xFFFF8000  }
0x14: {  	[hbm4b:s5+s2] =	stream.linear.scatter [tilespmem:s8], [sflag:$0x2], $0x8000, $0x38;
	[tilespmem:$0x8080] =	vst v63  }
0x15: {  	s12 =	simm.s32 $0x10;
	_ =	swait.ge [sflag:s7], $0x8000  }
0x16: {  	s13 =	simm.s32 $0x20;
	s11 =	sadd.s32 $0x1000, s5;
	[sflag:s7] =	ssyncset.done $0x0  }
.LBB2_2:
0x17: {  	s14 =	sadd.s32 s12, s6  }
0x18: {  	[sflag:s7] =	ssyncadd.s32 $0xFFFF8000;
	s12 =	smov.u32 s13;
	s15 =	sadd.s32 $0x10, s13  }
0x19: {  	[tilespmem:s2], [sflag:$0x2] =	stream.linear.gather [hbm4b:s14+s2], $0x80, $0x38;
	[tilespmem:$0x8080] =	vst v63  }
0x1a: {  	p0 =	sne.s32 s13, $0x1F0;
	_ =	swait.ge [sflag:s7], $0x80  }
0x1b: {  	[sflag:s7] =	ssyncset.done $0x0  }
0x1c: {  	[sflag:s7] =	ssyncadd.s32 $0xFFFFFF80  }
0x1d: {  	[tilespmem:s8], [sflag:$0x1] =	stream.indirect.gather [hbm4b:s3+s8], $0x100, s2, s8, $0xb8;
	[tilespmem:$0x8080] =	vst v63  }
0x1e: {  	_ =	swait.ge [sflag:s9], $0x8000  }
.Ltmp0:
0x1f: {  	[sflag:s9] =	ssyncset.done $0x0;
	(pc) =	sbr.rel @p0 .LBB2_2-.Ltmp0, $4  }
0x20: {  	[sflag:s9] =	ssyncadd.s32 $0xFFFF8000  }
0x21: {  	[hbm4b:s11+s2] =	stream.linear.scatter [tilespmem:s8], [sflag:$0x2], $0x8000, $0x38;
	[tilespmem:$0x8080] =	vst v63  }
0x22: {  	_ =	swait.ge [sflag:s7], $0x8000  }
0x23: {  	s13 =	smov.u32 s15;
	s11 =	sadd.s32 $0x1000, s11;
	[sflag:s7] =	ssyncset.done $0x0  }
0x24: {  	s12 =	sadd.s32 s12, s6;
	[sflag:s7] =	ssyncadd.s32 $0xFFFF8000  }
0x25: {  	[tilespmem:s2], [sflag:$0x2] =	stream.linear.gather [hbm4b:s12+s2], $0x80, $0x38;
	[tilespmem:$0x8080] =	vst v63  }
0x26: {  	_ =	swait.ge [sflag:s7], $0x80  }
0x27: {  	[sflag:s7] =	ssyncset.done $0x0  }
0x28: {  	[sflag:s7] =	ssyncadd.s32 $0xFFFFFF80  }
0x29: {  	[tilespmem:s8], [sflag:$0x1] =	stream.indirect.gather [hbm4b:s3+s8], $0x100, s2, s8, $0xb8;
	[tilespmem:$0x8080] =	vst v63  }
0x2a: {  	s10 =	sadd.s32 $0x1, s10;
	_ =	swait.ge [sflag:s9], $0x8000  }
0x2b: {  	p0 =	sne.s32 s10, s4;
	[sflag:s9] =	ssyncset.done $0x0  }
.Ltmp1:
0x2c: {  	[sflag:s9] =	ssyncadd.s32 $0xFFFF8000;
	(pc) =	sbr.rel @p0 .LBB2_1-.Ltmp1, $4  }
0x2d: {  	[hbm4b:s11+s2] =	stream.linear.scatter [tilespmem:s8], [sflag:$0x2], $0x8000, $0x38;
	[tilespmem:$0x8080] =	vst v63  }
0x2e: {  	_ =	swait.ge [sflag:s7], $0x8000  }
0x2f: {  	[sflag:s7] =	ssyncset.done $0x0  }
0x30: {  	[sflag:s7] =	ssyncadd.s32 $0xFFFF8000  }
0x31: {  	_ =	sfence.sel $0x180000  }
0x32: {  	[bflag:$0x0] =	sbarrier.arrive $0xFFFF  }
0x33: {  	p0 =	sne.s32 s1, $0x0;
	_ =	strace $0x90000056  }
0x34: {  	s0 =	sadd.s32 @!p0 $0x100000, s0;
	[bflag:$0x2] =	sbarrier.arrive $0xFFFF  }
0x35: {  	[sflag:s0] =	ssyncadd.tile.s32 @!p0 $0x1;
	_ =	shalt  }
.Lfunc_end2:
_tile_overlayer_lowered:
.L_overlay_start_2:
0x36: {  	(tag) =	ssettag $0x2  }
0x37: {  	s0 =	rddreg [dreg:$0x0];
	s2 =	stileid.u32  }
0x38: {  	s1 =	rddreg [dreg:$0x1];
	p0 =	sne.s32 s2, $0x0  }
0x39: {  	s3 =	rddreg [dreg:$0x2];
	[bflag:$0x3] =	sbarrier.arrive $0xFFFF;
	s2 =	simm.s32 @!p0 $0x1C02  }
0x3a: {  	[timem:s3], [sflag:s2] =	dma.local @!p0 [hbm:s0], s1  }
0x3b: {  	s0 =	simm.s32 @!p0 $0x2  }
0x3c: {  	_ =	swait.ge @!p0 [sflag:s0], s1  }
0x3d: {  	s1 =	ssub.s32 @!p0 $0x0, s1;
	[sflag:s0] =	ssyncset.done @!p0 $0x0  }
0x3e: {  	[sflag:s0] =	ssyncadd.s32 @!p0 s1  }
0x3f: {  	[bflag:$0x3] =	sbarrier.arrive $0xFFFF  }
0x40: {  	_ =	shalt  }

// kernel: kernel.47.cloned.1.call-start
scs
__scs_entry_jumppad:
0x0: {  	(pc) =	sbr.rel $0x88, $3  }
0x1: {  	(tag) =	ssettag $0x0;
	lr =	simm.s32 $0x1  }
0x2: {  	[smem:$0x3F6D] =	sst lr;
	_ =	strace $0xD0000000  }
0x3: {  	_ = 	snop  }
0x4: {  	_ = 	snop  }
0x5: {  	_ = 	snop  }
0x6: {  	_ = 	snop  }
0x7: {  	_ = 	snop  }
__scs_overlays_trampoline_lowered:
0x8: {  	[smem:$0x3F7C] =	sst s0  }
0x9: {  	[smem:$0x3F7D] =	sst s1  }
0xa: {  	[smem:$0x3F7E] =	sst s2  }
0xb: {  	[smem:$0x3F7F] =	sst s3  }
0xc: {  	[smem:$0x3F80] =	sst s4  }
0xd: {  	[smem:$0x3F81] =	sst s5  }
0xe: {  	[smem:$0x3F82] =	sst s6  }
0xf: {  	[smem:$0x3F83] =	sst s7  }
0x10: {  	[smem:$0x3F84] =	sst s8  }
0x11: {  	[smem:$0x3F85] =	sst s9;
	s0 =	simm.s32 @!p0 $0x0  }
0x12: {  	s1 =	sld [smem:$0x3F6B];
	s0 =	simm.s32 @p0 $0x1  }
0x13: {  	[smem:$0x3F86] =	sst s0;
	s0 =	simm.s32 @!p1 $0x0  }
0x14: {  	s2 =	sld [smem:$0x3F6A];
	s0 =	simm.s32 @p1 $0x1  }
0x15: {  	[smem:$0x3F87] =	sst s0;
	s0 =	simm.s32 @!p2 $0x0  }
0x16: {  	s3 =	sld [smem:$0x3FDB];
	s0 =	simm.s32 @p2 $0x1  }
0x17: {  	s4 =	simm.s32 $0x1BF5;
	[smem:$0x3F89] =	sst s0  }
0x18: {  	s0 =	sld [smem:$0x3F6C];
	_ =	swait.ge [sflag:s4], $0x0  }
0x19: {  	s7 =	sld [smem:$0x3F6D]  }
0x1a: {  	s8 =	sadd.s32 $0xFFFFE003, lr  }
0x1b: {  	s9 =	sadd.s32 $0xFFFFFEF7, lr;
	s5 =	simm.s32 $0xFFFFFFFF;
	p2 =	slt.u32 s8, $0xFFFFF086  }
0x1c: {  	p1 =	slt.u32 s9, $0xF7A;
	s5 =	simm.s32 @!p2 $0x0  }
0x1d: {  	s5 =	simm.s32 @p1 $0x1;
	p0 =	seq.s32 s7, s2  }
0x1e: {  	s7 =	smul.u32 @!p0 $0xF7A, s2;
	p2 =	seq.s32 @!p0 s5, $0x0  }
0x1f: {  	s9 =	smul.u32 $0xF7A, s1;
	s8 =	simm.s32 @!p0 $0x1BF5;
	p2 =	por !p2, p0  }
0x20: {  	[sflag:s8] =	ssyncset.s32 @!p0 $0xFFFFF086;
	s6 =	sadd.s32 @!p0 s3, s7;
	s7 =	simm.s32 @!p0 $0x108  }
0x21: {  	s3 =	sadd.s32 s3, s9;
	s6 =	sadd.s32 @!p0 $0x88, s6;
	s7 =	simm.s32 @p2 $0x1082  }
0x22: {  	[simem:s7], [sflag:s8] =	dma.local @!p0 [hbm:s6], $0xF7A  }
0x23: {  	s9 =	sor.u32 $0xD0000000, s2;
	s6 =	simm.s32 $0x108;
	_ =	swait.ge @!p0 [sflag:s8], $0x0  }
0x24: {  	s3 =	sadd.s32 $0x88, s3;
	s6 =	simm.s32 @!p1 $0x1082;
	[sflag:s4] =	ssyncset.s32 $0xFFFFF086  }
0x25: {  	[simem:s6], [sflag:s4] =	dma.local [hbm:s3], $0xF7A  }
0x26: {  	[smem:$0x3F6D] =	sst s1;
	(tag) =	ssettag s2;
	_ =	strace s9  }
0x27: {  	s1 =	sld [smem:$0x3F7D]  }
0x28: {  	s2 =	sld [smem:$0x3F7E]  }
0x29: {  	s4 =	sld [smem:$0x3F80]  }
0x2a: {  	p0 =	seq.s32 s5, $0x0;
	s5 =	sld [smem:$0x3F81]  }
0x2b: {  	s6 =	sld [smem:$0x3F82]  }
0x2c: {  	s7 =	sld [smem:$0x3F83]  }
0x2d: {  	s3 =	simm.s32 $0x108;
	s8 =	sld [smem:$0x3F84]  }
0x2e: {  	s3 =	simm.s32 @!p0 $0x1082;
	s9 =	sld [smem:$0x3F85]  }
0x2f: {  	lr =	sadd.s32 s0, s3;
	s0 =	sld [smem:$0x3F7C]  }
0x30: {  	s3 =	sld [smem:$0x3F7F]  }
0x31: {  	[smem:$0x3F88] =	sst s10  }
0x32: {  	s10 =	sld [smem:$0x3F86];
	_ =	sdelay $0x3  }
0x33: {  	p0 =	seq.s32 s10, $0x1;
	s10 =	sld [smem:$0x3F88];
	_ =	sdelay $0x3  }
0x34: {  	[smem:$0x3F88] =	sst s10  }
0x35: {  	s10 =	sld [smem:$0x3F87];
	_ =	sdelay $0x3  }
0x36: {  	p1 =	seq.s32 s10, $0x1;
	s10 =	sld [smem:$0x3F88];
	_ =	sdelay $0x3  }
0x37: {  	[smem:$0x3F88] =	sst s10  }
0x38: {  	s10 =	sld [smem:$0x3F89]  }
0x39: {  	_ = 	snop;
	(pc) =	sbr.ind lr, $3  }
0x3a: {  	_ = 	snop  }
0x3b: {  	_ = 	snop  }
0x3c: {  	p2 =	seq.s32 s10, $0x1;
	s10 =	sld [smem:$0x3F88]  }
0x3d: {  	_ =	shalt  }
0x3e: {  	_ =	shalt  }
0x3f: {  	_ =	shalt  }
0x40: {  	_ =	shalt  }
0x41: {  	_ =	shalt  }
0x42: {  	_ =	shalt  }
0x43: {  	_ =	shalt  }
0x44: {  	_ =	shalt  }
0x45: {  	_ =	shalt  }
0x46: {  	_ =	shalt  }
0x47: {  	_ =	shalt  }
0x48: {  	_ =	shalt  }
0x49: {  	_ =	shalt  }
0x4a: {  	_ =	shalt  }
0x4b: {  	_ =	shalt  }
0x4c: {  	_ =	shalt  }
0x4d: {  	_ =	shalt  }
0x4e: {  	_ =	shalt  }
0x4f: {  	_ =	shalt  }
0x50: {  	_ =	shalt  }
0x51: {  	_ =	shalt  }
0x52: {  	_ =	shalt  }
0x53: {  	_ =	shalt  }
0x54: {  	_ =	shalt  }
0x55: {  	_ =	shalt  }
0x56: {  	_ =	shalt  }
0x57: {  	_ =	shalt  }
0x58: {  	_ =	shalt  }
0x59: {  	_ =	shalt  }
0x5a: {  	_ =	shalt  }
0x5b: {  	_ =	shalt  }
0x5c: {  	_ =	shalt  }
0x5d: {  	_ =	shalt  }
0x5e: {  	_ =	shalt  }
0x5f: {  	_ =	shalt  }
0x60: {  	_ =	shalt  }
0x61: {  	_ =	shalt  }
0x62: {  	_ =	shalt  }
0x63: {  	_ =	shalt  }
0x64: {  	_ =	shalt  }
0x65: {  	_ =	shalt  }
0x66: {  	_ =	shalt  }
0x67: {  	_ =	shalt  }
0x68: {  	_ =	shalt  }
0x69: {  	_ =	shalt  }
0x6a: {  	_ =	shalt  }
0x6b: {  	_ =	shalt  }
0x6c: {  	_ =	shalt  }
0x6d: {  	_ =	shalt  }
0x6e: {  	_ =	shalt  }
0x6f: {  	_ =	shalt  }
0x70: {  	_ =	shalt  }
0x71: {  	_ =	shalt  }
0x72: {  	_ =	shalt  }
0x73: {  	_ =	shalt  }
0x74: {  	_ =	shalt  }
0x75: {  	_ =	shalt  }
0x76: {  	_ =	shalt  }
0x77: {  	_ =	shalt  }
0x78: {  	_ =	shalt  }
0x79: {  	_ =	shalt  }
0x7a: {  	_ =	shalt  }
0x7b: {  	_ =	shalt  }
0x7c: {  	_ =	shalt  }
0x7d: {  	_ =	shalt  }
0x7e: {  	_ =	shalt  }
0x7f: {  	_ =	shalt  }
0x80: {  	_ =	shalt  }
0x81: {  	_ =	shalt  }
0x82: {  	_ =	shalt  }
0x83: {  	_ =	shalt  }
0x84: {  	_ =	shalt  }
0x85: {  	_ =	shalt  }
0x86: {  	_ =	shalt  }
0x87: {  	_ =	shalt  }
.Lfunc_end0:
.L_simem_size_0:
called_computation.5_lowered:
.L_overlay_start_0:
0x88: {  	s2 =	sld [smem:$0x3FD9]  }
0x89: {  	s3 =	sld [smem:$0x3FFE];
	_ =	sdelay $0x1  }
0x8a: {  	s1 =	srdreg.scid  }
0x8b: {  	s0 =	sand.u32 $0x1, s1  }
0x8c: {  	s17 =	sshll.u32 s0, $0xA;
	s2 =	sadd.s32 s3, s2  }
0x8d: {  	s2 =	sadd.s32 s2, s17  }
0x8e: {  	[smem:$0x3F94] =	sst s2  }
0x8f: {  	_ = 	snop  }
0x90: {  	(tm) =	ssettm $0x1  }
0x91: {  	s18 =	sld [smem:$0x3FFB];
	_ =	sdelay $0x3  }
0x92: {  	_ =	strace s18  }
0x93: {  	s2 =	sld [smem:$0x3FFC];
	_ =	sdelay $0x3  }
0x94: {  	_ =	strace s2  }
0x95: {  	s2 =	sld [smem:$0x3FFD];
	_ =	sdelay $0x3  }
0x96: {  	_ =	strace s2  }
0x97: {  	_ =	strace $0x8FFFFFFF  }
0x98: {  	s19 =	sld [smem:$0x3FDB];
	_ =	sdelay $0x1  }
0x99: {  	s20 =	simm.s32 $_scs_section_size  }
0x9a: {  	s4 =	simm.s32 $_size__tile_overlayer_lowered;
	s5 =	simm.s32 $_tile_overlayer_lowered  }
0x9b: {  	s6 =	simm.s32 $0x1BFF;
	s21 =	sshll.u32 s5, $0x1;
	s3 =	sadd.s32 s20, s19  }
0x9c: {  	s22 =	simm.s32 $0x0;
	s4 =	sshll.u32 s4, $0x1;
	s5 =	sadd.s32 s21, s3  }
0x9d: {  	[timem:s22], [sflag:s6] =	dma.local [hbm:s5], s4  }
0x9e: {  	_ =	swait.ge [sflag:s6], s4  }
0x9f: {  	s4 =	ssub.s32 $0x0, s4;
	[sflag:s6] =	ssyncset.done $0x0  }
0xa0: {  	[sflag:s6] =	ssyncadd.s32 s4;
	_ =	sdelay $0x1  }
0xa1: {  	s23 =	simm.s32 $0x1B8B  }
0xa2: {  	_ =	swait.ge [sflag:s23], $0x1  }
0xa3: {  	[sflag:s23] =	ssyncset.done $0x0  }
0xa4: {  	[sflag:s23] =	ssyncadd.s32 $0xFFFFFFFF  }
0xa5: {  	s4 =	sld [smem:$0x0]  }
0xa6: {  	s5 =	sand.u32 $0xFFFFFFFE, s1  }
0xa7: {  	p0 =	sne.s32 s1, s5  }
0xa8: {  	s5 =	sshll.u32 @p0 s5, $0xE  }
0xa9: {  	s5 =	sadd.s32 @p0 $0x11B8D, s5;
	s6 =	sshll.u32 @p0 s4, $0x11  }
0xaa: {  	s5 =	sor.u32 @p0 s6, s5  }
0xab: {  	[sflag:s5] =	ssyncadd.remote.s32 @p0 $0x1;
	_ =	sdelay $0x1  }
0xac: {  	s5 =	simm.s32 @p0 $0x1B8D  }
0xad: {  	_ =	swait.eq @p0 [sflag:s5], $0x1  }
0xae: {  	[sflag:s5] =	ssyncadd.s32 @p0 $0xFFFFFFFF  }
0xaf: {  	s6 =	sshll.u32 @!p0 s1, $0xE  }
0xb0: {  	s6 =	sor.u32 @!p0 $0x4000, s6;
	s5 =	simm.s32 @!p0 $0x1B8D  }
0xb1: {  	s4 =	sshll.u32 @!p0 s4, $0x11;
	s6 =	sadd.s32 @!p0 $0x11B8D, s6;
	_ =	swait.eq @!p0 [sflag:s5], $0x1  }
0xb2: {  	s4 =	sor.u32 @!p0 s4, s6;
	[sflag:s5] =	ssyncadd.s32 @!p0 $0xFFFFFFFF  }
0xb3: {  	s25 =	simm.s32 $0x1B8E;
	s24 =	sld [smem:$0x3FFE];
	[sflag:s4] =	ssyncadd.remote.s32 @!p0 $0x1  }
0xb4: {  	s26 =	simm.s32 $execute0_lowered;
	[smem:$0x3FD2] =	sst s25  }
0xb5: {  	s5 =	sshll.u32 s26, $0x1;
	_ =	strace $0x80000052;
	[dreg:$0x1] =	wrdreg $0xFFFFFFFF  }
0xb6: {  	s28 =	simm.s32 $_size_execute0_lowered;
	s3 =	sadd.s32 s3, s5;
	[dreg:$0x0] =	wrdreg $0x0  }
0xb7: {  	s5 =	sshll.u32 s28, $0x1;
	[dreg:$0x2] =	wrdreg s3  }
0xb8: {  	[dreg:$0x3] =	wrdreg s5  }
0xb9: {  	[dreg:$0x4] =	wrdreg $0xC0  }
0xba: {  	_ =	task [dreg:s22], $0x5FFFF  }
0xbb: {  	[dreg:$0x1] =	wrdreg $0xFFFFFFFF  }
0xbc: {  	[dreg:$0x0] =	wrdreg $0x60  }
0xbd: {  	[dreg:$0x2] =	wrdreg s24  }
0xbe: {  	[dreg:$0x3] =	wrdreg $0x9  }
0xbf: {  	_ =	task.clear_ibuf [dreg:s22], $0x4FFFF;
	_ =	strace $0x90000052  }
0xc0: {  	s29 =	simm.s32 $0x9;
	_ =	strace $0x80000054  }
0xc1: {  	_ =	swait.ge [sflag:s29], $0x1  }
0xc2: {  	[sflag:s29] =	ssyncadd.s32 $0xFFFFFFFF  }
0xc3: {  	_ =	strace $0x90000054  }
0xc4: {  	_ =	sfence  }
0xc5: {  	s30 =	sld [smem:$0x0];
	_ =	sdelay $0x2  }
0xc6: {  	s31 =	sshll.u32 s1, $0xD;
	s1 =	sshrl.u32 s1, $0x2  }
0xc7: {  	s4 =	sand.u32 $0x4000, s31;
	s1 =	sadd.s32 s1, s30  }
0xc8: {  	s0 =	sor.u32 s4, s0;
	s1 =	sshll.u32 s1, $0x11  }
0xc9: {  	s0 =	sor.u32 s1, s0  }
0xca: {  	s0 =	sadd.s32 $0x8F2B, s0  }
0xcb: {  	[sflag:s0] =	ssyncadd.remote.s32 $0x1  }
0xcc: {  	_ =	sfence.sel $0xFFFF  }
0xcd: {  	[dreg:$0x0] =	wrdreg $0xFFFFFFFF;
	(pc) =	sbr.abs _section_cstart, $3  }
0xce: {  	[dreg:$0x1] =	wrdreg $0xFFFFFFFF  }
0xcf: {  	_ =	task.clear_ibuf [dreg:s22], $0x2FFFF;
	_ =	strace $0x9FFFFFFF  }
0xd0: {  	(tm) =	ssettm $0x7FFFFFFF  }
0xd1: {  	_ =	shalt  }
tec
execute0_lowered:
.L_overlay_start_1:
0x0: {  	(tag) =	ssettag $0x1  }
0x1: {  	s4 =	rddreg [dreg:$0x0]  }
0x2: {  	s0 =	rddreg [dreg:$0x1];
	s2 =	simm.s32 $0x0;
	s3 =	srdreg.scid  }
0x3: {  	s1 =	stileid.u32;
	s10 =	simm.s32 $0x0;
	[smem:$0x7FF] =	sst s2  }
0x4: {  	s5 =	sand.u32 $0x1, s3;
	s6 =	sshll.u32 s1, $0xD;
	s3 =	sadd.s32 $0xD400, s4  }
0x5: {  	s8 =	sshll.u32 s1, $0xE;
	_ =	strace $0x80000053;
	s7 =	sshll.u32 s5, $0xC  }
0x6: {  	s31 =	ssub.s32 $0x2, s5;
	s8 =	sadd.s32 s8, s4;
	s5 =	sshll.u32 s5, $0xD  }
0x7: {  	s6 =	sor.u32 s7, s6;
	s9 =	sshrl.u32 s31, $0x1;
	s5 =	sadd.s32 s5, s8  }
0x8: {  	s8 =	simm.s32 $0x80;
	s6 =	sshrl.u32 s6, $0x3;
	s7 =	ssub.s32 s31, s9  }
0x9: {  	s5 =	sadd.s32 $0x205400, s5;
	s9 =	simm.s32 $0x1;
	s6 =	sadd.s32 s6, s4  }
0xa: {  	s4 =	smax.u32 s7, $0x1;
	s7 =	simm.s32 $0x2;
	s6 =	sadd.s32 $0x15400, s6  }
.LBB2_1:
0xb: {  	s11 =	sadd.s32 $0x0, s6  }
0xc: {  	[tilespmem:s2], [sflag:$0x2] =	stream.linear.gather [hbm4b:s11+s2], $0x80, $0x38;
	[tilespmem:$0x880] =	vst v63  }
0xd: {  	_ =	swait.ge [sflag:s7], $0x80  }
0xe: {  	[sflag:s7] =	ssyncset.done $0x0  }
0xf: {  	[sflag:s7] =	ssyncadd.s32 $0xFFFFFF80  }
0x10: {  	[tilespmem:s8], [sflag:$0x1] =	stream.indirect.gather [hbm4b:s3+s8], $0x10, s2, s8, $0xb8;
	[tilespmem:$0x880] =	vst v63  }
0x11: {  	_ =	swait.ge [sflag:s9], $0x800  }
0x12: {  	[sflag:s9] =	ssyncset.done $0x0  }
0x13: {  	[sflag:s9] =	ssyncadd.s32 $0xFFFFF800  }
0x14: {  	[hbm4b:s5+s2] =	stream.linear.scatter [tilespmem:s8], [sflag:$0x2], $0x800, $0x38;
	[tilespmem:$0x880] =	vst v63  }
0x15: {  	s12 =	simm.s32 $0x10;
	_ =	swait.ge [sflag:s7], $0x800  }
0x16: {  	s13 =	simm.s32 $0x20;
	s11 =	sadd.s32 $0x100, s5;
	[sflag:s7] =	ssyncset.done $0x0  }
.LBB2_2:
0x17: {  	s14 =	sadd.s32 s12, s6  }
0x18: {  	[sflag:s7] =	ssyncadd.s32 $0xFFFFF800;
	s12 =	smov.u32 s13;
	s15 =	sadd.s32 $0x10, s13  }
0x19: {  	[tilespmem:s2], [sflag:$0x2] =	stream.linear.gather [hbm4b:s14+s2], $0x80, $0x38;
	[tilespmem:$0x880] =	vst v63  }
0x1a: {  	p0 =	sne.s32 s13, $0x1F0;
	_ =	swait.ge [sflag:s7], $0x80  }
0x1b: {  	[sflag:s7] =	ssyncset.done $0x0  }
0x1c: {  	[sflag:s7] =	ssyncadd.s32 $0xFFFFFF80  }
0x1d: {  	[tilespmem:s8], [sflag:$0x1] =	stream.indirect.gather [hbm4b:s3+s8], $0x10, s2, s8, $0xb8;
	[tilespmem:$0x880] =	vst v63  }
0x1e: {  	_ =	swait.ge [sflag:s9], $0x800  }
.Ltmp0:
0x1f: {  	[sflag:s9] =	ssyncset.done $0x0;
	(pc) =	sbr.rel @p0 .LBB2_2-.Ltmp0, $4  }
0x20: {  	[sflag:s9] =	ssyncadd.s32 $0xFFFFF800  }
0x21: {  	[hbm4b:s11+s2] =	stream.linear.scatter [tilespmem:s8], [sflag:$0x2], $0x800, $0x38;
	[tilespmem:$0x880] =	vst v63  }
0x22: {  	_ =	swait.ge [sflag:s7], $0x800  }
0x23: {  	s13 =	smov.u32 s15;
	s11 =	sadd.s32 $0x100, s11;
	[sflag:s7] =	ssyncset.done $0x0  }
0x24: {  	s12 =	sadd.s32 s12, s6;
	[sflag:s7] =	ssyncadd.s32 $0xFFFFF800  }
0x25: {  	[tilespmem:s2], [sflag:$0x2] =	stream.linear.gather [hbm4b:s12+s2], $0x80, $0x38;
	[tilespmem:$0x880] =	vst v63  }
0x26: {  	_ =	swait.ge [sflag:s7], $0x80  }
0x27: {  	[sflag:s7] =	ssyncset.done $0x0  }
0x28: {  	[sflag:s7] =	ssyncadd.s32 $0xFFFFFF80  }
0x29: {  	[tilespmem:s8], [sflag:$0x1] =	stream.indirect.gather [hbm4b:s3+s8], $0x10, s2, s8, $0xb8;
	[tilespmem:$0x880] =	vst v63  }
0x2a: {  	s10 =	sadd.s32 $0x1, s10;
	_ =	swait.ge [sflag:s9], $0x800  }
0x2b: {  	p0 =	sne.s32 s10, s4;
	[sflag:s9] =	ssyncset.done $0x0  }
.Ltmp1:
0x2c: {  	[sflag:s9] =	ssyncadd.s32 $0xFFFFF800;
	(pc) =	sbr.rel @p0 .LBB2_1-.Ltmp1, $4  }
0x2d: {  	[hbm4b:s11+s2] =	stream.linear.scatter [tilespmem:s8], [sflag:$0x2], $0x800, $0x38;
	[tilespmem:$0x880] =	vst v63  }
0x2e: {  	_ =	swait.ge [sflag:s7], $0x800  }
0x2f: {  	[sflag:s7] =	ssyncset.done $0x0  }
0x30: {  	[sflag:s7] =	ssyncadd.s32 $0xFFFFF800  }
0x31: {  	_ =	sfence.sel $0x180000  }
0x32: {  	[bflag:$0x0] =	sbarrier.arrive $0xFFFF  }
0x33: {  	p0 =	sne.s32 s1, $0x0;
	_ =	strace $0x90000053  }
0x34: {  	s0 =	sadd.s32 @!p0 $0x100000, s0;
	[bflag:$0x2] =	sbarrier.arrive $0xFFFF  }
0x35: {  	[sflag:s0] =	ssyncadd.tile.s32 @!p0 $0x1;
	_ =	shalt  }
.Lfunc_end2:
_tile_overlayer_lowered:
.L_overlay_start_2:
0x36: {  	(tag) =	ssettag $0x2  }
0x37: {  	s0 =	rddreg [dreg:$0x0];
	s2 =	stileid.u32  }
0x38: {  	s1 =	rddreg [dreg:$0x1];
	p0 =	sne.s32 s2, $0x0  }
0x39: {  	s3 =	rddreg [dreg:$0x2];
	[bflag:$0x3] =	sbarrier.arrive $0xFFFF;
	s2 =	simm.s32 @!p0 $0x1C02  }
0x3a: {  	[timem:s3], [sflag:s2] =	dma.local @!p0 [hbm:s0], s1  }
0x3b: {  	s0 =	simm.s32 @!p0 $0x2  }
0x3c: {  	_ =	swait.ge @!p0 [sflag:s0], s1  }
0x3d: {  	s1 =	ssub.s32 @!p0 $0x0, s1;
	[sflag:s0] =	ssyncset.done @!p0 $0x0  }
0x3e: {  	[sflag:s0] =	ssyncadd.s32 @!p0 s1  }
0x3f: {  	[bflag:$0x3] =	sbarrier.arrive $0xFFFF  }
0x40: {  	_ =	shalt  }

// kernel: kernel.50.cloned.1.call-start
scs
__scs_entry_jumppad:
0x0: {  	(pc) =	sbr.rel $0x88, $3  }
0x1: {  	(tag) =	ssettag $0x0;
	lr =	simm.s32 $0x1  }
0x2: {  	[smem:$0x3F6D] =	sst lr;
	_ =	strace $0xD0000000  }
0x3: {  	_ = 	snop  }
0x4: {  	_ = 	snop  }
0x5: {  	_ = 	snop  }
0x6: {  	_ = 	snop  }
0x7: {  	_ = 	snop  }
__scs_overlays_trampoline_lowered:
0x8: {  	[smem:$0x3F7C] =	sst s0  }
0x9: {  	[smem:$0x3F7D] =	sst s1  }
0xa: {  	[smem:$0x3F7E] =	sst s2  }
0xb: {  	[smem:$0x3F7F] =	sst s3  }
0xc: {  	[smem:$0x3F80] =	sst s4  }
0xd: {  	[smem:$0x3F81] =	sst s5  }
0xe: {  	[smem:$0x3F82] =	sst s6  }
0xf: {  	[smem:$0x3F83] =	sst s7  }
0x10: {  	[smem:$0x3F84] =	sst s8  }
0x11: {  	[smem:$0x3F85] =	sst s9;
	s0 =	simm.s32 @!p0 $0x0  }
0x12: {  	s1 =	sld [smem:$0x3F6B];
	s0 =	simm.s32 @p0 $0x1  }
0x13: {  	[smem:$0x3F86] =	sst s0;
	s0 =	simm.s32 @!p1 $0x0  }
0x14: {  	s2 =	sld [smem:$0x3F6A];
	s0 =	simm.s32 @p1 $0x1  }
0x15: {  	[smem:$0x3F87] =	sst s0;
	s0 =	simm.s32 @!p2 $0x0  }
0x16: {  	s3 =	sld [smem:$0x3FDB];
	s0 =	simm.s32 @p2 $0x1  }
0x17: {  	s4 =	simm.s32 $0x1BF5;
	[smem:$0x3F89] =	sst s0  }
0x18: {  	s0 =	sld [smem:$0x3F6C];
	_ =	swait.ge [sflag:s4], $0x0  }
0x19: {  	s7 =	sld [smem:$0x3F6D]  }
0x1a: {  	s8 =	sadd.s32 $0xFFFFE003, lr  }
0x1b: {  	s9 =	sadd.s32 $0xFFFFFEF7, lr;
	s5 =	simm.s32 $0xFFFFFFFF;
	p2 =	slt.u32 s8, $0xFFFFF086  }
0x1c: {  	p1 =	slt.u32 s9, $0xF7A;
	s5 =	simm.s32 @!p2 $0x0  }
0x1d: {  	s5 =	simm.s32 @p1 $0x1;
	p0 =	seq.s32 s7, s2  }
0x1e: {  	s7 =	smul.u32 @!p0 $0xF7A, s2;
	p2 =	seq.s32 @!p0 s5, $0x0  }
0x1f: {  	s9 =	smul.u32 $0xF7A, s1;
	s8 =	simm.s32 @!p0 $0x1BF5;
	p2 =	por !p2, p0  }
0x20: {  	[sflag:s8] =	ssyncset.s32 @!p0 $0xFFFFF086;
	s6 =	sadd.s32 @!p0 s3, s7;
	s7 =	simm.s32 @!p0 $0x108  }
0x21: {  	s3 =	sadd.s32 s3, s9;
	s6 =	sadd.s32 @!p0 $0x88, s6;
	s7 =	simm.s32 @p2 $0x1082  }
0x22: {  	[simem:s7], [sflag:s8] =	dma.local @!p0 [hbm:s6], $0xF7A  }
0x23: {  	s9 =	sor.u32 $0xD0000000, s2;
	s6 =	simm.s32 $0x108;
	_ =	swait.ge @!p0 [sflag:s8], $0x0  }
0x24: {  	s3 =	sadd.s32 $0x88, s3;
	s6 =	simm.s32 @!p1 $0x1082;
	[sflag:s4] =	ssyncset.s32 $0xFFFFF086  }
0x25: {  	[simem:s6], [sflag:s4] =	dma.local [hbm:s3], $0xF7A  }
0x26: {  	[smem:$0x3F6D] =	sst s1;
	(tag) =	ssettag s2;
	_ =	strace s9  }
0x27: {  	s1 =	sld [smem:$0x3F7D]  }
0x28: {  	s2 =	sld [smem:$0x3F7E]  }
0x29: {  	s4 =	sld [smem:$0x3F80]  }
0x2a: {  	p0 =	seq.s32 s5, $0x0;
	s5 =	sld [smem:$0x3F81]  }
0x2b: {  	s6 =	sld [smem:$0x3F82]  }
0x2c: {  	s7 =	sld [smem:$0x3F83]  }
0x2d: {  	s3 =	simm.s32 $0x108;
	s8 =	sld [smem:$0x3F84]  }
0x2e: {  	s3 =	simm.s32 @!p0 $0x1082;
	s9 =	sld [smem:$0x3F85]  }
0x2f: {  	lr =	sadd.s32 s0, s3;
	s0 =	sld [smem:$0x3F7C]  }
0x30: {  	s3 =	sld [smem:$0x3F7F]  }
0x31: {  	[smem:$0x3F88] =	sst s10  }
0x32: {  	s10 =	sld [smem:$0x3F86];
	_ =	sdelay $0x3  }
0x33: {  	p0 =	seq.s32 s10, $0x1;
	s10 =	sld [smem:$0x3F88];
	_ =	sdelay $0x3  }
0x34: {  	[smem:$0x3F88] =	sst s10  }
0x35: {  	s10 =	sld [smem:$0x3F87];
	_ =	sdelay $0x3  }
0x36: {  	p1 =	seq.s32 s10, $0x1;
	s10 =	sld [smem:$0x3F88];
	_ =	sdelay $0x3  }
0x37: {  	[smem:$0x3F88] =	sst s10  }
0x38: {  	s10 =	sld [smem:$0x3F89]  }
0x39: {  	_ = 	snop;
	(pc) =	sbr.ind lr, $3  }
0x3a: {  	_ = 	snop  }
0x3b: {  	_ = 	snop  }
0x3c: {  	p2 =	seq.s32 s10, $0x1;
	s10 =	sld [smem:$0x3F88]  }
0x3d: {  	_ =	shalt  }
0x3e: {  	_ =	shalt  }
0x3f: {  	_ =	shalt  }
0x40: {  	_ =	shalt  }
0x41: {  	_ =	shalt  }
0x42: {  	_ =	shalt  }
0x43: {  	_ =	shalt  }
0x44: {  	_ =	shalt  }
0x45: {  	_ =	shalt  }
0x46: {  	_ =	shalt  }
0x47: {  	_ =	shalt  }
0x48: {  	_ =	shalt  }
0x49: {  	_ =	shalt  }
0x4a: {  	_ =	shalt  }
0x4b: {  	_ =	shalt  }
0x4c: {  	_ =	shalt  }
0x4d: {  	_ =	shalt  }
0x4e: {  	_ =	shalt  }
0x4f: {  	_ =	shalt  }
0x50: {  	_ =	shalt  }
0x51: {  	_ =	shalt  }
0x52: {  	_ =	shalt  }
0x53: {  	_ =	shalt  }
0x54: {  	_ =	shalt  }
0x55: {  	_ =	shalt  }
0x56: {  	_ =	shalt  }
0x57: {  	_ =	shalt  }
0x58: {  	_ =	shalt  }
0x59: {  	_ =	shalt  }
0x5a: {  	_ =	shalt  }
0x5b: {  	_ =	shalt  }
0x5c: {  	_ =	shalt  }
0x5d: {  	_ =	shalt  }
0x5e: {  	_ =	shalt  }
0x5f: {  	_ =	shalt  }
0x60: {  	_ =	shalt  }
0x61: {  	_ =	shalt  }
0x62: {  	_ =	shalt  }
0x63: {  	_ =	shalt  }
0x64: {  	_ =	shalt  }
0x65: {  	_ =	shalt  }
0x66: {  	_ =	shalt  }
0x67: {  	_ =	shalt  }
0x68: {  	_ =	shalt  }
0x69: {  	_ =	shalt  }
0x6a: {  	_ =	shalt  }
0x6b: {  	_ =	shalt  }
0x6c: {  	_ =	shalt  }
0x6d: {  	_ =	shalt  }
0x6e: {  	_ =	shalt  }
0x6f: {  	_ =	shalt  }
0x70: {  	_ =	shalt  }
0x71: {  	_ =	shalt  }
0x72: {  	_ =	shalt  }
0x73: {  	_ =	shalt  }
0x74: {  	_ =	shalt  }
0x75: {  	_ =	shalt  }
0x76: {  	_ =	shalt  }
0x77: {  	_ =	shalt  }
0x78: {  	_ =	shalt  }
0x79: {  	_ =	shalt  }
0x7a: {  	_ =	shalt  }
0x7b: {  	_ =	shalt  }
0x7c: {  	_ =	shalt  }
0x7d: {  	_ =	shalt  }
0x7e: {  	_ =	shalt  }
0x7f: {  	_ =	shalt  }
0x80: {  	_ =	shalt  }
0x81: {  	_ =	shalt  }
0x82: {  	_ =	shalt  }
0x83: {  	_ =	shalt  }
0x84: {  	_ =	shalt  }
0x85: {  	_ =	shalt  }
0x86: {  	_ =	shalt  }
0x87: {  	_ =	shalt  }
.Lfunc_end0:
.L_simem_size_0:
called_computation.6_lowered:
.L_overlay_start_0:
0x88: {  	s2 =	sld [smem:$0x3FD9]  }
0x89: {  	s3 =	sld [smem:$0x3FFE];
	_ =	sdelay $0x1  }
0x8a: {  	s1 =	srdreg.scid  }
0x8b: {  	s0 =	sand.u32 $0x1, s1  }
0x8c: {  	s17 =	sshll.u32 s0, $0xA;
	s2 =	sadd.s32 s3, s2  }
0x8d: {  	s2 =	sadd.s32 s2, s17  }
0x8e: {  	[smem:$0x3F94] =	sst s2  }
0x8f: {  	_ = 	snop  }
0x90: {  	(tm) =	ssettm $0x1  }
0x91: {  	s18 =	sld [smem:$0x3FFB];
	_ =	sdelay $0x3  }
0x92: {  	_ =	strace s18  }
0x93: {  	s2 =	sld [smem:$0x3FFC];
	_ =	sdelay $0x3  }
0x94: {  	_ =	strace s2  }
0x95: {  	s2 =	sld [smem:$0x3FFD];
	_ =	sdelay $0x3  }
0x96: {  	_ =	strace s2  }
0x97: {  	_ =	strace $0x8FFFFFFF  }
0x98: {  	s19 =	sld [smem:$0x3FDB];
	_ =	sdelay $0x1  }
0x99: {  	s20 =	simm.s32 $_scs_section_size  }
0x9a: {  	s4 =	simm.s32 $_size__tile_overlayer_lowered;
	s5 =	simm.s32 $_tile_overlayer_lowered  }
0x9b: {  	s6 =	simm.s32 $0x1BFF;
	s21 =	sshll.u32 s5, $0x1;
	s3 =	sadd.s32 s20, s19  }
0x9c: {  	s22 =	simm.s32 $0x0;
	s4 =	sshll.u32 s4, $0x1;
	s5 =	sadd.s32 s21, s3  }
0x9d: {  	[timem:s22], [sflag:s6] =	dma.local [hbm:s5], s4  }
0x9e: {  	_ =	swait.ge [sflag:s6], s4  }
0x9f: {  	s4 =	ssub.s32 $0x0, s4;
	[sflag:s6] =	ssyncset.done $0x0  }
0xa0: {  	[sflag:s6] =	ssyncadd.s32 s4;
	_ =	sdelay $0x1  }
0xa1: {  	s23 =	simm.s32 $0x1B8B  }
0xa2: {  	_ =	swait.ge [sflag:s23], $0x1  }
0xa3: {  	[sflag:s23] =	ssyncset.done $0x0  }
0xa4: {  	[sflag:s23] =	ssyncadd.s32 $0xFFFFFFFF  }
0xa5: {  	s4 =	sld [smem:$0x0]  }
0xa6: {  	s5 =	sand.u32 $0xFFFFFFFE, s1  }
0xa7: {  	p0 =	sne.s32 s1, s5  }
0xa8: {  	s5 =	sshll.u32 @p0 s5, $0xE  }
0xa9: {  	s5 =	sadd.s32 @p0 $0x11B8D, s5;
	s6 =	sshll.u32 @p0 s4, $0x11  }
0xaa: {  	s5 =	sor.u32 @p0 s6, s5  }
0xab: {  	[sflag:s5] =	ssyncadd.remote.s32 @p0 $0x1;
	_ =	sdelay $0x1  }
0xac: {  	s5 =	simm.s32 @p0 $0x1B8D  }
0xad: {  	_ =	swait.eq @p0 [sflag:s5], $0x1  }
0xae: {  	[sflag:s5] =	ssyncadd.s32 @p0 $0xFFFFFFFF  }
0xaf: {  	s6 =	sshll.u32 @!p0 s1, $0xE  }
0xb0: {  	s6 =	sor.u32 @!p0 $0x4000, s6;
	s5 =	simm.s32 @!p0 $0x1B8D  }
0xb1: {  	s4 =	sshll.u32 @!p0 s4, $0x11;
	s6 =	sadd.s32 @!p0 $0x11B8D, s6;
	_ =	swait.eq @!p0 [sflag:s5], $0x1  }
0xb2: {  	s4 =	sor.u32 @!p0 s4, s6;
	[sflag:s5] =	ssyncadd.s32 @!p0 $0xFFFFFFFF  }
0xb3: {  	s25 =	simm.s32 $0x1B8E;
	s24 =	sld [smem:$0x3FFE];
	[sflag:s4] =	ssyncadd.remote.s32 @!p0 $0x1  }
0xb4: {  	s26 =	simm.s32 $execute0_lowered;
	[smem:$0x3FD2] =	sst s25  }
0xb5: {  	s5 =	sshll.u32 s26, $0x1;
	_ =	strace $0x8000004F;
	[dreg:$0x1] =	wrdreg $0xFFFFFFFF  }
0xb6: {  	s28 =	simm.s32 $_size_execute0_lowered;
	s3 =	sadd.s32 s3, s5;
	[dreg:$0x0] =	wrdreg $0x0  }
0xb7: {  	s5 =	sshll.u32 s28, $0x1;
	[dreg:$0x2] =	wrdreg s3  }
0xb8: {  	[dreg:$0x3] =	wrdreg s5  }
0xb9: {  	[dreg:$0x4] =	wrdreg $0xC0  }
0xba: {  	_ =	task [dreg:s22], $0x5FFFF  }
0xbb: {  	[dreg:$0x1] =	wrdreg $0xFFFFFFFF  }
0xbc: {  	[dreg:$0x0] =	wrdreg $0x60  }
0xbd: {  	[dreg:$0x2] =	wrdreg s24  }
0xbe: {  	[dreg:$0x3] =	wrdreg $0xA  }
0xbf: {  	_ =	task.clear_ibuf [dreg:s22], $0x4FFFF;
	_ =	strace $0x9000004F  }
0xc0: {  	s29 =	simm.s32 $0xA;
	_ =	strace $0x80000051  }
0xc1: {  	_ =	swait.ge [sflag:s29], $0x1  }
0xc2: {  	[sflag:s29] =	ssyncadd.s32 $0xFFFFFFFF  }
0xc3: {  	_ =	strace $0x90000051  }
0xc4: {  	_ =	sfence  }
0xc5: {  	s30 =	sld [smem:$0x0];
	_ =	sdelay $0x2  }
0xc6: {  	s31 =	sshll.u32 s1, $0xD;
	s1 =	sshrl.u32 s1, $0x2  }
0xc7: {  	s4 =	sand.u32 $0x4000, s31;
	s1 =	sadd.s32 s1, s30  }
0xc8: {  	s0 =	sor.u32 s4, s0;
	s1 =	sshll.u32 s1, $0x11  }
0xc9: {  	s0 =	sor.u32 s1, s0  }
0xca: {  	s0 =	sadd.s32 $0x8F2B, s0  }
0xcb: {  	[sflag:s0] =	ssyncadd.remote.s32 $0x1  }
0xcc: {  	_ =	sfence.sel $0xFFFF  }
0xcd: {  	[dreg:$0x0] =	wrdreg $0xFFFFFFFF;
	(pc) =	sbr.abs _section_cstart, $3  }
0xce: {  	[dreg:$0x1] =	wrdreg $0xFFFFFFFF  }
0xcf: {  	_ =	task.clear_ibuf [dreg:s22], $0x2FFFF;
	_ =	strace $0x9FFFFFFF  }
0xd0: {  	(tm) =	ssettm $0x7FFFFFFF  }
0xd1: {  	_ =	shalt  }
tec
execute0_lowered:
.L_overlay_start_1:
0x0: {  	(tag) =	ssettag $0x1  }
0x1: {  	s4 =	rddreg [dreg:$0x0]  }
0x2: {  	s0 =	rddreg [dreg:$0x1];
	s2 =	simm.s32 $0x0;
	s3 =	srdreg.scid  }
0x3: {  	s1 =	stileid.u32;
	s10 =	simm.s32 $0x0;
	[smem:$0x7FF] =	sst s2  }
0x4: {  	s5 =	sand.u32 $0x1, s3;
	s6 =	sshll.u32 s1, $0xD;
	s3 =	sadd.s32 $0xD400, s4  }
0x5: {  	s8 =	sshll.u32 s1, $0xE;
	_ =	strace $0x80000050;
	s7 =	sshll.u32 s5, $0xC  }
0x6: {  	s31 =	ssub.s32 $0x2, s5;
	s8 =	sadd.s32 s8, s4;
	s5 =	sshll.u32 s5, $0xD  }
0x7: {  	s6 =	sor.u32 s7, s6;
	s9 =	sshrl.u32 s31, $0x1;
	s5 =	sadd.s32 s5, s8  }
0x8: {  	s8 =	simm.s32 $0x80;
	s6 =	sshrl.u32 s6, $0x3;
	s7 =	ssub.s32 s31, s9  }
0x9: {  	s5 =	sadd.s32 $0x45400, s5;
	s9 =	simm.s32 $0x1;
	s6 =	sadd.s32 s6, s4  }
0xa: {  	s4 =	smax.u32 s7, $0x1;
	s7 =	simm.s32 $0x2;
	s6 =	sadd.s32 $0x11400, s6  }
.LBB2_1:
0xb: {  	s11 =	sadd.s32 $0x0, s6  }
0xc: {  	[tilespmem:s2], [sflag:$0x2] =	stream.linear.gather [hbm4b:s11+s2], $0x80, $0x38;
	[tilespmem:$0x880] =	vst v63  }
0xd: {  	_ =	swait.ge [sflag:s7], $0x80  }
0xe: {  	[sflag:s7] =	ssyncset.done $0x0  }
0xf: {  	[sflag:s7] =	ssyncadd.s32 $0xFFFFFF80  }
0x10: {  	[tilespmem:s8], [sflag:$0x1] =	stream.indirect.gather [hbm4b:s3+s8], $0x10, s2, s8, $0xb8;
	[tilespmem:$0x880] =	vst v63  }
0x11: {  	_ =	swait.ge [sflag:s9], $0x800  }
0x12: {  	[sflag:s9] =	ssyncset.done $0x0  }
0x13: {  	[sflag:s9] =	ssyncadd.s32 $0xFFFFF800  }
0x14: {  	[hbm4b:s5+s2] =	stream.linear.scatter [tilespmem:s8], [sflag:$0x2], $0x800, $0x38;
	[tilespmem:$0x880] =	vst v63  }
0x15: {  	s12 =	simm.s32 $0x10;
	_ =	swait.ge [sflag:s7], $0x800  }
0x16: {  	s13 =	simm.s32 $0x20;
	s11 =	sadd.s32 $0x100, s5;
	[sflag:s7] =	ssyncset.done $0x0  }
.LBB2_2:
0x17: {  	s14 =	sadd.s32 s12, s6  }
0x18: {  	[sflag:s7] =	ssyncadd.s32 $0xFFFFF800;
	s12 =	smov.u32 s13;
	s15 =	sadd.s32 $0x10, s13  }
0x19: {  	[tilespmem:s2], [sflag:$0x2] =	stream.linear.gather [hbm4b:s14+s2], $0x80, $0x38;
	[tilespmem:$0x880] =	vst v63  }
0x1a: {  	p0 =	sne.s32 s13, $0x1F0;
	_ =	swait.ge [sflag:s7], $0x80  }
0x1b: {  	[sflag:s7] =	ssyncset.done $0x0  }
0x1c: {  	[sflag:s7] =	ssyncadd.s32 $0xFFFFFF80  }
0x1d: {  	[tilespmem:s8], [sflag:$0x1] =	stream.indirect.gather [hbm4b:s3+s8], $0x10, s2, s8, $0xb8;
	[tilespmem:$0x880] =	vst v63  }
0x1e: {  	_ =	swait.ge [sflag:s9], $0x800  }
.Ltmp0:
0x1f: {  	[sflag:s9] =	ssyncset.done $0x0;
	(pc) =	sbr.rel @p0 .LBB2_2-.Ltmp0, $4  }
0x20: {  	[sflag:s9] =	ssyncadd.s32 $0xFFFFF800  }
0x21: {  	[hbm4b:s11+s2] =	stream.linear.scatter [tilespmem:s8], [sflag:$0x2], $0x800, $0x38;
	[tilespmem:$0x880] =	vst v63  }
0x22: {  	_ =	swait.ge [sflag:s7], $0x800  }
0x23: {  	s13 =	smov.u32 s15;
	s11 =	sadd.s32 $0x100, s11;
	[sflag:s7] =	ssyncset.done $0x0  }
0x24: {  	s12 =	sadd.s32 s12, s6;
	[sflag:s7] =	ssyncadd.s32 $0xFFFFF800  }
0x25: {  	[tilespmem:s2], [sflag:$0x2] =	stream.linear.gather [hbm4b:s12+s2], $0x80, $0x38;
	[tilespmem:$0x880] =	vst v63  }
0x26: {  	_ =	swait.ge [sflag:s7], $0x80  }
0x27: {  	[sflag:s7] =	ssyncset.done $0x0  }
0x28: {  	[sflag:s7] =	ssyncadd.s32 $0xFFFFFF80  }
0x29: {  	[tilespmem:s8], [sflag:$0x1] =	stream.indirect.gather [hbm4b:s3+s8], $0x10, s2, s8, $0xb8;
	[tilespmem:$0x880] =	vst v63  }
0x2a: {  	s10 =	sadd.s32 $0x1, s10;
	_ =	swait.ge [sflag:s9], $0x800  }
0x2b: {  	p0 =	sne.s32 s10, s4;
	[sflag:s9] =	ssyncset.done $0x0  }
.Ltmp1:
0x2c: {  	[sflag:s9] =	ssyncadd.s32 $0xFFFFF800;
	(pc) =	sbr.rel @p0 .LBB2_1-.Ltmp1, $4  }
0x2d: {  	[hbm4b:s11+s2] =	stream.linear.scatter [tilespmem:s8], [sflag:$0x2], $0x800, $0x38;
	[tilespmem:$0x880] =	vst v63  }
0x2e: {  	_ =	swait.ge [sflag:s7], $0x800  }
0x2f: {  	[sflag:s7] =	ssyncset.done $0x0  }
0x30: {  	[sflag:s7] =	ssyncadd.s32 $0xFFFFF800  }
0x31: {  	_ =	sfence.sel $0x180000  }
0x32: {  	[bflag:$0x0] =	sbarrier.arrive $0xFFFF  }
0x33: {  	p0 =	sne.s32 s1, $0x0;
	_ =	strace $0x90000050  }
0x34: {  	s0 =	sadd.s32 @!p0 $0x100000, s0;
	[bflag:$0x2] =	sbarrier.arrive $0xFFFF  }
0x35: {  	[sflag:s0] =	ssyncadd.tile.s32 @!p0 $0x1;
	_ =	shalt  }
.Lfunc_end2:
_tile_overlayer_lowered:
.L_overlay_start_2:
0x36: {  	(tag) =	ssettag $0x2  }
0x37: {  	s0 =	rddreg [dreg:$0x0];
	s2 =	stileid.u32  }
0x38: {  	s1 =	rddreg [dreg:$0x1];
	p0 =	sne.s32 s2, $0x0  }
0x39: {  	s3 =	rddreg [dreg:$0x2];
	[bflag:$0x3] =	sbarrier.arrive $0xFFFF;
	s2 =	simm.s32 @!p0 $0x1C02  }
0x3a: {  	[timem:s3], [sflag:s2] =	dma.local @!p0 [hbm:s0], s1  }
0x3b: {  	s0 =	simm.s32 @!p0 $0x2  }
0x3c: {  	_ =	swait.ge @!p0 [sflag:s0], s1  }
0x3d: {  	s1 =	ssub.s32 @!p0 $0x0, s1;
	[sflag:s0] =	ssyncset.done @!p0 $0x0  }
0x3e: {  	[sflag:s0] =	ssyncadd.s32 @!p0 s1  }
0x3f: {  	[bflag:$0x3] =	sbarrier.arrive $0xFFFF  }
0x40: {  	_ =	shalt  }

</sc_bundles>
